<compile_context>
chip_gen: v7x
topology: tpu7x:2x2x1
jax: 0.10.2.dev20260603
libtpu: 0.0.44.dev20260713+nightly
codegen_flags: <defaults>
</compile_context>

<pallas_src>
import jax
import jax.numpy as jnp
from jax import lax
from jax.experimental import pallas as pl
from jax.experimental.pallas import tpu as pltpu
from jax.experimental.pallas import tpu_sc as plsc

B = 16384
V = 1000000
D = 32
F = 53
NC = 2
NS = 16
NW = NC * NS
BPW = B // NW
C = 32
NCHUNK = BPW // C
CF = C * F

_mesh = plsc.VectorSubcoreMesh(core_axis_name="c", subcore_axis_name="s")


def _fm_body(idx_hbm, table_hbm, w_hbm, bias_hbm,
             logit_hbm, user_hbm, item_hbm,
             idx_v0, idx_v1, rows_v0, rows_v1, w_v0, w_v1,
             uo_v, io_v, lo_v, so_v, bias_v,
             isem0, isem1, gsem0, gsem1):
  wid = lax.axis_index("s") * NC + lax.axis_index("c")
  ebase = wid * BPW

  idx_vs = (idx_v0, idx_v1)
  rows_vs = (rows_v0, rows_v1)
  w_vs = (w_v0, w_v1)
  isems = (isem0, isem1)
  gsems = (gsem0, gsem1)

  pltpu.sync_copy(bias_hbm, bias_v)

  def idx_src(c):
    return idx_hbm.at[pl.ds((ebase + c * C) * F, CF)]

  def fire_gather(par):
    pltpu.async_copy(table_hbm.at[idx_vs[par]], rows_vs[par], gsems[par])
    pltpu.async_copy(w_hbm.at[idx_vs[par]], w_vs[par].at[pl.ds(0, CF)],
                     gsems[par])

  def wait_idx(par):
    pltpu.make_async_copy(idx_src(0), idx_vs[par], isems[par]).wait()

  def wait_gather(par):
    pltpu.make_async_copy(table_hbm.at[idx_vs[par]], rows_vs[par],
                          gsems[par]).wait()
    pltpu.make_async_copy(w_hbm.at[idx_vs[par]], w_vs[par].at[pl.ds(0, CF)],
                          gsems[par]).wait()

  pltpu.async_copy(idx_src(0), idx_vs[0], isems[0])
  pltpu.async_copy(idx_src(1), idx_vs[1], isems[1])
  wait_idx(0)
  fire_gather(0)

  iota = lax.iota(jnp.int32, 16)
  wmask = iota < (F - 48)
  perms = [jnp.bitwise_xor(iota, sh) for sh in (1, 2, 4, 8)]
  zero = jnp.zeros((16,), jnp.float32)

  _dnums = lax.GatherDimensionNumbers(
      offset_dims=(), collapsed_slice_dims=(0,), start_index_map=(0,))

  def xlane_sum(x):
    for p in perms:
      x = x + lax.gather(x, p.reshape(16, 1), _dnums, (1,),
                         mode=lax.GatherScatterMode.PROMISE_IN_BOUNDS)
    return x

  def compute(c, par):
    rows = rows_vs[par]
    wv = w_vs[par]

    def ebody(e, acc):
      r = e * F

      def accum(j, u0, u1, q0, q1):
        v0 = rows[r + j, pl.ds(0, 16)]
        v1 = rows[r + j, pl.ds(16, 16)]
        return u0 + v0, u1 + v1, q0 + v0 * v0, q1 + v1 * v1

      u0 = u1 = q0 = q1 = zero
      for j in range(51):
        u0, u1, q0, q1 = accum(j, u0, u1, q0, q1)
      i0 = i1 = zero
      for j in range(51, 53):
        i0, i1, q0, q1 = accum(j, i0, i1, q0, q1)

      s0 = u0 + i0
      s1 = u1 + i1
      t = (s0 * s0 - q0) + (s1 * s1 - q1)

      w0 = wv[pl.ds(r, 16)]
      w1 = wv[pl.ds(r + 16, 16)]
      w2 = wv[pl.ds(r + 32, 16)]
      w3 = jnp.where(wmask, wv[pl.ds(r + 48, 16)], 0.0)

      x = xlane_sum(0.5 * t + ((w0 + w1) + (w2 + w3)))
      acc = jnp.where(iota == (e & 15), x, acc)

      @pl.when((e & 15) == 15)
      def _():
        so_v[pl.ds(e - 15, 16)] = acc

      uo_v[pl.ds(e * D, 16)] = u0
      uo_v[pl.ds(e * D + 16, 16)] = u1
      io_v[pl.ds(e * D, 16)] = i0
      io_v[pl.ds(e * D + 16, 16)] = i1
      return acc

    lax.fori_loop(0, C, ebody, zero)

    bvec = bias_v[pl.ds(0, 16)]
    for k in range(C // 16):
      xv = so_v[pl.ds(k * 16, 16)] + bvec
      lo_v[pl.ds(k * 16, 16)] = 1.0 / (1.0 + jnp.exp(-xv))

    obase = ebase + c * C
    pltpu.sync_copy(uo_v, user_hbm.at[pl.ds(obase * D, C * D)])
    pltpu.sync_copy(io_v, item_hbm.at[pl.ds(obase * D, C * D)])
    pltpu.sync_copy(lo_v, logit_hbm.at[pl.ds(obase, C)])

  def step_body(step, _):
    for par in range(2):
      c = step * 2 + par

      @pl.when(c + 1 < NCHUNK)
      def _():
        wait_idx(1 - par)
        fire_gather(1 - par)

      wait_gather(par)

      @pl.when(c + 2 < NCHUNK)
      def _():
        pltpu.async_copy(idx_src(c + 2), idx_vs[par], isems[par])

      compute(c, par)
    return 0

  lax.fori_loop(0, NCHUNK // 2, step_body, 0)


_fm_kernel = pl.kernel(
    _fm_body,
    out_type=(
        jax.ShapeDtypeStruct((B,), jnp.float32),
        jax.ShapeDtypeStruct((B * D,), jnp.float32),
        jax.ShapeDtypeStruct((B * D,), jnp.float32),
    ),
    mesh=_mesh,
    compiler_params=pltpu.CompilerParams(use_tc_tiling_on_sc=False),
    scratch_types=[
        pltpu.VMEM((CF,), jnp.int32),
        pltpu.VMEM((CF,), jnp.int32),
        pltpu.VMEM((CF, D), jnp.float32),
        pltpu.VMEM((CF, D), jnp.float32),
        pltpu.VMEM((CF + 16,), jnp.float32),
        pltpu.VMEM((CF + 16,), jnp.float32),
        pltpu.VMEM((C * D,), jnp.float32),
        pltpu.VMEM((C * D,), jnp.float32),
        pltpu.VMEM((C,), jnp.float32),
        pltpu.VMEM((C,), jnp.float32),
        pltpu.VMEM((16,), jnp.float32),
        pltpu.SemaphoreType.DMA,
        pltpu.SemaphoreType.DMA,
        pltpu.SemaphoreType.DMA,
        pltpu.SemaphoreType.DMA,
    ],
)


@jax.jit
def _run(user_id, user_hist, item_id, item_cat, embed_table, w_table, bias):
  idx = jnp.concatenate(
      [user_id, user_hist, item_id, item_cat], axis=1
  ).astype(jnp.int32).reshape(B * F)
  w_flat = w_table.reshape(V)
  bias16 = jnp.broadcast_to(bias.astype(jnp.float32), (16,))
  table_lin = lax.optimization_barrier(
      embed_table.reshape(V * D)).reshape(V, D)
  logit, user_flat, item_flat = _fm_kernel(idx, table_lin, w_flat, bias16)
  return (logit.reshape(B, 1), user_flat.reshape(B, D),
          item_flat.reshape(B, D))


def kernel(user_id, user_hist, item_id, item_cat, embed_table, w_table, bias):
  return _run(user_id, user_hist, item_id, item_cat, embed_table, w_table,
              bias)

# --- scband reference (transcript-rebuilt; emitter-appended) ---
"""Pipeline reference for scband-fmlayer-82386062672080 (READ-ONLY COPY).

The authoritative reference and input builder live on the scoring server;
editing this copy changes nothing except your own understanding.
"""

import jax, jax.numpy as jnp
import numpy as np

B = 16384
V = 1000000
D = 32
HIST = 50

def setup_inputs(seed: int = 0) -> dict:
    key = jax.random.key(seed)
    ks = jax.random.split(key, 7)
    user_id = jax.random.randint(ks[0], (B, 1), 0, V)
    user_hist = jax.random.randint(ks[1], (B, HIST), 0, V)
    item_id = jax.random.randint(ks[2], (B, 1), 0, V)
    item_cat = jax.random.randint(ks[3], (B, 1), 0, V)
    embed_table = jax.random.normal(ks[4], (V, D), dtype=jnp.float32) * 0.05
    w_table = jax.random.normal(ks[5], (V, 1), dtype=jnp.float32) * 0.05
    bias = jax.random.normal(ks[6], (1,), dtype=jnp.float32) * 0.05
    return {"user_id": user_id, "user_hist": user_hist, "item_id": item_id,
            "item_cat": item_cat, "embed_table": embed_table, "w_table": w_table,
            "bias": bias}

def reference(user_id, user_hist, item_id, item_cat, embed_table, w_table, bias):
    # dict iteration order in the original module: user_id, user_hist, item_id, item_cat
    feats = [user_id, user_hist, item_id, item_cat]
    emb_list = [jnp.take(embed_table, v, axis=0) for v in feats]   # each [B, L_f, D]
    w_list = [jnp.take(w_table, v, axis=0) for v in feats]         # each [B, L_f, 1]
    emb_cat = jnp.concatenate(emb_list, axis=1)                    # [B, 53, D]
    w_cat = jnp.concatenate(w_list, axis=1)                        # [B, 53, 1]
    first_order = jnp.sum(w_cat, axis=1) + bias                    # [B, 1]
    sum_square = jnp.square(jnp.sum(emb_cat, axis=1))              # [B, D]
    square_sum = jnp.sum(jnp.square(emb_cat), axis=1)              # [B, D]
    second_order = 0.5 * jnp.sum(sum_square - square_sum, axis=1, keepdims=True)  # [B, 1]
    logit = jax.nn.sigmoid(second_order + first_order)             # [B, 1]
    user_emb = jnp.sum(jnp.concatenate([emb_list[0], emb_list[1]], axis=1), axis=1)  # [B, D]
    item_emb = jnp.sum(jnp.concatenate([emb_list[2], emb_list[3]], axis=1), axis=1)  # [B, D]
    return (logit, user_emb, item_emb)

if __name__ == "__main__":
    import jax
    _d = setup_inputs()
    print(jax.jit(kernel)(*tuple(_d.values())))

</pallas_src>

<mosaic_0001>
#map = affine_map<(d0, d1) -> (0)>
#map1 = affine_map<(d0, d1) -> (0, 0)>
module attributes {stable_mosaic.version = 14 : i64} {
  func.func @_fm_body(%arg0: i32, %arg1: i32, %arg2: memref<868352xi32, #tpu.memory_space<hbm>>, %arg3: memref<1000000x32xf32, #tpu.memory_space<hbm>>, %arg4: memref<1000000xf32, #tpu.memory_space<hbm>>, %arg5: memref<16xf32, #tpu.memory_space<hbm>>, %arg6: memref<16384xf32, #tpu.memory_space<hbm>>, %arg7: memref<524288xf32, #tpu.memory_space<hbm>>, %arg8: memref<524288xf32, #tpu.memory_space<hbm>>, %arg9: memref<1696xi32, #tpu.memory_space<vmem>>, %arg10: memref<1696xi32, #tpu.memory_space<vmem>>, %arg11: memref<1696x32xf32, #tpu.memory_space<vmem>>, %arg12: memref<1696x32xf32, #tpu.memory_space<vmem>>, %arg13: memref<1712xf32, #tpu.memory_space<vmem>>, %arg14: memref<1712xf32, #tpu.memory_space<vmem>>, %arg15: memref<1024xf32, #tpu.memory_space<vmem>>, %arg16: memref<1024xf32, #tpu.memory_space<vmem>>, %arg17: memref<32xf32, #tpu.memory_space<vmem>>, %arg18: memref<32xf32, #tpu.memory_space<vmem>>, %arg19: memref<16xf32, #tpu.memory_space<vmem>>, %arg20: memref<!tpu.dma_semaphore, #tpu.memory_space<semaphore_mem>>, %arg21: memref<!tpu.dma_semaphore, #tpu.memory_space<semaphore_mem>>, %arg22: memref<!tpu.dma_semaphore, #tpu.memory_space<semaphore_mem>>, %arg23: memref<!tpu.dma_semaphore, #tpu.memory_space<semaphore_mem>>) attributes {dimension_semantics = [#tpu.dimension_semantics<core_parallel>, #tpu.dimension_semantics<subcore_parallel>], iteration_bounds = array<i64: 2, 16>, scalar_prefetch = 0 : i64, scratch_operands = 15 : i64, tpu.core_type = #tpu.core_type<sc_vector_subcore>, window_params = [{transform_indices = #map}, {transform_indices = #map1}, {transform_indices = #map}, {transform_indices = #map}, {transform_indices = #map}, {transform_indices = #map}, {transform_indices = #map}]} {
    %mul3A = arith.constant 2 : i32
    %mul3A_0 = arith.muli %arg1, %mul3A : i32
    %add3A = arith.addi %mul3A_0, %arg0 : i32
    %mul3A_1 = arith.constant 512 : i32
    %mul3A_2 = arith.muli %add3A, %mul3A_1 : i32
    "tpu.region"() ({
      %run_scoped3A = tpu.sem_alloc : memref<!tpu.dma_semaphore, #tpu.memory_space<semaphore_mem>>
      tpu.enqueue_dma source(%arg5 : memref<16xf32, #tpu.memory_space<hbm>>) target(%arg19 : memref<16xf32, #tpu.memory_space<vmem>>) target_semaphore(%run_scoped3A : memref<!tpu.dma_semaphore, #tpu.memory_space<semaphore_mem>>)
      tpu.wait_dma2 semaphore(%run_scoped3A : memref<!tpu.dma_semaphore, #tpu.memory_space<semaphore_mem>>) src(%arg5 : memref<16xf32, #tpu.memory_space<hbm>>) dst(%arg19 : memref<16xf32, #tpu.memory_space<vmem>>)
      tpu.yield
    }) : () -> ()
    %add3A_3 = arith.constant 0 : i32
    %add3A_4 = arith.addi %mul3A_2, %add3A_3 : i32
    %mul3A_5 = arith.constant 53 : i32
    %mul3A_6 = arith.muli %add3A_4, %mul3A_5 : i32
    %dma_start3A = tpu.memref_slice %arg2[%mul3A_6] : memref<868352xi32, #tpu.memory_space<hbm>> -> memref<1696xi32, #tpu.memory_space<hbm>>
    %dma_start3A_7 = tpu.memref_slice %arg2[%mul3A_6] : memref<868352xi32, #tpu.memory_space<hbm>> -> memref<1696xi32, #tpu.memory_space<hbm>>
    tpu.enqueue_dma source(%dma_start3A_7 : memref<1696xi32, #tpu.memory_space<hbm>>) target(%arg9 : memref<1696xi32, #tpu.memory_space<vmem>>) target_semaphore(%arg20 : memref<!tpu.dma_semaphore, #tpu.memory_space<semaphore_mem>>)
    %add3A_8 = arith.constant 32 : i32
    %add3A_9 = arith.addi %mul3A_2, %add3A_8 : i32
    %mul3A_10 = arith.constant 53 : i32
    %mul3A_11 = arith.muli %add3A_9, %mul3A_10 : i32
    %dma_start3A_12 = tpu.memref_slice %arg2[%mul3A_11] : memref<868352xi32, #tpu.memory_space<hbm>> -> memref<1696xi32, #tpu.memory_space<hbm>>
    %dma_start3A_13 = tpu.memref_slice %arg2[%mul3A_11] : memref<868352xi32, #tpu.memory_space<hbm>> -> memref<1696xi32, #tpu.memory_space<hbm>>
    tpu.enqueue_dma source(%dma_start3A_13 : memref<1696xi32, #tpu.memory_space<hbm>>) target(%arg10 : memref<1696xi32, #tpu.memory_space<vmem>>) target_semaphore(%arg21 : memref<!tpu.dma_semaphore, #tpu.memory_space<semaphore_mem>>)
    %add3A_14 = arith.constant 0 : i32
    %add3A_15 = arith.addi %mul3A_2, %add3A_14 : i32
    %mul3A_16 = arith.constant 53 : i32
    %mul3A_17 = arith.muli %add3A_15, %mul3A_16 : i32
    %dma_wait3A = tpu.memref_slice %arg2[%mul3A_17] : memref<868352xi32, #tpu.memory_space<hbm>> -> memref<1696xi32, #tpu.memory_space<hbm>>
    %dma_wait3A_18 = tpu.memref_slice %arg2[%mul3A_17] : memref<868352xi32, #tpu.memory_space<hbm>> -> memref<1696xi32, #tpu.memory_space<hbm>>
    tpu.wait_dma2 semaphore(%arg20 : memref<!tpu.dma_semaphore, #tpu.memory_space<semaphore_mem>>) src(%dma_wait3A_18 : memref<1696xi32, #tpu.memory_space<hbm>>) dst(%arg9 : memref<1696xi32, #tpu.memory_space<vmem>>)
    %dma_start3A_19 = arith.constant 0 : i32
    %dma_start3A_20 = arith.constant 0 : i32
    %dma_start3A_21 = tpu.memref_slice %arg3[%dma_start3A_19, %dma_start3A_20] : memref<1000000x32xf32, #tpu.memory_space<hbm>> -> memref<1000000x32xf32, #tpu.memory_space<hbm>>
    tpu.enqueue_indirect_dma source(%dma_start3A_21 : memref<1000000x32xf32, #tpu.memory_space<hbm>>) target(%arg11 : memref<1696x32xf32, #tpu.memory_space<vmem>>) offsets(%arg9 : memref<1696xi32, #tpu.memory_space<vmem>>) semaphore(%arg22 : memref<!tpu.dma_semaphore, #tpu.memory_space<semaphore_mem>>)
    %dma_start3A_22 = arith.constant 0 : i32
    %dma_start3A_23 = tpu.memref_slice %arg13[%dma_start3A_22] : memref<1712xf32, #tpu.memory_space<vmem>> -> memref<1696xf32, #tpu.memory_space<vmem>>
    %dma_start3A_24 = arith.constant 0 : i32
    %dma_start3A_25 = tpu.memref_slice %arg4[%dma_start3A_24] : memref<1000000xf32, #tpu.memory_space<hbm>> -> memref<1000000xf32, #tpu.memory_space<hbm>>
    tpu.enqueue_indirect_dma source(%dma_start3A_25 : memref<1000000xf32, #tpu.memory_space<hbm>>) target(%dma_start3A_23 : memref<1696xf32, #tpu.memory_space<vmem>>) offsets(%arg9 : memref<1696xi32, #tpu.memory_space<vmem>>) semaphore(%arg22 : memref<!tpu.dma_semaphore, #tpu.memory_space<semaphore_mem>>)
    %iota3A = tpu.iota {dimensions = array<i32: 0>} : vector<16xi32>
    %lt3A = arith.constant 5 : i32
    %lt3A_26 = vector.broadcast %lt3A : i32 to vector<16xi32>
    %lt3A_27 = arith.cmpi slt, %iota3A, %lt3A_26 : vector<16xi32>
    %xor3A = arith.constant 1 : i32
    %xor3A_28 = vector.broadcast %xor3A : i32 to vector<16xi32>
    %xor3A_29 = arith.xori %iota3A, %xor3A_28 : vector<16xi32>
    %xor3A_30 = arith.constant 2 : i32
    %xor3A_31 = vector.broadcast %xor3A_30 : i32 to vector<16xi32>
    %xor3A_32 = arith.xori %iota3A, %xor3A_31 : vector<16xi32>
    %xor3A_33 = arith.constant 4 : i32
    %xor3A_34 = vector.broadcast %xor3A_33 : i32 to vector<16xi32>
    %xor3A_35 = arith.xori %iota3A, %xor3A_34 : vector<16xi32>
    %xor3A_36 = arith.constant 8 : i32
    %xor3A_37 = vector.broadcast %xor3A_36 : i32 to vector<16xi32>
    %xor3A_38 = arith.xori %iota3A, %xor3A_37 : vector<16xi32>
    %broadcast_in_dim3A = arith.constant 0.000000e+00 : f32
    %broadcast_in_dim3A_39 = vector.broadcast %broadcast_in_dim3A : f32 to vector<16xf32>
    %scan3A = arith.constant 0 : i32
    %scan3A_40 = arith.constant 0 : i32
    %scan3A_41 = arith.constant 8 : i32
    %scan3A_42 = arith.addi %scan3A_40, %scan3A_41 : i32
    %scan3A_43 = arith.constant 1 : i32
    %scan3A_44 = scf.for %scan3A_46 = %scan3A_40 to %scan3A_42 step %scan3A_43 iter_args(%scan3A_47 = %scan3A) -> (i32)  : i32 {
      %mul3A_48 = arith.constant 2 : i32
      %mul3A_49 = arith.muli %scan3A_46, %mul3A_48 : i32
      %add3A_50 = arith.constant 0 : i32
      %add3A_51 = arith.addi %mul3A_49, %add3A_50 : i32
      %add3A_52 = arith.constant 1 : i32
      %add3A_53 = arith.addi %add3A_51, %add3A_52 : i32
      %lt3A_54 = arith.constant 16 : i32
      %lt3A_55 = arith.cmpi slt, %add3A_53, %lt3A_54 : i32
      %convert_element_type3A = arith.extui %lt3A_55 : i1 to i32
      %cond3A = arith.constant 0 : i32
      %cond3A_56 = arith.cmpi ne, %convert_element_type3A, %cond3A : i32
      scf.if %cond3A_56 {
        %add3A_196 = arith.constant 0 : i32
        %add3A_197 = arith.addi %mul3A_2, %add3A_196 : i32
        %mul3A_198 = arith.constant 53 : i32
        %mul3A_199 = arith.muli %add3A_197, %mul3A_198 : i32
        %dma_wait3A_200 = tpu.memref_slice %arg2[%mul3A_199] : memref<868352xi32, #tpu.memory_space<hbm>> -> memref<1696xi32, #tpu.memory_space<hbm>>
        %dma_wait3A_201 = tpu.memref_slice %arg2[%mul3A_199] : memref<868352xi32, #tpu.memory_space<hbm>> -> memref<1696xi32, #tpu.memory_space<hbm>>
        tpu.wait_dma2 semaphore(%arg21 : memref<!tpu.dma_semaphore, #tpu.memory_space<semaphore_mem>>) src(%dma_wait3A_201 : memref<1696xi32, #tpu.memory_space<hbm>>) dst(%arg10 : memref<1696xi32, #tpu.memory_space<vmem>>)
        %dma_start3A_202 = arith.constant 0 : i32
        %dma_start3A_203 = arith.constant 0 : i32
        %dma_start3A_204 = tpu.memref_slice %arg3[%dma_start3A_202, %dma_start3A_203] : memref<1000000x32xf32, #tpu.memory_space<hbm>> -> memref<1000000x32xf32, #tpu.memory_space<hbm>>
        tpu.enqueue_indirect_dma source(%dma_start3A_204 : memref<1000000x32xf32, #tpu.memory_space<hbm>>) target(%arg12 : memref<1696x32xf32, #tpu.memory_space<vmem>>) offsets(%arg10 : memref<1696xi32, #tpu.memory_space<vmem>>) semaphore(%arg23 : memref<!tpu.dma_semaphore, #tpu.memory_space<semaphore_mem>>)
        %dma_start3A_205 = arith.constant 0 : i32
        %dma_start3A_206 = tpu.memref_slice %arg14[%dma_start3A_205] : memref<1712xf32, #tpu.memory_space<vmem>> -> memref<1696xf32, #tpu.memory_space<vmem>>
        %dma_start3A_207 = arith.constant 0 : i32
        %dma_start3A_208 = tpu.memref_slice %arg4[%dma_start3A_207] : memref<1000000xf32, #tpu.memory_space<hbm>> -> memref<1000000xf32, #tpu.memory_space<hbm>>
        tpu.enqueue_indirect_dma source(%dma_start3A_208 : memref<1000000xf32, #tpu.memory_space<hbm>>) target(%dma_start3A_206 : memref<1696xf32, #tpu.memory_space<vmem>>) offsets(%arg10 : memref<1696xi32, #tpu.memory_space<vmem>>) semaphore(%arg23 : memref<!tpu.dma_semaphore, #tpu.memory_space<semaphore_mem>>)
      } else {
      }
      %dma_wait3A_57 = arith.constant 0 : i32
      %dma_wait3A_58 = arith.constant 0 : i32
      %dma_wait3A_59 = tpu.memref_slice %arg3[%dma_wait3A_57, %dma_wait3A_58] : memref<1000000x32xf32, #tpu.memory_space<hbm>> -> memref<1000000x32xf32, #tpu.memory_space<hbm>>
      tpu.wait_indirect_dma semaphore(%arg22 : memref<!tpu.dma_semaphore, #tpu.memory_space<semaphore_mem>>) src(%dma_wait3A_59 : memref<1000000x32xf32, #tpu.memory_space<hbm>>) dst(%arg11 : memref<1696x32xf32, #tpu.memory_space<vmem>>)
      %dma_wait3A_60 = arith.constant 0 : i32
      %dma_wait3A_61 = tpu.memref_slice %arg13[%dma_wait3A_60] : memref<1712xf32, #tpu.memory_space<vmem>> -> memref<1696xf32, #tpu.memory_space<vmem>>
      %dma_wait3A_62 = arith.constant 0 : i32
      %dma_wait3A_63 = tpu.memref_slice %arg4[%dma_wait3A_62] : memref<1000000xf32, #tpu.memory_space<hbm>> -> memref<1000000xf32, #tpu.memory_space<hbm>>
      tpu.wait_indirect_dma semaphore(%arg22 : memref<!tpu.dma_semaphore, #tpu.memory_space<semaphore_mem>>) src(%dma_wait3A_63 : memref<1000000xf32, #tpu.memory_space<hbm>>) dst(%dma_wait3A_61 : memref<1696xf32, #tpu.memory_space<vmem>>)
      %add3A_64 = arith.constant 2 : i32
      %add3A_65 = arith.addi %add3A_51, %add3A_64 : i32
      %lt3A_66 = arith.constant 16 : i32
      %lt3A_67 = arith.cmpi slt, %add3A_65, %lt3A_66 : i32
      %convert_element_type3A_68 = arith.extui %lt3A_67 : i1 to i32
      %cond3A_69 = arith.constant 0 : i32
      %cond3A_70 = arith.cmpi ne, %convert_element_type3A_68, %cond3A_69 : i32
      scf.if %cond3A_70 {
        %add3A_196 = arith.constant 2 : i32
        %add3A_197 = arith.addi %add3A_51, %add3A_196 : i32
        %mul3A_198 = arith.constant 32 : i32
        %mul3A_199 = arith.muli %add3A_197, %mul3A_198 : i32
        %add3A_200 = arith.addi %mul3A_2, %mul3A_199 : i32
        %mul3A_201 = arith.constant 53 : i32
        %mul3A_202 = arith.muli %add3A_200, %mul3A_201 : i32
        %dma_start3A_203 = tpu.memref_slice %arg2[%mul3A_202] : memref<868352xi32, #tpu.memory_space<hbm>> -> memref<1696xi32, #tpu.memory_space<hbm>>
        %dma_start3A_204 = tpu.memref_slice %arg2[%mul3A_202] : memref<868352xi32, #tpu.memory_space<hbm>> -> memref<1696xi32, #tpu.memory_space<hbm>>
        tpu.enqueue_dma source(%dma_start3A_204 : memref<1696xi32, #tpu.memory_space<hbm>>) target(%arg9 : memref<1696xi32, #tpu.memory_space<vmem>>) target_semaphore(%arg20 : memref<!tpu.dma_semaphore, #tpu.memory_space<semaphore_mem>>)
      } else {
      }
      %scan3A_71 = arith.constant 0 : i32
      %scan3A_72 = arith.constant 32 : i32
      %scan3A_73 = arith.addi %scan3A_71, %scan3A_72 : i32
      %scan3A_74 = arith.constant 1 : i32
      %scan3A_75 = scf.for %scan3A_196 = %scan3A_71 to %scan3A_73 step %scan3A_74 iter_args(%scan3A_197 = %broadcast_in_dim3A_39) -> (vector<16xf32>)  : i32 {
        %mul3A_198 = arith.constant 53 : i32
        %mul3A_199 = arith.muli %scan3A_196, %mul3A_198 : i32
        %add3A_200 = arith.constant 0 : i32
        %add3A_201 = arith.addi %mul3A_199, %add3A_200 : i32
        %get3A_202 = arith.index_cast %add3A_201 : i32 to index
        %get3A_203 = arith.constant 0 : index
        %get3A_204 = tpu.vector_load %arg11[%get3A_202, %get3A_203] {strides = array<i32>} : memref<1696x32xf32, #tpu.memory_space<vmem>>, vector<1x16xf32>,
        %get3A_205 = vector.shape_cast %get3A_204 : vector<1x16xf32> to vector<16xf32>
        %add3A_206 = arith.constant 0 : i32
        %add3A_207 = arith.addi %mul3A_199, %add3A_206 : i32
        %get3A_208 = arith.index_cast %add3A_207 : i32 to index
        %get3A_209 = arith.constant 16 : index
        %get3A_210 = tpu.vector_load %arg11[%get3A_208, %get3A_209] {strides = array<i32>} : memref<1696x32xf32, #tpu.memory_space<vmem>>, vector<1x16xf32>,
        %get3A_211 = vector.shape_cast %get3A_210 : vector<1x16xf32> to vector<16xf32>
        %add3A_212 = arith.addf %broadcast_in_dim3A_39, %get3A_205 : vector<16xf32>
        %add3A_213 = arith.addf %broadcast_in_dim3A_39, %get3A_211 : vector<16xf32>
        %mul3A_214 = arith.mulf %get3A_205, %get3A_205 : vector<16xf32>
        %add3A_215 = arith.addf %broadcast_in_dim3A_39, %mul3A_214 : vector<16xf32>
        %mul3A_216 = arith.mulf %get3A_211, %get3A_211 : vector<16xf32>
        %add3A_217 = arith.addf %broadcast_in_dim3A_39, %mul3A_216 : vector<16xf32>
        %add3A_218 = arith.constant 1 : i32
        %add3A_219 = arith.addi %mul3A_199, %add3A_218 : i32
        %get3A_220 = arith.index_cast %add3A_219 : i32 to index
        %get3A_221 = arith.constant 0 : index
        %get3A_222 = tpu.vector_load %arg11[%get3A_220, %get3A_221] {strides = array<i32>} : memref<1696x32xf32, #tpu.memory_space<vmem>>, vector<1x16xf32>,
        %get3A_223 = vector.shape_cast %get3A_222 : vector<1x16xf32> to vector<16xf32>
        %add3A_224 = arith.constant 1 : i32
        %add3A_225 = arith.addi %mul3A_199, %add3A_224 : i32
        %get3A_226 = arith.index_cast %add3A_225 : i32 to index
        %get3A_227 = arith.constant 16 : index
        %get3A_228 = tpu.vector_load %arg11[%get3A_226, %get3A_227] {strides = array<i32>} : memref<1696x32xf32, #tpu.memory_space<vmem>>, vector<1x16xf32>,
        %get3A_229 = vector.shape_cast %get3A_228 : vector<1x16xf32> to vector<16xf32>
        %add3A_230 = arith.addf %add3A_212, %get3A_223 : vector<16xf32>
        %add3A_231 = arith.addf %add3A_213, %get3A_229 : vector<16xf32>
        %mul3A_232 = arith.mulf %get3A_223, %get3A_223 : vector<16xf32>
        %add3A_233 = arith.addf %add3A_215, %mul3A_232 : vector<16xf32>
        %mul3A_234 = arith.mulf %get3A_229, %get3A_229 : vector<16xf32>
        %add3A_235 = arith.addf %add3A_217, %mul3A_234 : vector<16xf32>
        %add3A_236 = arith.constant 2 : i32
        %add3A_237 = arith.addi %mul3A_199, %add3A_236 : i32
        %get3A_238 = arith.index_cast %add3A_237 : i32 to index
        %get3A_239 = arith.constant 0 : index
        %get3A_240 = tpu.vector_load %arg11[%get3A_238, %get3A_239] {strides = array<i32>} : memref<1696x32xf32, #tpu.memory_space<vmem>>, vector<1x16xf32>,
        %get3A_241 = vector.shape_cast %get3A_240 : vector<1x16xf32> to vector<16xf32>
        %add3A_242 = arith.constant 2 : i32
        %add3A_243 = arith.addi %mul3A_199, %add3A_242 : i32
        %get3A_244 = arith.index_cast %add3A_243 : i32 to index
        %get3A_245 = arith.constant 16 : index
        %get3A_246 = tpu.vector_load %arg11[%get3A_244, %get3A_245] {strides = array<i32>} : memref<1696x32xf32, #tpu.memory_space<vmem>>, vector<1x16xf32>,
        %get3A_247 = vector.shape_cast %get3A_246 : vector<1x16xf32> to vector<16xf32>
        %add3A_248 = arith.addf %add3A_230, %get3A_241 : vector<16xf32>
        %add3A_249 = arith.addf %add3A_231, %get3A_247 : vector<16xf32>
        %mul3A_250 = arith.mulf %get3A_241, %get3A_241 : vector<16xf32>
        %add3A_251 = arith.addf %add3A_233, %mul3A_250 : vector<16xf32>
        %mul3A_252 = arith.mulf %get3A_247, %get3A_247 : vector<16xf32>
        %add3A_253 = arith.addf %add3A_235, %mul3A_252 : vector<16xf32>
        %add3A_254 = arith.constant 3 : i32
        %add3A_255 = arith.addi %mul3A_199, %add3A_254 : i32
        %get3A_256 = arith.index_cast %add3A_255 : i32 to index
        %get3A_257 = arith.constant 0 : index
        %get3A_258 = tpu.vector_load %arg11[%get3A_256, %get3A_257] {strides = array<i32>} : memref<1696x32xf32, #tpu.memory_space<vmem>>, vector<1x16xf32>,
        %get3A_259 = vector.shape_cast %get3A_258 : vector<1x16xf32> to vector<16xf32>
        %add3A_260 = arith.constant 3 : i32
        %add3A_261 = arith.addi %mul3A_199, %add3A_260 : i32
        %get3A_262 = arith.index_cast %add3A_261 : i32 to index
        %get3A_263 = arith.constant 16 : index
        %get3A_264 = tpu.vector_load %arg11[%get3A_262, %get3A_263] {strides = array<i32>} : memref<1696x32xf32, #tpu.memory_space<vmem>>, vector<1x16xf32>,
        %get3A_265 = vector.shape_cast %get3A_264 : vector<1x16xf32> to vector<16xf32>
        %add3A_266 = arith.addf %add3A_248, %get3A_259 : vector<16xf32>
        %add3A_267 = arith.addf %add3A_249, %get3A_265 : vector<16xf32>
        %mul3A_268 = arith.mulf %get3A_259, %get3A_259 : vector<16xf32>
        %add3A_269 = arith.addf %add3A_251, %mul3A_268 : vector<16xf32>
        %mul3A_270 = arith.mulf %get3A_265, %get3A_265 : vector<16xf32>
        %add3A_271 = arith.addf %add3A_253, %mul3A_270 : vector<16xf32>
        %add3A_272 = arith.constant 4 : i32
        %add3A_273 = arith.addi %mul3A_199, %add3A_272 : i32
        %get3A_274 = arith.index_cast %add3A_273 : i32 to index
        %get3A_275 = arith.constant 0 : index
        %get3A_276 = tpu.vector_load %arg11[%get3A_274, %get3A_275] {strides = array<i32>} : memref<1696x32xf32, #tpu.memory_space<vmem>>, vector<1x16xf32>,
        %get3A_277 = vector.shape_cast %get3A_276 : vector<1x16xf32> to vector<16xf32>
        %add3A_278 = arith.constant 4 : i32
        %add3A_279 = arith.addi %mul3A_199, %add3A_278 : i32
        %get3A_280 = arith.index_cast %add3A_279 : i32 to index
        %get3A_281 = arith.constant 16 : index
        %get3A_282 = tpu.vector_load %arg11[%get3A_280, %get3A_281] {strides = array<i32>} : memref<1696x32xf32, #tpu.memory_space<vmem>>, vector<1x16xf32>,
        %get3A_283 = vector.shape_cast %get3A_282 : vector<1x16xf32> to vector<16xf32>
        %add3A_284 = arith.addf %add3A_266, %get3A_277 : vector<16xf32>
        %add3A_285 = arith.addf %add3A_267, %get3A_283 : vector<16xf32>
        %mul3A_286 = arith.mulf %get3A_277, %get3A_277 : vector<16xf32>
        %add3A_287 = arith.addf %add3A_269, %mul3A_286 : vector<16xf32>
        %mul3A_288 = arith.mulf %get3A_283, %get3A_283 : vector<16xf32>
        %add3A_289 = arith.addf %add3A_271, %mul3A_288 : vector<16xf32>
        %add3A_290 = arith.constant 5 : i32
        %add3A_291 = arith.addi %mul3A_199, %add3A_290 : i32
        %get3A_292 = arith.index_cast %add3A_291 : i32 to index
        %get3A_293 = arith.constant 0 : index
        %get3A_294 = tpu.vector_load %arg11[%get3A_292, %get3A_293] {strides = array<i32>} : memref<1696x32xf32, #tpu.memory_space<vmem>>, vector<1x16xf32>,
        %get3A_295 = vector.shape_cast %get3A_294 : vector<1x16xf32> to vector<16xf32>
        %add3A_296 = arith.constant 5 : i32
        %add3A_297 = arith.addi %mul3A_199, %add3A_296 : i32
        %get3A_298 = arith.index_cast %add3A_297 : i32 to index
        %get3A_299 = arith.constant 16 : index
        %get3A_300 = tpu.vector_load %arg11[%get3A_298, %get3A_299] {strides = array<i32>} : memref<1696x32xf32, #tpu.memory_space<vmem>>, vector<1x16xf32>,
        %get3A_301 = vector.shape_cast %get3A_300 : vector<1x16xf32> to vector<16xf32>
        %add3A_302 = arith.addf %add3A_284, %get3A_295 : vector<16xf32>
        %add3A_303 = arith.addf %add3A_285, %get3A_301 : vector<16xf32>
        %mul3A_304 = arith.mulf %get3A_295, %get3A_295 : vector<16xf32>
        %add3A_305 = arith.addf %add3A_287, %mul3A_304 : vector<16xf32>
        %mul3A_306 = arith.mulf %get3A_301, %get3A_301 : vector<16xf32>
        %add3A_307 = arith.addf %add3A_289, %mul3A_306 : vector<16xf32>
        %add3A_308 = arith.constant 6 : i32
        %add3A_309 = arith.addi %mul3A_199, %add3A_308 : i32
        %get3A_310 = arith.index_cast %add3A_309 : i32 to index
        %get3A_311 = arith.constant 0 : index
        %get3A_312 = tpu.vector_load %arg11[%get3A_310, %get3A_311] {strides = array<i32>} : memref<1696x32xf32, #tpu.memory_space<vmem>>, vector<1x16xf32>,
        %get3A_313 = vector.shape_cast %get3A_312 : vector<1x16xf32> to vector<16xf32>
        %add3A_314 = arith.constant 6 : i32
        %add3A_315 = arith.addi %mul3A_199, %add3A_314 : i32
        %get3A_316 = arith.index_cast %add3A_315 : i32 to index
        %get3A_317 = arith.constant 16 : index
        %get3A_318 = tpu.vector_load %arg11[%get3A_316, %get3A_317] {strides = array<i32>} : memref<1696x32xf32, #tpu.memory_space<vmem>>, vector<1x16xf32>,
        %get3A_319 = vector.shape_cast %get3A_318 : vector<1x16xf32> to vector<16xf32>
        %add3A_320 = arith.addf %add3A_302, %get3A_313 : vector<16xf32>
        %add3A_321 = arith.addf %add3A_303, %get3A_319 : vector<16xf32>
        %mul3A_322 = arith.mulf %get3A_313, %get3A_313 : vector<16xf32>
        %add3A_323 = arith.addf %add3A_305, %mul3A_322 : vector<16xf32>
        %mul3A_324 = arith.mulf %get3A_319, %get3A_319 : vector<16xf32>
        %add3A_325 = arith.addf %add3A_307, %mul3A_324 : vector<16xf32>
        %add3A_326 = arith.constant 7 : i32
        %add3A_327 = arith.addi %mul3A_199, %add3A_326 : i32
        %get3A_328 = arith.index_cast %add3A_327 : i32 to index
        %get3A_329 = arith.constant 0 : index
        %get3A_330 = tpu.vector_load %arg11[%get3A_328, %get3A_329] {strides = array<i32>} : memref<1696x32xf32, #tpu.memory_space<vmem>>, vector<1x16xf32>,
        %get3A_331 = vector.shape_cast %get3A_330 : vector<1x16xf32> to vector<16xf32>
        %add3A_332 = arith.constant 7 : i32
        %add3A_333 = arith.addi %mul3A_199, %add3A_332 : i32
        %get3A_334 = arith.index_cast %add3A_333 : i32 to index
        %get3A_335 = arith.constant 16 : index
        %get3A_336 = tpu.vector_load %arg11[%get3A_334, %get3A_335] {strides = array<i32>} : memref<1696x32xf32, #tpu.memory_space<vmem>>, vector<1x16xf32>,
        %get3A_337 = vector.shape_cast %get3A_336 : vector<1x16xf32> to vector<16xf32>
        %add3A_338 = arith.addf %add3A_320, %get3A_331 : vector<16xf32>
        %add3A_339 = arith.addf %add3A_321, %get3A_337 : vector<16xf32>
        %mul3A_340 = arith.mulf %get3A_331, %get3A_331 : vector<16xf32>
        %add3A_341 = arith.addf %add3A_323, %mul3A_340 : vector<16xf32>
        %mul3A_342 = arith.mulf %get3A_337, %get3A_337 : vector<16xf32>
        %add3A_343 = arith.addf %add3A_325, %mul3A_342 : vector<16xf32>
        %add3A_344 = arith.constant 8 : i32
        %add3A_345 = arith.addi %mul3A_199, %add3A_344 : i32
        %get3A_346 = arith.index_cast %add3A_345 : i32 to index
        %get3A_347 = arith.constant 0 : index
        %get3A_348 = tpu.vector_load %arg11[%get3A_346, %get3A_347] {strides = array<i32>} : memref<1696x32xf32, #tpu.memory_space<vmem>>, vector<1x16xf32>,
        %get3A_349 = vector.shape_cast %get3A_348 : vector<1x16xf32> to vector<16xf32>
        %add3A_350 = arith.constant 8 : i32
        %add3A_351 = arith.addi %mul3A_199, %add3A_350 : i32
        %get3A_352 = arith.index_cast %add3A_351 : i32 to index
        %get3A_353 = arith.constant 16 : index
        %get3A_354 = tpu.vector_load %arg11[%get3A_352, %get3A_353] {strides = array<i32>} : memref<1696x32xf32, #tpu.memory_space<vmem>>, vector<1x16xf32>,
        %get3A_355 = vector.shape_cast %get3A_354 : vector<1x16xf32> to vector<16xf32>
        %add3A_356 = arith.addf %add3A_338, %get3A_349 : vector<16xf32>
        %add3A_357 = arith.addf %add3A_339, %get3A_355 : vector<16xf32>
        %mul3A_358 = arith.mulf %get3A_349, %get3A_349 : vector<16xf32>
        %add3A_359 = arith.addf %add3A_341, %mul3A_358 : vector<16xf32>
        %mul3A_360 = arith.mulf %get3A_355, %get3A_355 : vector<16xf32>
        %add3A_361 = arith.addf %add3A_343, %mul3A_360 : vector<16xf32>
        %add3A_362 = arith.constant 9 : i32
        %add3A_363 = arith.addi %mul3A_199, %add3A_362 : i32
        %get3A_364 = arith.index_cast %add3A_363 : i32 to index
        %get3A_365 = arith.constant 0 : index
        %get3A_366 = tpu.vector_load %arg11[%get3A_364, %get3A_365] {strides = array<i32>} : memref<1696x32xf32, #tpu.memory_space<vmem>>, vector<1x16xf32>,
        %get3A_367 = vector.shape_cast %get3A_366 : vector<1x16xf32> to vector<16xf32>
        %add3A_368 = arith.constant 9 : i32
        %add3A_369 = arith.addi %mul3A_199, %add3A_368 : i32
        %get3A_370 = arith.index_cast %add3A_369 : i32 to index
        %get3A_371 = arith.constant 16 : index
        %get3A_372 = tpu.vector_load %arg11[%get3A_370, %get3A_371] {strides = array<i32>} : memref<1696x32xf32, #tpu.memory_space<vmem>>, vector<1x16xf32>,
        %get3A_373 = vector.shape_cast %get3A_372 : vector<1x16xf32> to vector<16xf32>
        %add3A_374 = arith.addf %add3A_356, %get3A_367 : vector<16xf32>
        %add3A_375 = arith.addf %add3A_357, %get3A_373 : vector<16xf32>
        %mul3A_376 = arith.mulf %get3A_367, %get3A_367 : vector<16xf32>
        %add3A_377 = arith.addf %add3A_359, %mul3A_376 : vector<16xf32>
        %mul3A_378 = arith.mulf %get3A_373, %get3A_373 : vector<16xf32>
        %add3A_379 = arith.addf %add3A_361, %mul3A_378 : vector<16xf32>
        %add3A_380 = arith.constant 10 : i32
        %add3A_381 = arith.addi %mul3A_199, %add3A_380 : i32
        %get3A_382 = arith.index_cast %add3A_381 : i32 to index
        %get3A_383 = arith.constant 0 : index
        %get3A_384 = tpu.vector_load %arg11[%get3A_382, %get3A_383] {strides = array<i32>} : memref<1696x32xf32, #tpu.memory_space<vmem>>, vector<1x16xf32>,
        %get3A_385 = vector.shape_cast %get3A_384 : vector<1x16xf32> to vector<16xf32>
        %add3A_386 = arith.constant 10 : i32
        %add3A_387 = arith.addi %mul3A_199, %add3A_386 : i32
        %get3A_388 = arith.index_cast %add3A_387 : i32 to index
        %get3A_389 = arith.constant 16 : index
        %get3A_390 = tpu.vector_load %arg11[%get3A_388, %get3A_389] {strides = array<i32>} : memref<1696x32xf32, #tpu.memory_space<vmem>>, vector<1x16xf32>,
        %get3A_391 = vector.shape_cast %get3A_390 : vector<1x16xf32> to vector<16xf32>
        %add3A_392 = arith.addf %add3A_374, %get3A_385 : vector<16xf32>
        %add3A_393 = arith.addf %add3A_375, %get3A_391 : vector<16xf32>
        %mul3A_394 = arith.mulf %get3A_385, %get3A_385 : vector<16xf32>
        %add3A_395 = arith.addf %add3A_377, %mul3A_394 : vector<16xf32>
        %mul3A_396 = arith.mulf %get3A_391, %get3A_391 : vector<16xf32>
        %add3A_397 = arith.addf %add3A_379, %mul3A_396 : vector<16xf32>
        %add3A_398 = arith.constant 11 : i32
        %add3A_399 = arith.addi %mul3A_199, %add3A_398 : i32
        %get3A_400 = arith.index_cast %add3A_399 : i32 to index
        %get3A_401 = arith.constant 0 : index
        %get3A_402 = tpu.vector_load %arg11[%get3A_400, %get3A_401] {strides = array<i32>} : memref<1696x32xf32, #tpu.memory_space<vmem>>, vector<1x16xf32>,
        %get3A_403 = vector.shape_cast %get3A_402 : vector<1x16xf32> to vector<16xf32>
        %add3A_404 = arith.constant 11 : i32
        %add3A_405 = arith.addi %mul3A_199, %add3A_404 : i32
        %get3A_406 = arith.index_cast %add3A_405 : i32 to index
        %get3A_407 = arith.constant 16 : index
        %get3A_408 = tpu.vector_load %arg11[%get3A_406, %get3A_407] {strides = array<i32>} : memref<1696x32xf32, #tpu.memory_space<vmem>>, vector<1x16xf32>,
        %get3A_409 = vector.shape_cast %get3A_408 : vector<1x16xf32> to vector<16xf32>
        %add3A_410 = arith.addf %add3A_392, %get3A_403 : vector<16xf32>
        %add3A_411 = arith.addf %add3A_393, %get3A_409 : vector<16xf32>
        %mul3A_412 = arith.mulf %get3A_403, %get3A_403 : vector<16xf32>
        %add3A_413 = arith.addf %add3A_395, %mul3A_412 : vector<16xf32>
        %mul3A_414 = arith.mulf %get3A_409, %get3A_409 : vector<16xf32>
        %add3A_415 = arith.addf %add3A_397, %mul3A_414 : vector<16xf32>
        %add3A_416 = arith.constant 12 : i32
        %add3A_417 = arith.addi %mul3A_199, %add3A_416 : i32
        %get3A_418 = arith.index_cast %add3A_417 : i32 to index
        %get3A_419 = arith.constant 0 : index
        %get3A_420 = tpu.vector_load %arg11[%get3A_418, %get3A_419] {strides = array<i32>} : memref<1696x32xf32, #tpu.memory_space<vmem>>, vector<1x16xf32>,
        %get3A_421 = vector.shape_cast %get3A_420 : vector<1x16xf32> to vector<16xf32>
        %add3A_422 = arith.constant 12 : i32
        %add3A_423 = arith.addi %mul3A_199, %add3A_422 : i32
        %get3A_424 = arith.index_cast %add3A_423 : i32 to index
        %get3A_425 = arith.constant 16 : index
        %get3A_426 = tpu.vector_load %arg11[%get3A_424, %get3A_425] {strides = array<i32>} : memref<1696x32xf32, #tpu.memory_space<vmem>>, vector<1x16xf32>,
        %get3A_427 = vector.shape_cast %get3A_426 : vector<1x16xf32> to vector<16xf32>
        %add3A_428 = arith.addf %add3A_410, %get3A_421 : vector<16xf32>
        %add3A_429 = arith.addf %add3A_411, %get3A_427 : vector<16xf32>
        %mul3A_430 = arith.mulf %get3A_421, %get3A_421 : vector<16xf32>
        %add3A_431 = arith.addf %add3A_413, %mul3A_430 : vector<16xf32>
        %mul3A_432 = arith.mulf %get3A_427, %get3A_427 : vector<16xf32>
        %add3A_433 = arith.addf %add3A_415, %mul3A_432 : vector<16xf32>
        %add3A_434 = arith.constant 13 : i32
        %add3A_435 = arith.addi %mul3A_199, %add3A_434 : i32
        %get3A_436 = arith.index_cast %add3A_435 : i32 to index
        %get3A_437 = arith.constant 0 : index
        %get3A_438 = tpu.vector_load %arg11[%get3A_436, %get3A_437] {strides = array<i32>} : memref<1696x32xf32, #tpu.memory_space<vmem>>, vector<1x16xf32>,
        %get3A_439 = vector.shape_cast %get3A_438 : vector<1x16xf32> to vector<16xf32>
        %add3A_440 = arith.constant 13 : i32
        %add3A_441 = arith.addi %mul3A_199, %add3A_440 : i32
        %get3A_442 = arith.index_cast %add3A_441 : i32 to index
        %get3A_443 = arith.constant 16 : index
        %get3A_444 = tpu.vector_load %arg11[%get3A_442, %get3A_443] {strides = array<i32>} : memref<1696x32xf32, #tpu.memory_space<vmem>>, vector<1x16xf32>,
        %get3A_445 = vector.shape_cast %get3A_444 : vector<1x16xf32> to vector<16xf32>
        %add3A_446 = arith.addf %add3A_428, %get3A_439 : vector<16xf32>
        %add3A_447 = arith.addf %add3A_429, %get3A_445 : vector<16xf32>
        %mul3A_448 = arith.mulf %get3A_439, %get3A_439 : vector<16xf32>
        %add3A_449 = arith.addf %add3A_431, %mul3A_448 : vector<16xf32>
        %mul3A_450 = arith.mulf %get3A_445, %get3A_445 : vector<16xf32>
        %add3A_451 = arith.addf %add3A_433, %mul3A_450 : vector<16xf32>
        %add3A_452 = arith.constant 14 : i32
        %add3A_453 = arith.addi %mul3A_199, %add3A_452 : i32
        %get3A_454 = arith.index_cast %add3A_453 : i32 to index
        %get3A_455 = arith.constant 0 : index
        %get3A_456 = tpu.vector_load %arg11[%get3A_454, %get3A_455] {strides = array<i32>} : memref<1696x32xf32, #tpu.memory_space<vmem>>, vector<1x16xf32>,
        %get3A_457 = vector.shape_cast %get3A_456 : vector<1x16xf32> to vector<16xf32>
        %add3A_458 = arith.constant 14 : i32
        %add3A_459 = arith.addi %mul3A_199, %add3A_458 : i32
        %get3A_460 = arith.index_cast %add3A_459 : i32 to index
        %get3A_461 = arith.constant 16 : index
        %get3A_462 = tpu.vector_load %arg11[%get3A_460, %get3A_461] {strides = array<i32>} : memref<1696x32xf32, #tpu.memory_space<vmem>>, vector<1x16xf32>,
        %get3A_463 = vector.shape_cast %get3A_462 : vector<1x16xf32> to vector<16xf32>
        %add3A_464 = arith.addf %add3A_446, %get3A_457 : vector<16xf32>
        %add3A_465 = arith.addf %add3A_447, %get3A_463 : vector<16xf32>
        %mul3A_466 = arith.mulf %get3A_457, %get3A_457 : vector<16xf32>
        %add3A_467 = arith.addf %add3A_449, %mul3A_466 : vector<16xf32>
        %mul3A_468 = arith.mulf %get3A_463, %get3A_463 : vector<16xf32>
        %add3A_469 = arith.addf %add3A_451, %mul3A_468 : vector<16xf32>
        %add3A_470 = arith.constant 15 : i32
        %add3A_471 = arith.addi %mul3A_199, %add3A_470 : i32
        %get3A_472 = arith.index_cast %add3A_471 : i32 to index
        %get3A_473 = arith.constant 0 : index
        %get3A_474 = tpu.vector_load %arg11[%get3A_472, %get3A_473] {strides = array<i32>} : memref<1696x32xf32, #tpu.memory_space<vmem>>, vector<1x16xf32>,
        %get3A_475 = vector.shape_cast %get3A_474 : vector<1x16xf32> to vector<16xf32>
        %add3A_476 = arith.constant 15 : i32
        %add3A_477 = arith.addi %mul3A_199, %add3A_476 : i32
        %get3A_478 = arith.index_cast %add3A_477 : i32 to index
        %get3A_479 = arith.constant 16 : index
        %get3A_480 = tpu.vector_load %arg11[%get3A_478, %get3A_479] {strides = array<i32>} : memref<1696x32xf32, #tpu.memory_space<vmem>>, vector<1x16xf32>,
        %get3A_481 = vector.shape_cast %get3A_480 : vector<1x16xf32> to vector<16xf32>
        %add3A_482 = arith.addf %add3A_464, %get3A_475 : vector<16xf32>
        %add3A_483 = arith.addf %add3A_465, %get3A_481 : vector<16xf32>
        %mul3A_484 = arith.mulf %get3A_475, %get3A_475 : vector<16xf32>
        %add3A_485 = arith.addf %add3A_467, %mul3A_484 : vector<16xf32>
        %mul3A_486 = arith.mulf %get3A_481, %get3A_481 : vector<16xf32>
        %add3A_487 = arith.addf %add3A_469, %mul3A_486 : vector<16xf32>
        %add3A_488 = arith.constant 16 : i32
        %add3A_489 = arith.addi %mul3A_199, %add3A_488 : i32
        %get3A_490 = arith.index_cast %add3A_489 : i32 to index
        %get3A_491 = arith.constant 0 : index
        %get3A_492 = tpu.vector_load %arg11[%get3A_490, %get3A_491] {strides = array<i32>} : memref<1696x32xf32, #tpu.memory_space<vmem>>, vector<1x16xf32>,
        %get3A_493 = vector.shape_cast %get3A_492 : vector<1x16xf32> to vector<16xf32>
        %add3A_494 = arith.constant 16 : i32
        %add3A_495 = arith.addi %mul3A_199, %add3A_494 : i32
        %get3A_496 = arith.index_cast %add3A_495 : i32 to index
        %get3A_497 = arith.constant 16 : index
        %get3A_498 = tpu.vector_load %arg11[%get3A_496, %get3A_497] {strides = array<i32>} : memref<1696x32xf32, #tpu.memory_space<vmem>>, vector<1x16xf32>,
        %get3A_499 = vector.shape_cast %get3A_498 : vector<1x16xf32> to vector<16xf32>
        %add3A_500 = arith.addf %add3A_482, %get3A_493 : vector<16xf32>
        %add3A_501 = arith.addf %add3A_483, %get3A_499 : vector<16xf32>
        %mul3A_502 = arith.mulf %get3A_493, %get3A_493 : vector<16xf32>
        %add3A_503 = arith.addf %add3A_485, %mul3A_502 : vector<16xf32>
        %mul3A_504 = arith.mulf %get3A_499, %get3A_499 : vector<16xf32>
        %add3A_505 = arith.addf %add3A_487, %mul3A_504 : vector<16xf32>
        %add3A_506 = arith.constant 17 : i32
        %add3A_507 = arith.addi %mul3A_199, %add3A_506 : i32
        %get3A_508 = arith.index_cast %add3A_507 : i32 to index
        %get3A_509 = arith.constant 0 : index
        %get3A_510 = tpu.vector_load %arg11[%get3A_508, %get3A_509] {strides = array<i32>} : memref<1696x32xf32, #tpu.memory_space<vmem>>, vector<1x16xf32>,
        %get3A_511 = vector.shape_cast %get3A_510 : vector<1x16xf32> to vector<16xf32>
        %add3A_512 = arith.constant 17 : i32
        %add3A_513 = arith.addi %mul3A_199, %add3A_512 : i32
        %get3A_514 = arith.index_cast %add3A_513 : i32 to index
        %get3A_515 = arith.constant 16 : index
        %get3A_516 = tpu.vector_load %arg11[%get3A_514, %get3A_515] {strides = array<i32>} : memref<1696x32xf32, #tpu.memory_space<vmem>>, vector<1x16xf32>,
        %get3A_517 = vector.shape_cast %get3A_516 : vector<1x16xf32> to vector<16xf32>
        %add3A_518 = arith.addf %add3A_500, %get3A_511 : vector<16xf32>
        %add3A_519 = arith.addf %add3A_501, %get3A_517 : vector<16xf32>
        %mul3A_520 = arith.mulf %get3A_511, %get3A_511 : vector<16xf32>
        %add3A_521 = arith.addf %add3A_503, %mul3A_520 : vector<16xf32>
        %mul3A_522 = arith.mulf %get3A_517, %get3A_517 : vector<16xf32>
        %add3A_523 = arith.addf %add3A_505, %mul3A_522 : vector<16xf32>
        %add3A_524 = arith.constant 18 : i32
        %add3A_525 = arith.addi %mul3A_199, %add3A_524 : i32
        %get3A_526 = arith.index_cast %add3A_525 : i32 to index
        %get3A_527 = arith.constant 0 : index
        %get3A_528 = tpu.vector_load %arg11[%get3A_526, %get3A_527] {strides = array<i32>} : memref<1696x32xf32, #tpu.memory_space<vmem>>, vector<1x16xf32>,
        %get3A_529 = vector.shape_cast %get3A_528 : vector<1x16xf32> to vector<16xf32>
        %add3A_530 = arith.constant 18 : i32
        %add3A_531 = arith.addi %mul3A_199, %add3A_530 : i32
        %get3A_532 = arith.index_cast %add3A_531 : i32 to index
        %get3A_533 = arith.constant 16 : index
        %get3A_534 = tpu.vector_load %arg11[%get3A_532, %get3A_533] {strides = array<i32>} : memref<1696x32xf32, #tpu.memory_space<vmem>>, vector<1x16xf32>,
        %get3A_535 = vector.shape_cast %get3A_534 : vector<1x16xf32> to vector<16xf32>
        %add3A_536 = arith.addf %add3A_518, %get3A_529 : vector<16xf32>
        %add3A_537 = arith.addf %add3A_519, %get3A_535 : vector<16xf32>
        %mul3A_538 = arith.mulf %get3A_529, %get3A_529 : vector<16xf32>
        %add3A_539 = arith.addf %add3A_521, %mul3A_538 : vector<16xf32>
        %mul3A_540 = arith.mulf %get3A_535, %get3A_535 : vector<16xf32>
        %add3A_541 = arith.addf %add3A_523, %mul3A_540 : vector<16xf32>
        %add3A_542 = arith.constant 19 : i32
        %add3A_543 = arith.addi %mul3A_199, %add3A_542 : i32
        %get3A_544 = arith.index_cast %add3A_543 : i32 to index
        %get3A_545 = arith.constant 0 : index
        %get3A_546 = tpu.vector_load %arg11[%get3A_544, %get3A_545] {strides = array<i32>} : memref<1696x32xf32, #tpu.memory_space<vmem>>, vector<1x16xf32>,
        %get3A_547 = vector.shape_cast %get3A_546 : vector<1x16xf32> to vector<16xf32>
        %add3A_548 = arith.constant 19 : i32
        %add3A_549 = arith.addi %mul3A_199, %add3A_548 : i32
        %get3A_550 = arith.index_cast %add3A_549 : i32 to index
        %get3A_551 = arith.constant 16 : index
        %get3A_552 = tpu.vector_load %arg11[%get3A_550, %get3A_551] {strides = array<i32>} : memref<1696x32xf32, #tpu.memory_space<vmem>>, vector<1x16xf32>,
        %get3A_553 = vector.shape_cast %get3A_552 : vector<1x16xf32> to vector<16xf32>
        %add3A_554 = arith.addf %add3A_536, %get3A_547 : vector<16xf32>
        %add3A_555 = arith.addf %add3A_537, %get3A_553 : vector<16xf32>
        %mul3A_556 = arith.mulf %get3A_547, %get3A_547 : vector<16xf32>
        %add3A_557 = arith.addf %add3A_539, %mul3A_556 : vector<16xf32>
        %mul3A_558 = arith.mulf %get3A_553, %get3A_553 : vector<16xf32>
        %add3A_559 = arith.addf %add3A_541, %mul3A_558 : vector<16xf32>
        %add3A_560 = arith.constant 20 : i32
        %add3A_561 = arith.addi %mul3A_199, %add3A_560 : i32
        %get3A_562 = arith.index_cast %add3A_561 : i32 to index
        %get3A_563 = arith.constant 0 : index
        %get3A_564 = tpu.vector_load %arg11[%get3A_562, %get3A_563] {strides = array<i32>} : memref<1696x32xf32, #tpu.memory_space<vmem>>, vector<1x16xf32>,
        %get3A_565 = vector.shape_cast %get3A_564 : vector<1x16xf32> to vector<16xf32>
        %add3A_566 = arith.constant 20 : i32
        %add3A_567 = arith.addi %mul3A_199, %add3A_566 : i32
        %get3A_568 = arith.index_cast %add3A_567 : i32 to index
        %get3A_569 = arith.constant 16 : index
        %get3A_570 = tpu.vector_load %arg11[%get3A_568, %get3A_569] {strides = array<i32>} : memref<1696x32xf32, #tpu.memory_space<vmem>>, vector<1x16xf32>,
        %get3A_571 = vector.shape_cast %get3A_570 : vector<1x16xf32> to vector<16xf32>
        %add3A_572 = arith.addf %add3A_554, %get3A_565 : vector<16xf32>
        %add3A_573 = arith.addf %add3A_555, %get3A_571 : vector<16xf32>
        %mul3A_574 = arith.mulf %get3A_565, %get3A_565 : vector<16xf32>
        %add3A_575 = arith.addf %add3A_557, %mul3A_574 : vector<16xf32>
        %mul3A_576 = arith.mulf %get3A_571, %get3A_571 : vector<16xf32>
        %add3A_577 = arith.addf %add3A_559, %mul3A_576 : vector<16xf32>
        %add3A_578 = arith.constant 21 : i32
        %add3A_579 = arith.addi %mul3A_199, %add3A_578 : i32
        %get3A_580 = arith.index_cast %add3A_579 : i32 to index
        %get3A_581 = arith.constant 0 : index
        %get3A_582 = tpu.vector_load %arg11[%get3A_580, %get3A_581] {strides = array<i32>} : memref<1696x32xf32, #tpu.memory_space<vmem>>, vector<1x16xf32>,
        %get3A_583 = vector.shape_cast %get3A_582 : vector<1x16xf32> to vector<16xf32>
        %add3A_584 = arith.constant 21 : i32
        %add3A_585 = arith.addi %mul3A_199, %add3A_584 : i32
        %get3A_586 = arith.index_cast %add3A_585 : i32 to index
        %get3A_587 = arith.constant 16 : index
        %get3A_588 = tpu.vector_load %arg11[%get3A_586, %get3A_587] {strides = array<i32>} : memref<1696x32xf32, #tpu.memory_space<vmem>>, vector<1x16xf32>,
        %get3A_589 = vector.shape_cast %get3A_588 : vector<1x16xf32> to vector<16xf32>
        %add3A_590 = arith.addf %add3A_572, %get3A_583 : vector<16xf32>
        %add3A_591 = arith.addf %add3A_573, %get3A_589 : vector<16xf32>
        %mul3A_592 = arith.mulf %get3A_583, %get3A_583 : vector<16xf32>
        %add3A_593 = arith.addf %add3A_575, %mul3A_592 : vector<16xf32>
        %mul3A_594 = arith.mulf %get3A_589, %get3A_589 : vector<16xf32>
        %add3A_595 = arith.addf %add3A_577, %mul3A_594 : vector<16xf32>
        %add3A_596 = arith.constant 22 : i32
        %add3A_597 = arith.addi %mul3A_199, %add3A_596 : i32
        %get3A_598 = arith.index_cast %add3A_597 : i32 to index
        %get3A_599 = arith.constant 0 : index
        %get3A_600 = tpu.vector_load %arg11[%get3A_598, %get3A_599] {strides = array<i32>} : memref<1696x32xf32, #tpu.memory_space<vmem>>, vector<1x16xf32>,
        %get3A_601 = vector.shape_cast %get3A_600 : vector<1x16xf32> to vector<16xf32>
        %add3A_602 = arith.constant 22 : i32
        %add3A_603 = arith.addi %mul3A_199, %add3A_602 : i32
        %get3A_604 = arith.index_cast %add3A_603 : i32 to index
        %get3A_605 = arith.constant 16 : index
        %get3A_606 = tpu.vector_load %arg11[%get3A_604, %get3A_605] {strides = array<i32>} : memref<1696x32xf32, #tpu.memory_space<vmem>>, vector<1x16xf32>,
        %get3A_607 = vector.shape_cast %get3A_606 : vector<1x16xf32> to vector<16xf32>
        %add3A_608 = arith.addf %add3A_590, %get3A_601 : vector<16xf32>
        %add3A_609 = arith.addf %add3A_591, %get3A_607 : vector<16xf32>
        %mul3A_610 = arith.mulf %get3A_601, %get3A_601 : vector<16xf32>
        %add3A_611 = arith.addf %add3A_593, %mul3A_610 : vector<16xf32>
        %mul3A_612 = arith.mulf %get3A_607, %get3A_607 : vector<16xf32>
        %add3A_613 = arith.addf %add3A_595, %mul3A_612 : vector<16xf32>
        %add3A_614 = arith.constant 23 : i32
        %add3A_615 = arith.addi %mul3A_199, %add3A_614 : i32
        %get3A_616 = arith.index_cast %add3A_615 : i32 to index
        %get3A_617 = arith.constant 0 : index
        %get3A_618 = tpu.vector_load %arg11[%get3A_616, %get3A_617] {strides = array<i32>} : memref<1696x32xf32, #tpu.memory_space<vmem>>, vector<1x16xf32>,
        %get3A_619 = vector.shape_cast %get3A_618 : vector<1x16xf32> to vector<16xf32>
        %add3A_620 = arith.constant 23 : i32
        %add3A_621 = arith.addi %mul3A_199, %add3A_620 : i32
        %get3A_622 = arith.index_cast %add3A_621 : i32 to index
        %get3A_623 = arith.constant 16 : index
        %get3A_624 = tpu.vector_load %arg11[%get3A_622, %get3A_623] {strides = array<i32>} : memref<1696x32xf32, #tpu.memory_space<vmem>>, vector<1x16xf32>,
        %get3A_625 = vector.shape_cast %get3A_624 : vector<1x16xf32> to vector<16xf32>
        %add3A_626 = arith.addf %add3A_608, %get3A_619 : vector<16xf32>
        %add3A_627 = arith.addf %add3A_609, %get3A_625 : vector<16xf32>
        %mul3A_628 = arith.mulf %get3A_619, %get3A_619 : vector<16xf32>
        %add3A_629 = arith.addf %add3A_611, %mul3A_628 : vector<16xf32>
        %mul3A_630 = arith.mulf %get3A_625, %get3A_625 : vector<16xf32>
        %add3A_631 = arith.addf %add3A_613, %mul3A_630 : vector<16xf32>
        %add3A_632 = arith.constant 24 : i32
        %add3A_633 = arith.addi %mul3A_199, %add3A_632 : i32
        %get3A_634 = arith.index_cast %add3A_633 : i32 to index
        %get3A_635 = arith.constant 0 : index
        %get3A_636 = tpu.vector_load %arg11[%get3A_634, %get3A_635] {strides = array<i32>} : memref<1696x32xf32, #tpu.memory_space<vmem>>, vector<1x16xf32>,
        %get3A_637 = vector.shape_cast %get3A_636 : vector<1x16xf32> to vector<16xf32>
        %add3A_638 = arith.constant 24 : i32
        %add3A_639 = arith.addi %mul3A_199, %add3A_638 : i32
        %get3A_640 = arith.index_cast %add3A_639 : i32 to index
        %get3A_641 = arith.constant 16 : index
        %get3A_642 = tpu.vector_load %arg11[%get3A_640, %get3A_641] {strides = array<i32>} : memref<1696x32xf32, #tpu.memory_space<vmem>>, vector<1x16xf32>,
        %get3A_643 = vector.shape_cast %get3A_642 : vector<1x16xf32> to vector<16xf32>
        %add3A_644 = arith.addf %add3A_626, %get3A_637 : vector<16xf32>
        %add3A_645 = arith.addf %add3A_627, %get3A_643 : vector<16xf32>
        %mul3A_646 = arith.mulf %get3A_637, %get3A_637 : vector<16xf32>
        %add3A_647 = arith.addf %add3A_629, %mul3A_646 : vector<16xf32>
        %mul3A_648 = arith.mulf %get3A_643, %get3A_643 : vector<16xf32>
        %add3A_649 = arith.addf %add3A_631, %mul3A_648 : vector<16xf32>
        %add3A_650 = arith.constant 25 : i32
        %add3A_651 = arith.addi %mul3A_199, %add3A_650 : i32
        %get3A_652 = arith.index_cast %add3A_651 : i32 to index
        %get3A_653 = arith.constant 0 : index
        %get3A_654 = tpu.vector_load %arg11[%get3A_652, %get3A_653] {strides = array<i32>} : memref<1696x32xf32, #tpu.memory_space<vmem>>, vector<1x16xf32>,
        %get3A_655 = vector.shape_cast %get3A_654 : vector<1x16xf32> to vector<16xf32>
        %add3A_656 = arith.constant 25 : i32
        %add3A_657 = arith.addi %mul3A_199, %add3A_656 : i32
        %get3A_658 = arith.index_cast %add3A_657 : i32 to index
        %get3A_659 = arith.constant 16 : index
        %get3A_660 = tpu.vector_load %arg11[%get3A_658, %get3A_659] {strides = array<i32>} : memref<1696x32xf32, #tpu.memory_space<vmem>>, vector<1x16xf32>,
        %get3A_661 = vector.shape_cast %get3A_660 : vector<1x16xf32> to vector<16xf32>
        %add3A_662 = arith.addf %add3A_644, %get3A_655 : vector<16xf32>
        %add3A_663 = arith.addf %add3A_645, %get3A_661 : vector<16xf32>
        %mul3A_664 = arith.mulf %get3A_655, %get3A_655 : vector<16xf32>
        %add3A_665 = arith.addf %add3A_647, %mul3A_664 : vector<16xf32>
        %mul3A_666 = arith.mulf %get3A_661, %get3A_661 : vector<16xf32>
        %add3A_667 = arith.addf %add3A_649, %mul3A_666 : vector<16xf32>
        %add3A_668 = arith.constant 26 : i32
        %add3A_669 = arith.addi %mul3A_199, %add3A_668 : i32
        %get3A_670 = arith.index_cast %add3A_669 : i32 to index
        %get3A_671 = arith.constant 0 : index
        %get3A_672 = tpu.vector_load %arg11[%get3A_670, %get3A_671] {strides = array<i32>} : memref<1696x32xf32, #tpu.memory_space<vmem>>, vector<1x16xf32>,
        %get3A_673 = vector.shape_cast %get3A_672 : vector<1x16xf32> to vector<16xf32>
        %add3A_674 = arith.constant 26 : i32
        %add3A_675 = arith.addi %mul3A_199, %add3A_674 : i32
        %get3A_676 = arith.index_cast %add3A_675 : i32 to index
        %get3A_677 = arith.constant 16 : index
        %get3A_678 = tpu.vector_load %arg11[%get3A_676, %get3A_677] {strides = array<i32>} : memref<1696x32xf32, #tpu.memory_space<vmem>>, vector<1x16xf32>,
        %get3A_679 = vector.shape_cast %get3A_678 : vector<1x16xf32> to vector<16xf32>
        %add3A_680 = arith.addf %add3A_662, %get3A_673 : vector<16xf32>
        %add3A_681 = arith.addf %add3A_663, %get3A_679 : vector<16xf32>
        %mul3A_682 = arith.mulf %get3A_673, %get3A_673 : vector<16xf32>
        %add3A_683 = arith.addf %add3A_665, %mul3A_682 : vector<16xf32>
        %mul3A_684 = arith.mulf %get3A_679, %get3A_679 : vector<16xf32>
        %add3A_685 = arith.addf %add3A_667, %mul3A_684 : vector<16xf32>
        %add3A_686 = arith.constant 27 : i32
        %add3A_687 = arith.addi %mul3A_199, %add3A_686 : i32
        %get3A_688 = arith.index_cast %add3A_687 : i32 to index
        %get3A_689 = arith.constant 0 : index
        %get3A_690 = tpu.vector_load %arg11[%get3A_688, %get3A_689] {strides = array<i32>} : memref<1696x32xf32, #tpu.memory_space<vmem>>, vector<1x16xf32>,
        %get3A_691 = vector.shape_cast %get3A_690 : vector<1x16xf32> to vector<16xf32>
        %add3A_692 = arith.constant 27 : i32
        %add3A_693 = arith.addi %mul3A_199, %add3A_692 : i32
        %get3A_694 = arith.index_cast %add3A_693 : i32 to index
        %get3A_695 = arith.constant 16 : index
        %get3A_696 = tpu.vector_load %arg11[%get3A_694, %get3A_695] {strides = array<i32>} : memref<1696x32xf32, #tpu.memory_space<vmem>>, vector<1x16xf32>,
        %get3A_697 = vector.shape_cast %get3A_696 : vector<1x16xf32> to vector<16xf32>
        %add3A_698 = arith.addf %add3A_680, %get3A_691 : vector<16xf32>
        %add3A_699 = arith.addf %add3A_681, %get3A_697 : vector<16xf32>
        %mul3A_700 = arith.mulf %get3A_691, %get3A_691 : vector<16xf32>
        %add3A_701 = arith.addf %add3A_683, %mul3A_700 : vector<16xf32>
        %mul3A_702 = arith.mulf %get3A_697, %get3A_697 : vector<16xf32>
        %add3A_703 = arith.addf %add3A_685, %mul3A_702 : vector<16xf32>
        %add3A_704 = arith.constant 28 : i32
        %add3A_705 = arith.addi %mul3A_199, %add3A_704 : i32
        %get3A_706 = arith.index_cast %add3A_705 : i32 to index
        %get3A_707 = arith.constant 0 : index
        %get3A_708 = tpu.vector_load %arg11[%get3A_706, %get3A_707] {strides = array<i32>} : memref<1696x32xf32, #tpu.memory_space<vmem>>, vector<1x16xf32>,
        %get3A_709 = vector.shape_cast %get3A_708 : vector<1x16xf32> to vector<16xf32>
        %add3A_710 = arith.constant 28 : i32
        %add3A_711 = arith.addi %mul3A_199, %add3A_710 : i32
        %get3A_712 = arith.index_cast %add3A_711 : i32 to index
        %get3A_713 = arith.constant 16 : index
        %get3A_714 = tpu.vector_load %arg11[%get3A_712, %get3A_713] {strides = array<i32>} : memref<1696x32xf32, #tpu.memory_space<vmem>>, vector<1x16xf32>,
        %get3A_715 = vector.shape_cast %get3A_714 : vector<1x16xf32> to vector<16xf32>
        %add3A_716 = arith.addf %add3A_698, %get3A_709 : vector<16xf32>
        %add3A_717 = arith.addf %add3A_699, %get3A_715 : vector<16xf32>
        %mul3A_718 = arith.mulf %get3A_709, %get3A_709 : vector<16xf32>
        %add3A_719 = arith.addf %add3A_701, %mul3A_718 : vector<16xf32>
        %mul3A_720 = arith.mulf %get3A_715, %get3A_715 : vector<16xf32>
        %add3A_721 = arith.addf %add3A_703, %mul3A_720 : vector<16xf32>
        %add3A_722 = arith.constant 29 : i32
        %add3A_723 = arith.addi %mul3A_199, %add3A_722 : i32
        %get3A_724 = arith.index_cast %add3A_723 : i32 to index
        %get3A_725 = arith.constant 0 : index
        %get3A_726 = tpu.vector_load %arg11[%get3A_724, %get3A_725] {strides = array<i32>} : memref<1696x32xf32, #tpu.memory_space<vmem>>, vector<1x16xf32>,
        %get3A_727 = vector.shape_cast %get3A_726 : vector<1x16xf32> to vector<16xf32>
        %add3A_728 = arith.constant 29 : i32
        %add3A_729 = arith.addi %mul3A_199, %add3A_728 : i32
        %get3A_730 = arith.index_cast %add3A_729 : i32 to index
        %get3A_731 = arith.constant 16 : index
        %get3A_732 = tpu.vector_load %arg11[%get3A_730, %get3A_731] {strides = array<i32>} : memref<1696x32xf32, #tpu.memory_space<vmem>>, vector<1x16xf32>,
        %get3A_733 = vector.shape_cast %get3A_732 : vector<1x16xf32> to vector<16xf32>
        %add3A_734 = arith.addf %add3A_716, %get3A_727 : vector<16xf32>
        %add3A_735 = arith.addf %add3A_717, %get3A_733 : vector<16xf32>
        %mul3A_736 = arith.mulf %get3A_727, %get3A_727 : vector<16xf32>
        %add3A_737 = arith.addf %add3A_719, %mul3A_736 : vector<16xf32>
        %mul3A_738 = arith.mulf %get3A_733, %get3A_733 : vector<16xf32>
        %add3A_739 = arith.addf %add3A_721, %mul3A_738 : vector<16xf32>
        %add3A_740 = arith.constant 30 : i32
        %add3A_741 = arith.addi %mul3A_199, %add3A_740 : i32
        %get3A_742 = arith.index_cast %add3A_741 : i32 to index
        %get3A_743 = arith.constant 0 : index
        %get3A_744 = tpu.vector_load %arg11[%get3A_742, %get3A_743] {strides = array<i32>} : memref<1696x32xf32, #tpu.memory_space<vmem>>, vector<1x16xf32>,
        %get3A_745 = vector.shape_cast %get3A_744 : vector<1x16xf32> to vector<16xf32>
        %add3A_746 = arith.constant 30 : i32
        %add3A_747 = arith.addi %mul3A_199, %add3A_746 : i32
        %get3A_748 = arith.index_cast %add3A_747 : i32 to index
        %get3A_749 = arith.constant 16 : index
        %get3A_750 = tpu.vector_load %arg11[%get3A_748, %get3A_749] {strides = array<i32>} : memref<1696x32xf32, #tpu.memory_space<vmem>>, vector<1x16xf32>,
        %get3A_751 = vector.shape_cast %get3A_750 : vector<1x16xf32> to vector<16xf32>
        %add3A_752 = arith.addf %add3A_734, %get3A_745 : vector<16xf32>
        %add3A_753 = arith.addf %add3A_735, %get3A_751 : vector<16xf32>
        %mul3A_754 = arith.mulf %get3A_745, %get3A_745 : vector<16xf32>
        %add3A_755 = arith.addf %add3A_737, %mul3A_754 : vector<16xf32>
        %mul3A_756 = arith.mulf %get3A_751, %get3A_751 : vector<16xf32>
        %add3A_757 = arith.addf %add3A_739, %mul3A_756 : vector<16xf32>
        %add3A_758 = arith.constant 31 : i32
        %add3A_759 = arith.addi %mul3A_199, %add3A_758 : i32
        %get3A_760 = arith.index_cast %add3A_759 : i32 to index
        %get3A_761 = arith.constant 0 : index
        %get3A_762 = tpu.vector_load %arg11[%get3A_760, %get3A_761] {strides = array<i32>} : memref<1696x32xf32, #tpu.memory_space<vmem>>, vector<1x16xf32>,
        %get3A_763 = vector.shape_cast %get3A_762 : vector<1x16xf32> to vector<16xf32>
        %add3A_764 = arith.constant 31 : i32
        %add3A_765 = arith.addi %mul3A_199, %add3A_764 : i32
        %get3A_766 = arith.index_cast %add3A_765 : i32 to index
        %get3A_767 = arith.constant 16 : index
        %get3A_768 = tpu.vector_load %arg11[%get3A_766, %get3A_767] {strides = array<i32>} : memref<1696x32xf32, #tpu.memory_space<vmem>>, vector<1x16xf32>,
        %get3A_769 = vector.shape_cast %get3A_768 : vector<1x16xf32> to vector<16xf32>
        %add3A_770 = arith.addf %add3A_752, %get3A_763 : vector<16xf32>
        %add3A_771 = arith.addf %add3A_753, %get3A_769 : vector<16xf32>
        %mul3A_772 = arith.mulf %get3A_763, %get3A_763 : vector<16xf32>
        %add3A_773 = arith.addf %add3A_755, %mul3A_772 : vector<16xf32>
        %mul3A_774 = arith.mulf %get3A_769, %get3A_769 : vector<16xf32>
        %add3A_775 = arith.addf %add3A_757, %mul3A_774 : vector<16xf32>
        %add3A_776 = arith.constant 32 : i32
        %add3A_777 = arith.addi %mul3A_199, %add3A_776 : i32
        %get3A_778 = arith.index_cast %add3A_777 : i32 to index
        %get3A_779 = arith.constant 0 : index
        %get3A_780 = tpu.vector_load %arg11[%get3A_778, %get3A_779] {strides = array<i32>} : memref<1696x32xf32, #tpu.memory_space<vmem>>, vector<1x16xf32>,
        %get3A_781 = vector.shape_cast %get3A_780 : vector<1x16xf32> to vector<16xf32>
        %add3A_782 = arith.constant 32 : i32
        %add3A_783 = arith.addi %mul3A_199, %add3A_782 : i32
        %get3A_784 = arith.index_cast %add3A_783 : i32 to index
        %get3A_785 = arith.constant 16 : index
        %get3A_786 = tpu.vector_load %arg11[%get3A_784, %get3A_785] {strides = array<i32>} : memref<1696x32xf32, #tpu.memory_space<vmem>>, vector<1x16xf32>,
        %get3A_787 = vector.shape_cast %get3A_786 : vector<1x16xf32> to vector<16xf32>
        %add3A_788 = arith.addf %add3A_770, %get3A_781 : vector<16xf32>
        %add3A_789 = arith.addf %add3A_771, %get3A_787 : vector<16xf32>
        %mul3A_790 = arith.mulf %get3A_781, %get3A_781 : vector<16xf32>
        %add3A_791 = arith.addf %add3A_773, %mul3A_790 : vector<16xf32>
        %mul3A_792 = arith.mulf %get3A_787, %get3A_787 : vector<16xf32>
        %add3A_793 = arith.addf %add3A_775, %mul3A_792 : vector<16xf32>
        %add3A_794 = arith.constant 33 : i32
        %add3A_795 = arith.addi %mul3A_199, %add3A_794 : i32
        %get3A_796 = arith.index_cast %add3A_795 : i32 to index
        %get3A_797 = arith.constant 0 : index
        %get3A_798 = tpu.vector_load %arg11[%get3A_796, %get3A_797] {strides = array<i32>} : memref<1696x32xf32, #tpu.memory_space<vmem>>, vector<1x16xf32>,
        %get3A_799 = vector.shape_cast %get3A_798 : vector<1x16xf32> to vector<16xf32>
        %add3A_800 = arith.constant 33 : i32
        %add3A_801 = arith.addi %mul3A_199, %add3A_800 : i32
        %get3A_802 = arith.index_cast %add3A_801 : i32 to index
        %get3A_803 = arith.constant 16 : index
        %get3A_804 = tpu.vector_load %arg11[%get3A_802, %get3A_803] {strides = array<i32>} : memref<1696x32xf32, #tpu.memory_space<vmem>>, vector<1x16xf32>,
        %get3A_805 = vector.shape_cast %get3A_804 : vector<1x16xf32> to vector<16xf32>
        %add3A_806 = arith.addf %add3A_788, %get3A_799 : vector<16xf32>
        %add3A_807 = arith.addf %add3A_789, %get3A_805 : vector<16xf32>
        %mul3A_808 = arith.mulf %get3A_799, %get3A_799 : vector<16xf32>
        %add3A_809 = arith.addf %add3A_791, %mul3A_808 : vector<16xf32>
        %mul3A_810 = arith.mulf %get3A_805, %get3A_805 : vector<16xf32>
        %add3A_811 = arith.addf %add3A_793, %mul3A_810 : vector<16xf32>
        %add3A_812 = arith.constant 34 : i32
        %add3A_813 = arith.addi %mul3A_199, %add3A_812 : i32
        %get3A_814 = arith.index_cast %add3A_813 : i32 to index
        %get3A_815 = arith.constant 0 : index
        %get3A_816 = tpu.vector_load %arg11[%get3A_814, %get3A_815] {strides = array<i32>} : memref<1696x32xf32, #tpu.memory_space<vmem>>, vector<1x16xf32>,
        %get3A_817 = vector.shape_cast %get3A_816 : vector<1x16xf32> to vector<16xf32>
        %add3A_818 = arith.constant 34 : i32
        %add3A_819 = arith.addi %mul3A_199, %add3A_818 : i32
        %get3A_820 = arith.index_cast %add3A_819 : i32 to index
        %get3A_821 = arith.constant 16 : index
        %get3A_822 = tpu.vector_load %arg11[%get3A_820, %get3A_821] {strides = array<i32>} : memref<1696x32xf32, #tpu.memory_space<vmem>>, vector<1x16xf32>,
        %get3A_823 = vector.shape_cast %get3A_822 : vector<1x16xf32> to vector<16xf32>
        %add3A_824 = arith.addf %add3A_806, %get3A_817 : vector<16xf32>
        %add3A_825 = arith.addf %add3A_807, %get3A_823 : vector<16xf32>
        %mul3A_826 = arith.mulf %get3A_817, %get3A_817 : vector<16xf32>
        %add3A_827 = arith.addf %add3A_809, %mul3A_826 : vector<16xf32>
        %mul3A_828 = arith.mulf %get3A_823, %get3A_823 : vector<16xf32>
        %add3A_829 = arith.addf %add3A_811, %mul3A_828 : vector<16xf32>
        %add3A_830 = arith.constant 35 : i32
        %add3A_831 = arith.addi %mul3A_199, %add3A_830 : i32
        %get3A_832 = arith.index_cast %add3A_831 : i32 to index
        %get3A_833 = arith.constant 0 : index
        %get3A_834 = tpu.vector_load %arg11[%get3A_832, %get3A_833] {strides = array<i32>} : memref<1696x32xf32, #tpu.memory_space<vmem>>, vector<1x16xf32>,
        %get3A_835 = vector.shape_cast %get3A_834 : vector<1x16xf32> to vector<16xf32>
        %add3A_836 = arith.constant 35 : i32
        %add3A_837 = arith.addi %mul3A_199, %add3A_836 : i32
        %get3A_838 = arith.index_cast %add3A_837 : i32 to index
        %get3A_839 = arith.constant 16 : index
        %get3A_840 = tpu.vector_load %arg11[%get3A_838, %get3A_839] {strides = array<i32>} : memref<1696x32xf32, #tpu.memory_space<vmem>>, vector<1x16xf32>,
        %get3A_841 = vector.shape_cast %get3A_840 : vector<1x16xf32> to vector<16xf32>
        %add3A_842 = arith.addf %add3A_824, %get3A_835 : vector<16xf32>
        %add3A_843 = arith.addf %add3A_825, %get3A_841 : vector<16xf32>
        %mul3A_844 = arith.mulf %get3A_835, %get3A_835 : vector<16xf32>
        %add3A_845 = arith.addf %add3A_827, %mul3A_844 : vector<16xf32>
        %mul3A_846 = arith.mulf %get3A_841, %get3A_841 : vector<16xf32>
        %add3A_847 = arith.addf %add3A_829, %mul3A_846 : vector<16xf32>
        %add3A_848 = arith.constant 36 : i32
        %add3A_849 = arith.addi %mul3A_199, %add3A_848 : i32
        %get3A_850 = arith.index_cast %add3A_849 : i32 to index
        %get3A_851 = arith.constant 0 : index
        %get3A_852 = tpu.vector_load %arg11[%get3A_850, %get3A_851] {strides = array<i32>} : memref<1696x32xf32, #tpu.memory_space<vmem>>, vector<1x16xf32>,
        %get3A_853 = vector.shape_cast %get3A_852 : vector<1x16xf32> to vector<16xf32>
        %add3A_854 = arith.constant 36 : i32
        %add3A_855 = arith.addi %mul3A_199, %add3A_854 : i32
        %get3A_856 = arith.index_cast %add3A_855 : i32 to index
        %get3A_857 = arith.constant 16 : index
        %get3A_858 = tpu.vector_load %arg11[%get3A_856, %get3A_857] {strides = array<i32>} : memref<1696x32xf32, #tpu.memory_space<vmem>>, vector<1x16xf32>,
        %get3A_859 = vector.shape_cast %get3A_858 : vector<1x16xf32> to vector<16xf32>
        %add3A_860 = arith.addf %add3A_842, %get3A_853 : vector<16xf32>
        %add3A_861 = arith.addf %add3A_843, %get3A_859 : vector<16xf32>
        %mul3A_862 = arith.mulf %get3A_853, %get3A_853 : vector<16xf32>
        %add3A_863 = arith.addf %add3A_845, %mul3A_862 : vector<16xf32>
        %mul3A_864 = arith.mulf %get3A_859, %get3A_859 : vector<16xf32>
        %add3A_865 = arith.addf %add3A_847, %mul3A_864 : vector<16xf32>
        %add3A_866 = arith.constant 37 : i32
        %add3A_867 = arith.addi %mul3A_199, %add3A_866 : i32
        %get3A_868 = arith.index_cast %add3A_867 : i32 to index
        %get3A_869 = arith.constant 0 : index
        %get3A_870 = tpu.vector_load %arg11[%get3A_868, %get3A_869] {strides = array<i32>} : memref<1696x32xf32, #tpu.memory_space<vmem>>, vector<1x16xf32>,
        %get3A_871 = vector.shape_cast %get3A_870 : vector<1x16xf32> to vector<16xf32>
        %add3A_872 = arith.constant 37 : i32
        %add3A_873 = arith.addi %mul3A_199, %add3A_872 : i32
        %get3A_874 = arith.index_cast %add3A_873 : i32 to index
        %get3A_875 = arith.constant 16 : index
        %get3A_876 = tpu.vector_load %arg11[%get3A_874, %get3A_875] {strides = array<i32>} : memref<1696x32xf32, #tpu.memory_space<vmem>>, vector<1x16xf32>,
        %get3A_877 = vector.shape_cast %get3A_876 : vector<1x16xf32> to vector<16xf32>
        %add3A_878 = arith.addf %add3A_860, %get3A_871 : vector<16xf32>
        %add3A_879 = arith.addf %add3A_861, %get3A_877 : vector<16xf32>
        %mul3A_880 = arith.mulf %get3A_871, %get3A_871 : vector<16xf32>
        %add3A_881 = arith.addf %add3A_863, %mul3A_880 : vector<16xf32>
        %mul3A_882 = arith.mulf %get3A_877, %get3A_877 : vector<16xf32>
        %add3A_883 = arith.addf %add3A_865, %mul3A_882 : vector<16xf32>
        %add3A_884 = arith.constant 38 : i32
        %add3A_885 = arith.addi %mul3A_199, %add3A_884 : i32
        %get3A_886 = arith.index_cast %add3A_885 : i32 to index
        %get3A_887 = arith.constant 0 : index
        %get3A_888 = tpu.vector_load %arg11[%get3A_886, %get3A_887] {strides = array<i32>} : memref<1696x32xf32, #tpu.memory_space<vmem>>, vector<1x16xf32>,
        %get3A_889 = vector.shape_cast %get3A_888 : vector<1x16xf32> to vector<16xf32>
        %add3A_890 = arith.constant 38 : i32
        %add3A_891 = arith.addi %mul3A_199, %add3A_890 : i32
        %get3A_892 = arith.index_cast %add3A_891 : i32 to index
        %get3A_893 = arith.constant 16 : index
        %get3A_894 = tpu.vector_load %arg11[%get3A_892, %get3A_893] {strides = array<i32>} : memref<1696x32xf32, #tpu.memory_space<vmem>>, vector<1x16xf32>,
        %get3A_895 = vector.shape_cast %get3A_894 : vector<1x16xf32> to vector<16xf32>
        %add3A_896 = arith.addf %add3A_878, %get3A_889 : vector<16xf32>
        %add3A_897 = arith.addf %add3A_879, %get3A_895 : vector<16xf32>
        %mul3A_898 = arith.mulf %get3A_889, %get3A_889 : vector<16xf32>
        %add3A_899 = arith.addf %add3A_881, %mul3A_898 : vector<16xf32>
        %mul3A_900 = arith.mulf %get3A_895, %get3A_895 : vector<16xf32>
        %add3A_901 = arith.addf %add3A_883, %mul3A_900 : vector<16xf32>
        %add3A_902 = arith.constant 39 : i32
        %add3A_903 = arith.addi %mul3A_199, %add3A_902 : i32
        %get3A_904 = arith.index_cast %add3A_903 : i32 to index
        %get3A_905 = arith.constant 0 : index
        %get3A_906 = tpu.vector_load %arg11[%get3A_904, %get3A_905] {strides = array<i32>} : memref<1696x32xf32, #tpu.memory_space<vmem>>, vector<1x16xf32>,
        %get3A_907 = vector.shape_cast %get3A_906 : vector<1x16xf32> to vector<16xf32>
        %add3A_908 = arith.constant 39 : i32
        %add3A_909 = arith.addi %mul3A_199, %add3A_908 : i32
        %get3A_910 = arith.index_cast %add3A_909 : i32 to index
        %get3A_911 = arith.constant 16 : index
        %get3A_912 = tpu.vector_load %arg11[%get3A_910, %get3A_911] {strides = array<i32>} : memref<1696x32xf32, #tpu.memory_space<vmem>>, vector<1x16xf32>,
        %get3A_913 = vector.shape_cast %get3A_912 : vector<1x16xf32> to vector<16xf32>
        %add3A_914 = arith.addf %add3A_896, %get3A_907 : vector<16xf32>
        %add3A_915 = arith.addf %add3A_897, %get3A_913 : vector<16xf32>
        %mul3A_916 = arith.mulf %get3A_907, %get3A_907 : vector<16xf32>
        %add3A_917 = arith.addf %add3A_899, %mul3A_916 : vector<16xf32>
        %mul3A_918 = arith.mulf %get3A_913, %get3A_913 : vector<16xf32>
        %add3A_919 = arith.addf %add3A_901, %mul3A_918 : vector<16xf32>
        %add3A_920 = arith.constant 40 : i32
        %add3A_921 = arith.addi %mul3A_199, %add3A_920 : i32
        %get3A_922 = arith.index_cast %add3A_921 : i32 to index
        %get3A_923 = arith.constant 0 : index
        %get3A_924 = tpu.vector_load %arg11[%get3A_922, %get3A_923] {strides = array<i32>} : memref<1696x32xf32, #tpu.memory_space<vmem>>, vector<1x16xf32>,
        %get3A_925 = vector.shape_cast %get3A_924 : vector<1x16xf32> to vector<16xf32>
        %add3A_926 = arith.constant 40 : i32
        %add3A_927 = arith.addi %mul3A_199, %add3A_926 : i32
        %get3A_928 = arith.index_cast %add3A_927 : i32 to index
        %get3A_929 = arith.constant 16 : index
        %get3A_930 = tpu.vector_load %arg11[%get3A_928, %get3A_929] {strides = array<i32>} : memref<1696x32xf32, #tpu.memory_space<vmem>>, vector<1x16xf32>,
        %get3A_931 = vector.shape_cast %get3A_930 : vector<1x16xf32> to vector<16xf32>
        %add3A_932 = arith.addf %add3A_914, %get3A_925 : vector<16xf32>
        %add3A_933 = arith.addf %add3A_915, %get3A_931 : vector<16xf32>
        %mul3A_934 = arith.mulf %get3A_925, %get3A_925 : vector<16xf32>
        %add3A_935 = arith.addf %add3A_917, %mul3A_934 : vector<16xf32>
        %mul3A_936 = arith.mulf %get3A_931, %get3A_931 : vector<16xf32>
        %add3A_937 = arith.addf %add3A_919, %mul3A_936 : vector<16xf32>
        %add3A_938 = arith.constant 41 : i32
        %add3A_939 = arith.addi %mul3A_199, %add3A_938 : i32
        %get3A_940 = arith.index_cast %add3A_939 : i32 to index
        %get3A_941 = arith.constant 0 : index
        %get3A_942 = tpu.vector_load %arg11[%get3A_940, %get3A_941] {strides = array<i32>} : memref<1696x32xf32, #tpu.memory_space<vmem>>, vector<1x16xf32>,
        %get3A_943 = vector.shape_cast %get3A_942 : vector<1x16xf32> to vector<16xf32>
        %add3A_944 = arith.constant 41 : i32
        %add3A_945 = arith.addi %mul3A_199, %add3A_944 : i32
        %get3A_946 = arith.index_cast %add3A_945 : i32 to index
        %get3A_947 = arith.constant 16 : index
        %get3A_948 = tpu.vector_load %arg11[%get3A_946, %get3A_947] {strides = array<i32>} : memref<1696x32xf32, #tpu.memory_space<vmem>>, vector<1x16xf32>,
        %get3A_949 = vector.shape_cast %get3A_948 : vector<1x16xf32> to vector<16xf32>
        %add3A_950 = arith.addf %add3A_932, %get3A_943 : vector<16xf32>
        %add3A_951 = arith.addf %add3A_933, %get3A_949 : vector<16xf32>
        %mul3A_952 = arith.mulf %get3A_943, %get3A_943 : vector<16xf32>
        %add3A_953 = arith.addf %add3A_935, %mul3A_952 : vector<16xf32>
        %mul3A_954 = arith.mulf %get3A_949, %get3A_949 : vector<16xf32>
        %add3A_955 = arith.addf %add3A_937, %mul3A_954 : vector<16xf32>
        %add3A_956 = arith.constant 42 : i32
        %add3A_957 = arith.addi %mul3A_199, %add3A_956 : i32
        %get3A_958 = arith.index_cast %add3A_957 : i32 to index
        %get3A_959 = arith.constant 0 : index
        %get3A_960 = tpu.vector_load %arg11[%get3A_958, %get3A_959] {strides = array<i32>} : memref<1696x32xf32, #tpu.memory_space<vmem>>, vector<1x16xf32>,
        %get3A_961 = vector.shape_cast %get3A_960 : vector<1x16xf32> to vector<16xf32>
        %add3A_962 = arith.constant 42 : i32
        %add3A_963 = arith.addi %mul3A_199, %add3A_962 : i32
        %get3A_964 = arith.index_cast %add3A_963 : i32 to index
        %get3A_965 = arith.constant 16 : index
        %get3A_966 = tpu.vector_load %arg11[%get3A_964, %get3A_965] {strides = array<i32>} : memref<1696x32xf32, #tpu.memory_space<vmem>>, vector<1x16xf32>,
        %get3A_967 = vector.shape_cast %get3A_966 : vector<1x16xf32> to vector<16xf32>
        %add3A_968 = arith.addf %add3A_950, %get3A_961 : vector<16xf32>
        %add3A_969 = arith.addf %add3A_951, %get3A_967 : vector<16xf32>
        %mul3A_970 = arith.mulf %get3A_961, %get3A_961 : vector<16xf32>
        %add3A_971 = arith.addf %add3A_953, %mul3A_970 : vector<16xf32>
        %mul3A_972 = arith.mulf %get3A_967, %get3A_967 : vector<16xf32>
        %add3A_973 = arith.addf %add3A_955, %mul3A_972 : vector<16xf32>
        %add3A_974 = arith.constant 43 : i32
        %add3A_975 = arith.addi %mul3A_199, %add3A_974 : i32
        %get3A_976 = arith.index_cast %add3A_975 : i32 to index
        %get3A_977 = arith.constant 0 : index
        %get3A_978 = tpu.vector_load %arg11[%get3A_976, %get3A_977] {strides = array<i32>} : memref<1696x32xf32, #tpu.memory_space<vmem>>, vector<1x16xf32>,
        %get3A_979 = vector.shape_cast %get3A_978 : vector<1x16xf32> to vector<16xf32>
        %add3A_980 = arith.constant 43 : i32
        %add3A_981 = arith.addi %mul3A_199, %add3A_980 : i32
        %get3A_982 = arith.index_cast %add3A_981 : i32 to index
        %get3A_983 = arith.constant 16 : index
        %get3A_984 = tpu.vector_load %arg11[%get3A_982, %get3A_983] {strides = array<i32>} : memref<1696x32xf32, #tpu.memory_space<vmem>>, vector<1x16xf32>,
        %get3A_985 = vector.shape_cast %get3A_984 : vector<1x16xf32> to vector<16xf32>
        %add3A_986 = arith.addf %add3A_968, %get3A_979 : vector<16xf32>
        %add3A_987 = arith.addf %add3A_969, %get3A_985 : vector<16xf32>
        %mul3A_988 = arith.mulf %get3A_979, %get3A_979 : vector<16xf32>
        %add3A_989 = arith.addf %add3A_971, %mul3A_988 : vector<16xf32>
        %mul3A_990 = arith.mulf %get3A_985, %get3A_985 : vector<16xf32>
        %add3A_991 = arith.addf %add3A_973, %mul3A_990 : vector<16xf32>
        %add3A_992 = arith.constant 44 : i32
        %add3A_993 = arith.addi %mul3A_199, %add3A_992 : i32
        %get3A_994 = arith.index_cast %add3A_993 : i32 to index
        %get3A_995 = arith.constant 0 : index
        %get3A_996 = tpu.vector_load %arg11[%get3A_994, %get3A_995] {strides = array<i32>} : memref<1696x32xf32, #tpu.memory_space<vmem>>, vector<1x16xf32>,
        %get3A_997 = vector.shape_cast %get3A_996 : vector<1x16xf32> to vector<16xf32>
        %add3A_998 = arith.constant 44 : i32
        %add3A_999 = arith.addi %mul3A_199, %add3A_998 : i32
        %get3A_1000 = arith.index_cast %add3A_999 : i32 to index
        %get3A_1001 = arith.constant 16 : index
        %get3A_1002 = tpu.vector_load %arg11[%get3A_1000, %get3A_1001] {strides = array<i32>} : memref<1696x32xf32, #tpu.memory_space<vmem>>, vector<1x16xf32>,
        %get3A_1003 = vector.shape_cast %get3A_1002 : vector<1x16xf32> to vector<16xf32>
        %add3A_1004 = arith.addf %add3A_986, %get3A_997 : vector<16xf32>
        %add3A_1005 = arith.addf %add3A_987, %get3A_1003 : vector<16xf32>
        %mul3A_1006 = arith.mulf %get3A_997, %get3A_997 : vector<16xf32>
        %add3A_1007 = arith.addf %add3A_989, %mul3A_1006 : vector<16xf32>
        %mul3A_1008 = arith.mulf %get3A_1003, %get3A_1003 : vector<16xf32>
        %add3A_1009 = arith.addf %add3A_991, %mul3A_1008 : vector<16xf32>
        %add3A_1010 = arith.constant 45 : i32
        %add3A_1011 = arith.addi %mul3A_199, %add3A_1010 : i32
        %get3A_1012 = arith.index_cast %add3A_1011 : i32 to index
        %get3A_1013 = arith.constant 0 : index
        %get3A_1014 = tpu.vector_load %arg11[%get3A_1012, %get3A_1013] {strides = array<i32>} : memref<1696x32xf32, #tpu.memory_space<vmem>>, vector<1x16xf32>,
        %get3A_1015 = vector.shape_cast %get3A_1014 : vector<1x16xf32> to vector<16xf32>
        %add3A_1016 = arith.constant 45 : i32
        %add3A_1017 = arith.addi %mul3A_199, %add3A_1016 : i32
        %get3A_1018 = arith.index_cast %add3A_1017 : i32 to index
        %get3A_1019 = arith.constant 16 : index
        %get3A_1020 = tpu.vector_load %arg11[%get3A_1018, %get3A_1019] {strides = array<i32>} : memref<1696x32xf32, #tpu.memory_space<vmem>>, vector<1x16xf32>,
        %get3A_1021 = vector.shape_cast %get3A_1020 : vector<1x16xf32> to vector<16xf32>
        %add3A_1022 = arith.addf %add3A_1004, %get3A_1015 : vector<16xf32>
        %add3A_1023 = arith.addf %add3A_1005, %get3A_1021 : vector<16xf32>
        %mul3A_1024 = arith.mulf %get3A_1015, %get3A_1015 : vector<16xf32>
        %add3A_1025 = arith.addf %add3A_1007, %mul3A_1024 : vector<16xf32>
        %mul3A_1026 = arith.mulf %get3A_1021, %get3A_1021 : vector<16xf32>
        %add3A_1027 = arith.addf %add3A_1009, %mul3A_1026 : vector<16xf32>
        %add3A_1028 = arith.constant 46 : i32
        %add3A_1029 = arith.addi %mul3A_199, %add3A_1028 : i32
        %get3A_1030 = arith.index_cast %add3A_1029 : i32 to index
        %get3A_1031 = arith.constant 0 : index
        %get3A_1032 = tpu.vector_load %arg11[%get3A_1030, %get3A_1031] {strides = array<i32>} : memref<1696x32xf32, #tpu.memory_space<vmem>>, vector<1x16xf32>,
        %get3A_1033 = vector.shape_cast %get3A_1032 : vector<1x16xf32> to vector<16xf32>
        %add3A_1034 = arith.constant 46 : i32
        %add3A_1035 = arith.addi %mul3A_199, %add3A_1034 : i32
        %get3A_1036 = arith.index_cast %add3A_1035 : i32 to index
        %get3A_1037 = arith.constant 16 : index
        %get3A_1038 = tpu.vector_load %arg11[%get3A_1036, %get3A_1037] {strides = array<i32>} : memref<1696x32xf32, #tpu.memory_space<vmem>>, vector<1x16xf32>,
        %get3A_1039 = vector.shape_cast %get3A_1038 : vector<1x16xf32> to vector<16xf32>
        %add3A_1040 = arith.addf %add3A_1022, %get3A_1033 : vector<16xf32>
        %add3A_1041 = arith.addf %add3A_1023, %get3A_1039 : vector<16xf32>
        %mul3A_1042 = arith.mulf %get3A_1033, %get3A_1033 : vector<16xf32>
        %add3A_1043 = arith.addf %add3A_1025, %mul3A_1042 : vector<16xf32>
        %mul3A_1044 = arith.mulf %get3A_1039, %get3A_1039 : vector<16xf32>
        %add3A_1045 = arith.addf %add3A_1027, %mul3A_1044 : vector<16xf32>
        %add3A_1046 = arith.constant 47 : i32
        %add3A_1047 = arith.addi %mul3A_199, %add3A_1046 : i32
        %get3A_1048 = arith.index_cast %add3A_1047 : i32 to index
        %get3A_1049 = arith.constant 0 : index
        %get3A_1050 = tpu.vector_load %arg11[%get3A_1048, %get3A_1049] {strides = array<i32>} : memref<1696x32xf32, #tpu.memory_space<vmem>>, vector<1x16xf32>,
        %get3A_1051 = vector.shape_cast %get3A_1050 : vector<1x16xf32> to vector<16xf32>
        %add3A_1052 = arith.constant 47 : i32
        %add3A_1053 = arith.addi %mul3A_199, %add3A_1052 : i32
        %get3A_1054 = arith.index_cast %add3A_1053 : i32 to index
        %get3A_1055 = arith.constant 16 : index
        %get3A_1056 = tpu.vector_load %arg11[%get3A_1054, %get3A_1055] {strides = array<i32>} : memref<1696x32xf32, #tpu.memory_space<vmem>>, vector<1x16xf32>,
        %get3A_1057 = vector.shape_cast %get3A_1056 : vector<1x16xf32> to vector<16xf32>
        %add3A_1058 = arith.addf %add3A_1040, %get3A_1051 : vector<16xf32>
        %add3A_1059 = arith.addf %add3A_1041, %get3A_1057 : vector<16xf32>
        %mul3A_1060 = arith.mulf %get3A_1051, %get3A_1051 : vector<16xf32>
        %add3A_1061 = arith.addf %add3A_1043, %mul3A_1060 : vector<16xf32>
        %mul3A_1062 = arith.mulf %get3A_1057, %get3A_1057 : vector<16xf32>
        %add3A_1063 = arith.addf %add3A_1045, %mul3A_1062 : vector<16xf32>
        %add3A_1064 = arith.constant 48 : i32
        %add3A_1065 = arith.addi %mul3A_199, %add3A_1064 : i32
        %get3A_1066 = arith.index_cast %add3A_1065 : i32 to index
        %get3A_1067 = arith.constant 0 : index
        %get3A_1068 = tpu.vector_load %arg11[%get3A_1066, %get3A_1067] {strides = array<i32>} : memref<1696x32xf32, #tpu.memory_space<vmem>>, vector<1x16xf32>,
        %get3A_1069 = vector.shape_cast %get3A_1068 : vector<1x16xf32> to vector<16xf32>
        %add3A_1070 = arith.constant 48 : i32
        %add3A_1071 = arith.addi %mul3A_199, %add3A_1070 : i32
        %get3A_1072 = arith.index_cast %add3A_1071 : i32 to index
        %get3A_1073 = arith.constant 16 : index
        %get3A_1074 = tpu.vector_load %arg11[%get3A_1072, %get3A_1073] {strides = array<i32>} : memref<1696x32xf32, #tpu.memory_space<vmem>>, vector<1x16xf32>,
        %get3A_1075 = vector.shape_cast %get3A_1074 : vector<1x16xf32> to vector<16xf32>
        %add3A_1076 = arith.addf %add3A_1058, %get3A_1069 : vector<16xf32>
        %add3A_1077 = arith.addf %add3A_1059, %get3A_1075 : vector<16xf32>
        %mul3A_1078 = arith.mulf %get3A_1069, %get3A_1069 : vector<16xf32>
        %add3A_1079 = arith.addf %add3A_1061, %mul3A_1078 : vector<16xf32>
        %mul3A_1080 = arith.mulf %get3A_1075, %get3A_1075 : vector<16xf32>
        %add3A_1081 = arith.addf %add3A_1063, %mul3A_1080 : vector<16xf32>
        %add3A_1082 = arith.constant 49 : i32
        %add3A_1083 = arith.addi %mul3A_199, %add3A_1082 : i32
        %get3A_1084 = arith.index_cast %add3A_1083 : i32 to index
        %get3A_1085 = arith.constant 0 : index
        %get3A_1086 = tpu.vector_load %arg11[%get3A_1084, %get3A_1085] {strides = array<i32>} : memref<1696x32xf32, #tpu.memory_space<vmem>>, vector<1x16xf32>,
        %get3A_1087 = vector.shape_cast %get3A_1086 : vector<1x16xf32> to vector<16xf32>
        %add3A_1088 = arith.constant 49 : i32
        %add3A_1089 = arith.addi %mul3A_199, %add3A_1088 : i32
        %get3A_1090 = arith.index_cast %add3A_1089 : i32 to index
        %get3A_1091 = arith.constant 16 : index
        %get3A_1092 = tpu.vector_load %arg11[%get3A_1090, %get3A_1091] {strides = array<i32>} : memref<1696x32xf32, #tpu.memory_space<vmem>>, vector<1x16xf32>,
        %get3A_1093 = vector.shape_cast %get3A_1092 : vector<1x16xf32> to vector<16xf32>
        %add3A_1094 = arith.addf %add3A_1076, %get3A_1087 : vector<16xf32>
        %add3A_1095 = arith.addf %add3A_1077, %get3A_1093 : vector<16xf32>
        %mul3A_1096 = arith.mulf %get3A_1087, %get3A_1087 : vector<16xf32>
        %add3A_1097 = arith.addf %add3A_1079, %mul3A_1096 : vector<16xf32>
        %mul3A_1098 = arith.mulf %get3A_1093, %get3A_1093 : vector<16xf32>
        %add3A_1099 = arith.addf %add3A_1081, %mul3A_1098 : vector<16xf32>
        %add3A_1100 = arith.constant 50 : i32
        %add3A_1101 = arith.addi %mul3A_199, %add3A_1100 : i32
        %get3A_1102 = arith.index_cast %add3A_1101 : i32 to index
        %get3A_1103 = arith.constant 0 : index
        %get3A_1104 = tpu.vector_load %arg11[%get3A_1102, %get3A_1103] {strides = array<i32>} : memref<1696x32xf32, #tpu.memory_space<vmem>>, vector<1x16xf32>,
        %get3A_1105 = vector.shape_cast %get3A_1104 : vector<1x16xf32> to vector<16xf32>
        %add3A_1106 = arith.constant 50 : i32
        %add3A_1107 = arith.addi %mul3A_199, %add3A_1106 : i32
        %get3A_1108 = arith.index_cast %add3A_1107 : i32 to index
        %get3A_1109 = arith.constant 16 : index
        %get3A_1110 = tpu.vector_load %arg11[%get3A_1108, %get3A_1109] {strides = array<i32>} : memref<1696x32xf32, #tpu.memory_space<vmem>>, vector<1x16xf32>,
        %get3A_1111 = vector.shape_cast %get3A_1110 : vector<1x16xf32> to vector<16xf32>
        %add3A_1112 = arith.addf %add3A_1094, %get3A_1105 : vector<16xf32>
        %add3A_1113 = arith.addf %add3A_1095, %get3A_1111 : vector<16xf32>
        %mul3A_1114 = arith.mulf %get3A_1105, %get3A_1105 : vector<16xf32>
        %add3A_1115 = arith.addf %add3A_1097, %mul3A_1114 : vector<16xf32>
        %mul3A_1116 = arith.mulf %get3A_1111, %get3A_1111 : vector<16xf32>
        %add3A_1117 = arith.addf %add3A_1099, %mul3A_1116 : vector<16xf32>
        %add3A_1118 = arith.constant 51 : i32
        %add3A_1119 = arith.addi %mul3A_199, %add3A_1118 : i32
        %get3A_1120 = arith.index_cast %add3A_1119 : i32 to index
        %get3A_1121 = arith.constant 0 : index
        %get3A_1122 = tpu.vector_load %arg11[%get3A_1120, %get3A_1121] {strides = array<i32>} : memref<1696x32xf32, #tpu.memory_space<vmem>>, vector<1x16xf32>,
        %get3A_1123 = vector.shape_cast %get3A_1122 : vector<1x16xf32> to vector<16xf32>
        %add3A_1124 = arith.constant 51 : i32
        %add3A_1125 = arith.addi %mul3A_199, %add3A_1124 : i32
        %get3A_1126 = arith.index_cast %add3A_1125 : i32 to index
        %get3A_1127 = arith.constant 16 : index
        %get3A_1128 = tpu.vector_load %arg11[%get3A_1126, %get3A_1127] {strides = array<i32>} : memref<1696x32xf32, #tpu.memory_space<vmem>>, vector<1x16xf32>,
        %get3A_1129 = vector.shape_cast %get3A_1128 : vector<1x16xf32> to vector<16xf32>
        %add3A_1130 = arith.addf %broadcast_in_dim3A_39, %get3A_1123 : vector<16xf32>
        %add3A_1131 = arith.addf %broadcast_in_dim3A_39, %get3A_1129 : vector<16xf32>
        %mul3A_1132 = arith.mulf %get3A_1123, %get3A_1123 : vector<16xf32>
        %add3A_1133 = arith.addf %add3A_1115, %mul3A_1132 : vector<16xf32>
        %mul3A_1134 = arith.mulf %get3A_1129, %get3A_1129 : vector<16xf32>
        %add3A_1135 = arith.addf %add3A_1117, %mul3A_1134 : vector<16xf32>
        %add3A_1136 = arith.constant 52 : i32
        %add3A_1137 = arith.addi %mul3A_199, %add3A_1136 : i32
        %get3A_1138 = arith.index_cast %add3A_1137 : i32 to index
        %get3A_1139 = arith.constant 0 : index
        %get3A_1140 = tpu.vector_load %arg11[%get3A_1138, %get3A_1139] {strides = array<i32>} : memref<1696x32xf32, #tpu.memory_space<vmem>>, vector<1x16xf32>,
        %get3A_1141 = vector.shape_cast %get3A_1140 : vector<1x16xf32> to vector<16xf32>
        %add3A_1142 = arith.constant 52 : i32
        %add3A_1143 = arith.addi %mul3A_199, %add3A_1142 : i32
        %get3A_1144 = arith.index_cast %add3A_1143 : i32 to index
        %get3A_1145 = arith.constant 16 : index
        %get3A_1146 = tpu.vector_load %arg11[%get3A_1144, %get3A_1145] {strides = array<i32>} : memref<1696x32xf32, #tpu.memory_space<vmem>>, vector<1x16xf32>,
        %get3A_1147 = vector.shape_cast %get3A_1146 : vector<1x16xf32> to vector<16xf32>
        %add3A_1148 = arith.addf %add3A_1130, %get3A_1141 : vector<16xf32>
        %add3A_1149 = arith.addf %add3A_1131, %get3A_1147 : vector<16xf32>
        %mul3A_1150 = arith.mulf %get3A_1141, %get3A_1141 : vector<16xf32>
        %add3A_1151 = arith.addf %add3A_1133, %mul3A_1150 : vector<16xf32>
        %mul3A_1152 = arith.mulf %get3A_1147, %get3A_1147 : vector<16xf32>
        %add3A_1153 = arith.addf %add3A_1135, %mul3A_1152 : vector<16xf32>
        %add3A_1154 = arith.addf %add3A_1112, %add3A_1148 : vector<16xf32>
        %add3A_1155 = arith.addf %add3A_1113, %add3A_1149 : vector<16xf32>
        %mul3A_1156 = arith.mulf %add3A_1154, %add3A_1154 : vector<16xf32>
        %sub3A = arith.subf %mul3A_1156, %add3A_1151 : vector<16xf32>
        %mul3A_1157 = arith.mulf %add3A_1155, %add3A_1155 : vector<16xf32>
        %sub3A_1158 = arith.subf %mul3A_1157, %add3A_1153 : vector<16xf32>
        %add3A_1159 = arith.addf %sub3A, %sub3A_1158 : vector<16xf32>
        %get3A_1160 = arith.index_cast %mul3A_199 : i32 to index
        %get3A_1161 = tpu.vector_load %arg13[%get3A_1160] {strides = array<i32>} : memref<1712xf32, #tpu.memory_space<vmem>>, vector<16xf32>,
        %get3A_1162 = vector.shape_cast %get3A_1161 : vector<16xf32> to vector<16xf32>
        %add3A_1163 = arith.constant 16 : i32
        %add3A_1164 = arith.addi %mul3A_199, %add3A_1163 : i32
        %get3A_1165 = arith.index_cast %add3A_1164 : i32 to index
        %get3A_1166 = tpu.vector_load %arg13[%get3A_1165] {strides = array<i32>} : memref<1712xf32, #tpu.memory_space<vmem>>, vector<16xf32>,
        %get3A_1167 = vector.shape_cast %get3A_1166 : vector<16xf32> to vector<16xf32>
        %add3A_1168 = arith.constant 32 : i32
        %add3A_1169 = arith.addi %mul3A_199, %add3A_1168 : i32
        %get3A_1170 = arith.index_cast %add3A_1169 : i32 to index
        %get3A_1171 = tpu.vector_load %arg13[%get3A_1170] {strides = array<i32>} : memref<1712xf32, #tpu.memory_space<vmem>>, vector<16xf32>,
        %get3A_1172 = vector.shape_cast %get3A_1171 : vector<16xf32> to vector<16xf32>
        %add3A_1173 = arith.constant 48 : i32
        %add3A_1174 = arith.addi %mul3A_199, %add3A_1173 : i32
        %get3A_1175 = arith.index_cast %add3A_1174 : i32 to index
        %get3A_1176 = tpu.vector_load %arg13[%get3A_1175] {strides = array<i32>} : memref<1712xf32, #tpu.memory_space<vmem>>, vector<16xf32>,
        %get3A_1177 = vector.shape_cast %get3A_1176 : vector<16xf32> to vector<16xf32>
        %jit3A = arith.constant 0.000000e+00 : f32
        %broadcast_in_dim3A_1178 = vector.broadcast %jit3A : f32 to vector<16xf32>
        %select_n3A = arith.select %lt3A_27, %get3A_1177, %broadcast_in_dim3A_1178 : vector<16xi1>, vector<16xf32>
        %mul3A_1179 = arith.constant 5.000000e-01 : f32
        %mul3A_1180 = vector.broadcast %mul3A_1179 : f32 to vector<16xf32>
        %mul3A_1181 = arith.mulf %mul3A_1180, %add3A_1159 : vector<16xf32>
        %add3A_1182 = arith.addf %get3A_1162, %get3A_1167 : vector<16xf32>
        %add3A_1183 = arith.addf %get3A_1172, %select_n3A : vector<16xf32>
        %add3A_1184 = arith.addf %add3A_1182, %add3A_1183 : vector<16xf32>
        %add3A_1185 = arith.addf %mul3A_1181, %add3A_1184 : vector<16xf32>
        %reshape3A = vector.shape_cast %xor3A_29 : vector<16xi32> to vector<16x1xi32>
        %gather3A = vector.shape_cast %reshape3A : vector<16x1xi32> to vector<16xi32>
        %gather3A_1186 = tpu.dynamic_gather %add3A_1185[%gather3A] in [0] : vector<16xf32>, vector<16xi32> -> vector<16xf32>
        %add3A_1187 = arith.addf %add3A_1185, %gather3A_1186 : vector<16xf32>
        %reshape3A_1188 = vector.shape_cast %xor3A_32 : vector<16xi32> to vector<16x1xi32>
        %gather3A_1189 = vector.shape_cast %reshape3A_1188 : vector<16x1xi32> to vector<16xi32>
        %gather3A_1190 = tpu.dynamic_gather %add3A_1187[%gather3A_1189] in [0] : vector<16xf32>, vector<16xi32> -> vector<16xf32>
        %add3A_1191 = arith.addf %add3A_1187, %gather3A_1190 : vector<16xf32>
        %reshape3A_1192 = vector.shape_cast %xor3A_35 : vector<16xi32> to vector<16x1xi32>
        %gather3A_1193 = vector.shape_cast %reshape3A_1192 : vector<16x1xi32> to vector<16xi32>
        %gather3A_1194 = tpu.dynamic_gather %add3A_1191[%gather3A_1193] in [0] : vector<16xf32>, vector<16xi32> -> vector<16xf32>
        %add3A_1195 = arith.addf %add3A_1191, %gather3A_1194 : vector<16xf32>
        %reshape3A_1196 = vector.shape_cast %xor3A_38 : vector<16xi32> to vector<16x1xi32>
        %gather3A_1197 = vector.shape_cast %reshape3A_1196 : vector<16x1xi32> to vector<16xi32>
        %gather3A_1198 = tpu.dynamic_gather %add3A_1195[%gather3A_1197] in [0] : vector<16xf32>, vector<16xi32> -> vector<16xf32>
        %add3A_1199 = arith.addf %add3A_1195, %gather3A_1198 : vector<16xf32>
        %and3A = arith.constant 15 : i32
        %and3A_1200 = arith.andi %scan3A_196, %and3A : i32
        %eq3A = vector.broadcast %and3A_1200 : i32 to vector<16xi32>
        %eq3A_1201 = arith.cmpi eq, %iota3A, %eq3A : vector<16xi32>
        %select_n3A_1202 = arith.select %eq3A_1201, %add3A_1199, %scan3A_197 : vector<16xi1>, vector<16xf32>
        %and3A_1203 = arith.constant 15 : i32
        %and3A_1204 = arith.andi %scan3A_196, %and3A_1203 : i32
        %eq3A_1205 = arith.constant 15 : i32
        %eq3A_1206 = arith.cmpi eq, %and3A_1204, %eq3A_1205 : i32
        %convert_element_type3A_1207 = arith.extui %eq3A_1206 : i1 to i32
        %cond3A_1208 = arith.constant 0 : i32
        %cond3A_1209 = arith.cmpi ne, %convert_element_type3A_1207, %cond3A_1208 : i32
        scf.if %cond3A_1209 {
          %sub3A_1238 = arith.constant 15 : i32
          %sub3A_1239 = arith.subi %scan3A_196, %sub3A_1238 : i32
          %swap3A_1240 = arith.index_cast %sub3A_1239 : i32 to index
          %swap3A_1241 = tpu.vector_load %arg18[%swap3A_1240] {strides = array<i32>} : memref<32xf32, #tpu.memory_space<vmem>>, vector<16xf32>,
          %swap3A_1242 = vector.shape_cast %swap3A_1241 : vector<16xf32> to vector<16xf32>
          %swap3A_1243 = vector.shape_cast %select_n3A_1202 : vector<16xf32> to vector<16xf32>
          tpu.vector_store %arg18[%swap3A_1240], %swap3A_1243 {strides = array<i32>} : memref<32xf32, #tpu.memory_space<vmem>>, vector<16xf32>,
        } else {
        }
        %mul3A_1210 = arith.constant 32 : i32
        %mul3A_1211 = arith.muli %scan3A_196, %mul3A_1210 : i32
        %swap3A_1212 = arith.index_cast %mul3A_1211 : i32 to index
        %swap3A_1213 = tpu.vector_load %arg15[%swap3A_1212] {strides = array<i32>} : memref<1024xf32, #tpu.memory_space<vmem>>, vector<16xf32>,
        %swap3A_1214 = vector.shape_cast %swap3A_1213 : vector<16xf32> to vector<16xf32>
        %swap3A_1215 = vector.shape_cast %add3A_1112 : vector<16xf32> to vector<16xf32>
        tpu.vector_store %arg15[%swap3A_1212], %swap3A_1215 {strides = array<i32>} : memref<1024xf32, #tpu.memory_space<vmem>>, vector<16xf32>,
        %mul3A_1216 = arith.constant 32 : i32
        %mul3A_1217 = arith.muli %scan3A_196, %mul3A_1216 : i32
        %add3A_1218 = arith.constant 16 : i32
        %add3A_1219 = arith.addi %mul3A_1217, %add3A_1218 : i32
        %swap3A_1220 = arith.index_cast %add3A_1219 : i32 to index
        %swap3A_1221 = tpu.vector_load %arg15[%swap3A_1220] {strides = array<i32>} : memref<1024xf32, #tpu.memory_space<vmem>>, vector<16xf32>,
        %swap3A_1222 = vector.shape_cast %swap3A_1221 : vector<16xf32> to vector<16xf32>
        %swap3A_1223 = vector.shape_cast %add3A_1113 : vector<16xf32> to vector<16xf32>
        tpu.vector_store %arg15[%swap3A_1220], %swap3A_1223 {strides = array<i32>} : memref<1024xf32, #tpu.memory_space<vmem>>, vector<16xf32>,
        %mul3A_1224 = arith.constant 32 : i32
        %mul3A_1225 = arith.muli %scan3A_196, %mul3A_1224 : i32
        %swap3A_1226 = arith.index_cast %mul3A_1225 : i32 to index
        %swap3A_1227 = tpu.vector_load %arg16[%swap3A_1226] {strides = array<i32>} : memref<1024xf32, #tpu.memory_space<vmem>>, vector<16xf32>,
        %swap3A_1228 = vector.shape_cast %swap3A_1227 : vector<16xf32> to vector<16xf32>
        %swap3A_1229 = vector.shape_cast %add3A_1148 : vector<16xf32> to vector<16xf32>
        tpu.vector_store %arg16[%swap3A_1226], %swap3A_1229 {strides = array<i32>} : memref<1024xf32, #tpu.memory_space<vmem>>, vector<16xf32>,
        %mul3A_1230 = arith.constant 32 : i32
        %mul3A_1231 = arith.muli %scan3A_196, %mul3A_1230 : i32
        %add3A_1232 = arith.constant 16 : i32
        %add3A_1233 = arith.addi %mul3A_1231, %add3A_1232 : i32
        %swap3A_1234 = arith.index_cast %add3A_1233 : i32 to index
        %swap3A_1235 = tpu.vector_load %arg16[%swap3A_1234] {strides = array<i32>} : memref<1024xf32, #tpu.memory_space<vmem>>, vector<16xf32>,
        %swap3A_1236 = vector.shape_cast %swap3A_1235 : vector<16xf32> to vector<16xf32>
        %swap3A_1237 = vector.shape_cast %add3A_1149 : vector<16xf32> to vector<16xf32>
        tpu.vector_store %arg16[%swap3A_1234], %swap3A_1237 {strides = array<i32>} : memref<1024xf32, #tpu.memory_space<vmem>>, vector<16xf32>,
        scf.yield %select_n3A_1202 : vector<16xf32>
      }
      %scan3A_76 = arith.constant 32 : i32
      %get3A = arith.constant 0 : index
      %get3A_77 = tpu.vector_load %arg19[%get3A] {strides = array<i32>} : memref<16xf32, #tpu.memory_space<vmem>>, vector<16xf32>,
      %get3A_78 = vector.shape_cast %get3A_77 : vector<16xf32> to vector<16xf32>
      %get3A_79 = arith.constant 0 : index
      %get3A_80 = tpu.vector_load %arg18[%get3A_79] {strides = array<i32>} : memref<32xf32, #tpu.memory_space<vmem>>, vector<16xf32>,
      %get3A_81 = vector.shape_cast %get3A_80 : vector<16xf32> to vector<16xf32>
      %add3A_82 = arith.addf %get3A_81, %get3A_78 : vector<16xf32>
      %neg3A = arith.constant 0.000000e+00 : f32
      %neg3A_83 = vector.broadcast %neg3A : f32 to vector<16xf32>
      %neg3A_84 = arith.subf %neg3A_83, %add3A_82 : vector<16xf32>
      %exp3A = math.exp %neg3A_84 : vector<16xf32>
      %add3A_85 = arith.constant 1.000000e+00 : f32
      %add3A_86 = vector.broadcast %add3A_85 : f32 to vector<16xf32>
      %add3A_87 = arith.addf %add3A_86, %exp3A : vector<16xf32>
      %div3A = arith.constant 1.000000e+00 : f32
      %div3A_88 = vector.broadcast %div3A : f32 to vector<16xf32>
      %div3A_89 = arith.divf %div3A_88, %add3A_87 : vector<16xf32>
      %swap3A = arith.constant 0 : index
      %swap3A_90 = tpu.vector_load %arg17[%swap3A] {strides = array<i32>} : memref<32xf32, #tpu.memory_space<vmem>>, vector<16xf32>,
      %swap3A_91 = vector.shape_cast %swap3A_90 : vector<16xf32> to vector<16xf32>
      %swap3A_92 = vector.shape_cast %div3A_89 : vector<16xf32> to vector<16xf32>
      tpu.vector_store %arg17[%swap3A], %swap3A_92 {strides = array<i32>} : memref<32xf32, #tpu.memory_space<vmem>>, vector<16xf32>,
      %get3A_93 = arith.constant 16 : index
      %get3A_94 = tpu.vector_load %arg18[%get3A_93] {strides = array<i32>} : memref<32xf32, #tpu.memory_space<vmem>>, vector<16xf32>,
      %get3A_95 = vector.shape_cast %get3A_94 : vector<16xf32> to vector<16xf32>
      %add3A_96 = arith.addf %get3A_95, %get3A_78 : vector<16xf32>
      %neg3A_97 = arith.constant 0.000000e+00 : f32
      %neg3A_98 = vector.broadcast %neg3A_97 : f32 to vector<16xf32>
      %neg3A_99 = arith.subf %neg3A_98, %add3A_96 : vector<16xf32>
      %exp3A_100 = math.exp %neg3A_99 : vector<16xf32>
      %add3A_101 = arith.constant 1.000000e+00 : f32
      %add3A_102 = vector.broadcast %add3A_101 : f32 to vector<16xf32>
      %add3A_103 = arith.addf %add3A_102, %exp3A_100 : vector<16xf32>
      %div3A_104 = arith.constant 1.000000e+00 : f32
      %div3A_105 = vector.broadcast %div3A_104 : f32 to vector<16xf32>
      %div3A_106 = arith.divf %div3A_105, %add3A_103 : vector<16xf32>
      %swap3A_107 = arith.constant 16 : index
      %swap3A_108 = tpu.vector_load %arg17[%swap3A_107] {strides = array<i32>} : memref<32xf32, #tpu.memory_space<vmem>>, vector<16xf32>,
      %swap3A_109 = vector.shape_cast %swap3A_108 : vector<16xf32> to vector<16xf32>
      %swap3A_110 = vector.shape_cast %div3A_106 : vector<16xf32> to vector<16xf32>
      tpu.vector_store %arg17[%swap3A_107], %swap3A_110 {strides = array<i32>} : memref<32xf32, #tpu.memory_space<vmem>>, vector<16xf32>,
      %mul3A_111 = arith.constant 32 : i32
      %mul3A_112 = arith.muli %add3A_51, %mul3A_111 : i32
      %add3A_113 = arith.addi %mul3A_2, %mul3A_112 : i32
      %mul3A_114 = arith.constant 32 : i32
      %mul3A_115 = arith.muli %add3A_113, %mul3A_114 : i32
      "tpu.region"() ({
        %run_scoped3A = tpu.sem_alloc : memref<!tpu.dma_semaphore, #tpu.memory_space<semaphore_mem>>
        %dma_start3A_196 = tpu.memref_slice %arg7[%mul3A_115] : memref<524288xf32, #tpu.memory_space<hbm>> -> memref<1024xf32, #tpu.memory_space<hbm>>
        %dma_start3A_197 = tpu.memref_slice %arg7[%mul3A_115] : memref<524288xf32, #tpu.memory_space<hbm>> -> memref<1024xf32, #tpu.memory_space<hbm>>
        tpu.enqueue_dma source(%arg15 : memref<1024xf32, #tpu.memory_space<vmem>>) target(%dma_start3A_197 : memref<1024xf32, #tpu.memory_space<hbm>>) target_semaphore(%run_scoped3A : memref<!tpu.dma_semaphore, #tpu.memory_space<semaphore_mem>>)
        %dma_wait3A_198 = tpu.memref_slice %arg7[%mul3A_115] : memref<524288xf32, #tpu.memory_space<hbm>> -> memref<1024xf32, #tpu.memory_space<hbm>>
        %dma_wait3A_199 = tpu.memref_slice %arg7[%mul3A_115] : memref<524288xf32, #tpu.memory_space<hbm>> -> memref<1024xf32, #tpu.memory_space<hbm>>
        tpu.wait_dma2 semaphore(%run_scoped3A : memref<!tpu.dma_semaphore, #tpu.memory_space<semaphore_mem>>) src(%arg15 : memref<1024xf32, #tpu.memory_space<vmem>>) dst(%dma_wait3A_199 : memref<1024xf32, #tpu.memory_space<hbm>>)
        tpu.yield
      }) : () -> ()
      %mul3A_116 = arith.constant 32 : i32
      %mul3A_117 = arith.muli %add3A_113, %mul3A_116 : i32
      "tpu.region"() ({
        %run_scoped3A = tpu.sem_alloc : memref<!tpu.dma_semaphore, #tpu.memory_space<semaphore_mem>>
        %dma_start3A_196 = tpu.memref_slice %arg8[%mul3A_117] : memref<524288xf32, #tpu.memory_space<hbm>> -> memref<1024xf32, #tpu.memory_space<hbm>>
        %dma_start3A_197 = tpu.memref_slice %arg8[%mul3A_117] : memref<524288xf32, #tpu.memory_space<hbm>> -> memref<1024xf32, #tpu.memory_space<hbm>>
        tpu.enqueue_dma source(%arg16 : memref<1024xf32, #tpu.memory_space<vmem>>) target(%dma_start3A_197 : memref<1024xf32, #tpu.memory_space<hbm>>) target_semaphore(%run_scoped3A : memref<!tpu.dma_semaphore, #tpu.memory_space<semaphore_mem>>)
        %dma_wait3A_198 = tpu.memref_slice %arg8[%mul3A_117] : memref<524288xf32, #tpu.memory_space<hbm>> -> memref<1024xf32, #tpu.memory_space<hbm>>
        %dma_wait3A_199 = tpu.memref_slice %arg8[%mul3A_117] : memref<524288xf32, #tpu.memory_space<hbm>> -> memref<1024xf32, #tpu.memory_space<hbm>>
        tpu.wait_dma2 semaphore(%run_scoped3A : memref<!tpu.dma_semaphore, #tpu.memory_space<semaphore_mem>>) src(%arg16 : memref<1024xf32, #tpu.memory_space<vmem>>) dst(%dma_wait3A_199 : memref<1024xf32, #tpu.memory_space<hbm>>)
        tpu.yield
      }) : () -> ()
      "tpu.region"() ({
        %run_scoped3A = tpu.sem_alloc : memref<!tpu.dma_semaphore, #tpu.memory_space<semaphore_mem>>
        %dma_start3A_196 = tpu.memref_slice %arg6[%add3A_113] : memref<16384xf32, #tpu.memory_space<hbm>> -> memref<32xf32, #tpu.memory_space<hbm>>
        %dma_start3A_197 = tpu.memref_slice %arg6[%add3A_113] : memref<16384xf32, #tpu.memory_space<hbm>> -> memref<32xf32, #tpu.memory_space<hbm>>
        tpu.enqueue_dma source(%arg17 : memref<32xf32, #tpu.memory_space<vmem>>) target(%dma_start3A_197 : memref<32xf32, #tpu.memory_space<hbm>>) target_semaphore(%run_scoped3A : memref<!tpu.dma_semaphore, #tpu.memory_space<semaphore_mem>>)
        %dma_wait3A_198 = tpu.memref_slice %arg6[%add3A_113] : memref<16384xf32, #tpu.memory_space<hbm>> -> memref<32xf32, #tpu.memory_space<hbm>>
        %dma_wait3A_199 = tpu.memref_slice %arg6[%add3A_113] : memref<16384xf32, #tpu.memory_space<hbm>> -> memref<32xf32, #tpu.memory_space<hbm>>
        tpu.wait_dma2 semaphore(%run_scoped3A : memref<!tpu.dma_semaphore, #tpu.memory_space<semaphore_mem>>) src(%arg17 : memref<32xf32, #tpu.memory_space<vmem>>) dst(%dma_wait3A_199 : memref<32xf32, #tpu.memory_space<hbm>>)
        tpu.yield
      }) : () -> ()
      %mul3A_118 = arith.constant 2 : i32
      %mul3A_119 = arith.muli %scan3A_46, %mul3A_118 : i32
      %add3A_120 = arith.constant 1 : i32
      %add3A_121 = arith.addi %mul3A_119, %add3A_120 : i32
      %add3A_122 = arith.constant 1 : i32
      %add3A_123 = arith.addi %add3A_121, %add3A_122 : i32
      %lt3A_124 = arith.constant 16 : i32
      %lt3A_125 = arith.cmpi slt, %add3A_123, %lt3A_124 : i32
      %convert_element_type3A_126 = arith.extui %lt3A_125 : i1 to i32
      %cond3A_127 = arith.constant 0 : i32
      %cond3A_128 = arith.cmpi ne, %convert_element_type3A_126, %cond3A_127 : i32
      scf.if %cond3A_128 {
        %add3A_196 = arith.constant 0 : i32
        %add3A_197 = arith.addi %mul3A_2, %add3A_196 : i32
        %mul3A_198 = arith.constant 53 : i32
        %mul3A_199 = arith.muli %add3A_197, %mul3A_198 : i32
        %dma_wait3A_200 = tpu.memref_slice %arg2[%mul3A_199] : memref<868352xi32, #tpu.memory_space<hbm>> -> memref<1696xi32, #tpu.memory_space<hbm>>
        %dma_wait3A_201 = tpu.memref_slice %arg2[%mul3A_199] : memref<868352xi32, #tpu.memory_space<hbm>> -> memref<1696xi32, #tpu.memory_space<hbm>>
        tpu.wait_dma2 semaphore(%arg20 : memref<!tpu.dma_semaphore, #tpu.memory_space<semaphore_mem>>) src(%dma_wait3A_201 : memref<1696xi32, #tpu.memory_space<hbm>>) dst(%arg9 : memref<1696xi32, #tpu.memory_space<vmem>>)
        %dma_start3A_202 = arith.constant 0 : i32
        %dma_start3A_203 = arith.constant 0 : i32
        %dma_start3A_204 = tpu.memref_slice %arg3[%dma_start3A_202, %dma_start3A_203] : memref<1000000x32xf32, #tpu.memory_space<hbm>> -> memref<1000000x32xf32, #tpu.memory_space<hbm>>
        tpu.enqueue_indirect_dma source(%dma_start3A_204 : memref<1000000x32xf32, #tpu.memory_space<hbm>>) target(%arg11 : memref<1696x32xf32, #tpu.memory_space<vmem>>) offsets(%arg9 : memref<1696xi32, #tpu.memory_space<vmem>>) semaphore(%arg22 : memref<!tpu.dma_semaphore, #tpu.memory_space<semaphore_mem>>)
        %dma_start3A_205 = arith.constant 0 : i32
        %dma_start3A_206 = tpu.memref_slice %arg13[%dma_start3A_205] : memref<1712xf32, #tpu.memory_space<vmem>> -> memref<1696xf32, #tpu.memory_space<vmem>>
        %dma_start3A_207 = arith.constant 0 : i32
        %dma_start3A_208 = tpu.memref_slice %arg4[%dma_start3A_207] : memref<1000000xf32, #tpu.memory_space<hbm>> -> memref<1000000xf32, #tpu.memory_space<hbm>>
        tpu.enqueue_indirect_dma source(%dma_start3A_208 : memref<1000000xf32, #tpu.memory_space<hbm>>) target(%dma_start3A_206 : memref<1696xf32, #tpu.memory_space<vmem>>) offsets(%arg9 : memref<1696xi32, #tpu.memory_space<vmem>>) semaphore(%arg22 : memref<!tpu.dma_semaphore, #tpu.memory_space<semaphore_mem>>)
      } else {
      }
      %dma_wait3A_129 = arith.constant 0 : i32
      %dma_wait3A_130 = arith.constant 0 : i32
      %dma_wait3A_131 = tpu.memref_slice %arg3[%dma_wait3A_129, %dma_wait3A_130] : memref<1000000x32xf32, #tpu.memory_space<hbm>> -> memref<1000000x32xf32, #tpu.memory_space<hbm>>
      tpu.wait_indirect_dma semaphore(%arg23 : memref<!tpu.dma_semaphore, #tpu.memory_space<semaphore_mem>>) src(%dma_wait3A_131 : memref<1000000x32xf32, #tpu.memory_space<hbm>>) dst(%arg12 : memref<1696x32xf32, #tpu.memory_space<vmem>>)
      %dma_wait3A_132 = arith.constant 0 : i32
      %dma_wait3A_133 = tpu.memref_slice %arg14[%dma_wait3A_132] : memref<1712xf32, #tpu.memory_space<vmem>> -> memref<1696xf32, #tpu.memory_space<vmem>>
      %dma_wait3A_134 = arith.constant 0 : i32
      %dma_wait3A_135 = tpu.memref_slice %arg4[%dma_wait3A_134] : memref<1000000xf32, #tpu.memory_space<hbm>> -> memref<1000000xf32, #tpu.memory_space<hbm>>
      tpu.wait_indirect_dma semaphore(%arg23 : memref<!tpu.dma_semaphore, #tpu.memory_space<semaphore_mem>>) src(%dma_wait3A_135 : memref<1000000xf32, #tpu.memory_space<hbm>>) dst(%dma_wait3A_133 : memref<1696xf32, #tpu.memory_space<vmem>>)
      %add3A_136 = arith.constant 2 : i32
      %add3A_137 = arith.addi %add3A_121, %add3A_136 : i32
      %lt3A_138 = arith.constant 16 : i32
      %lt3A_139 = arith.cmpi slt, %add3A_137, %lt3A_138 : i32
      %convert_element_type3A_140 = arith.extui %lt3A_139 : i1 to i32
      %cond3A_141 = arith.constant 0 : i32
      %cond3A_142 = arith.cmpi ne, %convert_element_type3A_140, %cond3A_141 : i32
      scf.if %cond3A_142 {
        %add3A_196 = arith.constant 2 : i32
        %add3A_197 = arith.addi %add3A_121, %add3A_196 : i32
        %mul3A_198 = arith.constant 32 : i32
        %mul3A_199 = arith.muli %add3A_197, %mul3A_198 : i32
        %add3A_200 = arith.addi %mul3A_2, %mul3A_199 : i32
        %mul3A_201 = arith.constant 53 : i32
        %mul3A_202 = arith.muli %add3A_200, %mul3A_201 : i32
        %dma_start3A_203 = tpu.memref_slice %arg2[%mul3A_202] : memref<868352xi32, #tpu.memory_space<hbm>> -> memref<1696xi32, #tpu.memory_space<hbm>>
        %dma_start3A_204 = tpu.memref_slice %arg2[%mul3A_202] : memref<868352xi32, #tpu.memory_space<hbm>> -> memref<1696xi32, #tpu.memory_space<hbm>>
        tpu.enqueue_dma source(%dma_start3A_204 : memref<1696xi32, #tpu.memory_space<hbm>>) target(%arg10 : memref<1696xi32, #tpu.memory_space<vmem>>) target_semaphore(%arg21 : memref<!tpu.dma_semaphore, #tpu.memory_space<semaphore_mem>>)
      } else {
      }
      %scan3A_143 = arith.constant 0 : i32
      %scan3A_144 = arith.constant 32 : i32
      %scan3A_145 = arith.addi %scan3A_143, %scan3A_144 : i32
      %scan3A_146 = arith.constant 1 : i32
      %scan3A_147 = scf.for %scan3A_196 = %scan3A_143 to %scan3A_145 step %scan3A_146 iter_args(%scan3A_197 = %broadcast_in_dim3A_39) -> (vector<16xf32>)  : i32 {
        %mul3A_198 = arith.constant 53 : i32
        %mul3A_199 = arith.muli %scan3A_196, %mul3A_198 : i32
        %add3A_200 = arith.constant 0 : i32
        %add3A_201 = arith.addi %mul3A_199, %add3A_200 : i32
        %get3A_202 = arith.index_cast %add3A_201 : i32 to index
        %get3A_203 = arith.constant 0 : index
        %get3A_204 = tpu.vector_load %arg12[%get3A_202, %get3A_203] {strides = array<i32>} : memref<1696x32xf32, #tpu.memory_space<vmem>>, vector<1x16xf32>,
        %get3A_205 = vector.shape_cast %get3A_204 : vector<1x16xf32> to vector<16xf32>
        %add3A_206 = arith.constant 0 : i32
        %add3A_207 = arith.addi %mul3A_199, %add3A_206 : i32
        %get3A_208 = arith.index_cast %add3A_207 : i32 to index
        %get3A_209 = arith.constant 16 : index
        %get3A_210 = tpu.vector_load %arg12[%get3A_208, %get3A_209] {strides = array<i32>} : memref<1696x32xf32, #tpu.memory_space<vmem>>, vector<1x16xf32>,
        %get3A_211 = vector.shape_cast %get3A_210 : vector<1x16xf32> to vector<16xf32>
        %add3A_212 = arith.addf %broadcast_in_dim3A_39, %get3A_205 : vector<16xf32>
        %add3A_213 = arith.addf %broadcast_in_dim3A_39, %get3A_211 : vector<16xf32>
        %mul3A_214 = arith.mulf %get3A_205, %get3A_205 : vector<16xf32>
        %add3A_215 = arith.addf %broadcast_in_dim3A_39, %mul3A_214 : vector<16xf32>
        %mul3A_216 = arith.mulf %get3A_211, %get3A_211 : vector<16xf32>
        %add3A_217 = arith.addf %broadcast_in_dim3A_39, %mul3A_216 : vector<16xf32>
        %add3A_218 = arith.constant 1 : i32
        %add3A_219 = arith.addi %mul3A_199, %add3A_218 : i32
        %get3A_220 = arith.index_cast %add3A_219 : i32 to index
        %get3A_221 = arith.constant 0 : index
        %get3A_222 = tpu.vector_load %arg12[%get3A_220, %get3A_221] {strides = array<i32>} : memref<1696x32xf32, #tpu.memory_space<vmem>>, vector<1x16xf32>,
        %get3A_223 = vector.shape_cast %get3A_222 : vector<1x16xf32> to vector<16xf32>
        %add3A_224 = arith.constant 1 : i32
        %add3A_225 = arith.addi %mul3A_199, %add3A_224 : i32
        %get3A_226 = arith.index_cast %add3A_225 : i32 to index
        %get3A_227 = arith.constant 16 : index
        %get3A_228 = tpu.vector_load %arg12[%get3A_226, %get3A_227] {strides = array<i32>} : memref<1696x32xf32, #tpu.memory_space<vmem>>, vector<1x16xf32>,
        %get3A_229 = vector.shape_cast %get3A_228 : vector<1x16xf32> to vector<16xf32>
        %add3A_230 = arith.addf %add3A_212, %get3A_223 : vector<16xf32>
        %add3A_231 = arith.addf %add3A_213, %get3A_229 : vector<16xf32>
        %mul3A_232 = arith.mulf %get3A_223, %get3A_223 : vector<16xf32>
        %add3A_233 = arith.addf %add3A_215, %mul3A_232 : vector<16xf32>
        %mul3A_234 = arith.mulf %get3A_229, %get3A_229 : vector<16xf32>
        %add3A_235 = arith.addf %add3A_217, %mul3A_234 : vector<16xf32>
        %add3A_236 = arith.constant 2 : i32
        %add3A_237 = arith.addi %mul3A_199, %add3A_236 : i32
        %get3A_238 = arith.index_cast %add3A_237 : i32 to index
        %get3A_239 = arith.constant 0 : index
        %get3A_240 = tpu.vector_load %arg12[%get3A_238, %get3A_239] {strides = array<i32>} : memref<1696x32xf32, #tpu.memory_space<vmem>>, vector<1x16xf32>,
        %get3A_241 = vector.shape_cast %get3A_240 : vector<1x16xf32> to vector<16xf32>
        %add3A_242 = arith.constant 2 : i32
        %add3A_243 = arith.addi %mul3A_199, %add3A_242 : i32
        %get3A_244 = arith.index_cast %add3A_243 : i32 to index
        %get3A_245 = arith.constant 16 : index
        %get3A_246 = tpu.vector_load %arg12[%get3A_244, %get3A_245] {strides = array<i32>} : memref<1696x32xf32, #tpu.memory_space<vmem>>, vector<1x16xf32>,
        %get3A_247 = vector.shape_cast %get3A_246 : vector<1x16xf32> to vector<16xf32>
        %add3A_248 = arith.addf %add3A_230, %get3A_241 : vector<16xf32>
        %add3A_249 = arith.addf %add3A_231, %get3A_247 : vector<16xf32>
        %mul3A_250 = arith.mulf %get3A_241, %get3A_241 : vector<16xf32>
        %add3A_251 = arith.addf %add3A_233, %mul3A_250 : vector<16xf32>
        %mul3A_252 = arith.mulf %get3A_247, %get3A_247 : vector<16xf32>
        %add3A_253 = arith.addf %add3A_235, %mul3A_252 : vector<16xf32>
        %add3A_254 = arith.constant 3 : i32
        %add3A_255 = arith.addi %mul3A_199, %add3A_254 : i32
        %get3A_256 = arith.index_cast %add3A_255 : i32 to index
        %get3A_257 = arith.constant 0 : index
        %get3A_258 = tpu.vector_load %arg12[%get3A_256, %get3A_257] {strides = array<i32>} : memref<1696x32xf32, #tpu.memory_space<vmem>>, vector<1x16xf32>,
        %get3A_259 = vector.shape_cast %get3A_258 : vector<1x16xf32> to vector<16xf32>
        %add3A_260 = arith.constant 3 : i32
        %add3A_261 = arith.addi %mul3A_199, %add3A_260 : i32
        %get3A_262 = arith.index_cast %add3A_261 : i32 to index
        %get3A_263 = arith.constant 16 : index
        %get3A_264 = tpu.vector_load %arg12[%get3A_262, %get3A_263] {strides = array<i32>} : memref<1696x32xf32, #tpu.memory_space<vmem>>, vector<1x16xf32>,
        %get3A_265 = vector.shape_cast %get3A_264 : vector<1x16xf32> to vector<16xf32>
        %add3A_266 = arith.addf %add3A_248, %get3A_259 : vector<16xf32>
        %add3A_267 = arith.addf %add3A_249, %get3A_265 : vector<16xf32>
        %mul3A_268 = arith.mulf %get3A_259, %get3A_259 : vector<16xf32>
        %add3A_269 = arith.addf %add3A_251, %mul3A_268 : vector<16xf32>
        %mul3A_270 = arith.mulf %get3A_265, %get3A_265 : vector<16xf32>
        %add3A_271 = arith.addf %add3A_253, %mul3A_270 : vector<16xf32>
        %add3A_272 = arith.constant 4 : i32
        %add3A_273 = arith.addi %mul3A_199, %add3A_272 : i32
        %get3A_274 = arith.index_cast %add3A_273 : i32 to index
        %get3A_275 = arith.constant 0 : index
        %get3A_276 = tpu.vector_load %arg12[%get3A_274, %get3A_275] {strides = array<i32>} : memref<1696x32xf32, #tpu.memory_space<vmem>>, vector<1x16xf32>,
        %get3A_277 = vector.shape_cast %get3A_276 : vector<1x16xf32> to vector<16xf32>
        %add3A_278 = arith.constant 4 : i32
        %add3A_279 = arith.addi %mul3A_199, %add3A_278 : i32
        %get3A_280 = arith.index_cast %add3A_279 : i32 to index
        %get3A_281 = arith.constant 16 : index
        %get3A_282 = tpu.vector_load %arg12[%get3A_280, %get3A_281] {strides = array<i32>} : memref<1696x32xf32, #tpu.memory_space<vmem>>, vector<1x16xf32>,
        %get3A_283 = vector.shape_cast %get3A_282 : vector<1x16xf32> to vector<16xf32>
        %add3A_284 = arith.addf %add3A_266, %get3A_277 : vector<16xf32>
        %add3A_285 = arith.addf %add3A_267, %get3A_283 : vector<16xf32>
        %mul3A_286 = arith.mulf %get3A_277, %get3A_277 : vector<16xf32>
        %add3A_287 = arith.addf %add3A_269, %mul3A_286 : vector<16xf32>
        %mul3A_288 = arith.mulf %get3A_283, %get3A_283 : vector<16xf32>
        %add3A_289 = arith.addf %add3A_271, %mul3A_288 : vector<16xf32>
        %add3A_290 = arith.constant 5 : i32
        %add3A_291 = arith.addi %mul3A_199, %add3A_290 : i32
        %get3A_292 = arith.index_cast %add3A_291 : i32 to index
        %get3A_293 = arith.constant 0 : index
        %get3A_294 = tpu.vector_load %arg12[%get3A_292, %get3A_293] {strides = array<i32>} : memref<1696x32xf32, #tpu.memory_space<vmem>>, vector<1x16xf32>,
        %get3A_295 = vector.shape_cast %get3A_294 : vector<1x16xf32> to vector<16xf32>
        %add3A_296 = arith.constant 5 : i32
        %add3A_297 = arith.addi %mul3A_199, %add3A_296 : i32
        %get3A_298 = arith.index_cast %add3A_297 : i32 to index
        %get3A_299 = arith.constant 16 : index
        %get3A_300 = tpu.vector_load %arg12[%get3A_298, %get3A_299] {strides = array<i32>} : memref<1696x32xf32, #tpu.memory_space<vmem>>, vector<1x16xf32>,
        %get3A_301 = vector.shape_cast %get3A_300 : vector<1x16xf32> to vector<16xf32>
        %add3A_302 = arith.addf %add3A_284, %get3A_295 : vector<16xf32>
        %add3A_303 = arith.addf %add3A_285, %get3A_301 : vector<16xf32>
        %mul3A_304 = arith.mulf %get3A_295, %get3A_295 : vector<16xf32>
        %add3A_305 = arith.addf %add3A_287, %mul3A_304 : vector<16xf32>
        %mul3A_306 = arith.mulf %get3A_301, %get3A_301 : vector<16xf32>
        %add3A_307 = arith.addf %add3A_289, %mul3A_306 : vector<16xf32>
        %add3A_308 = arith.constant 6 : i32
        %add3A_309 = arith.addi %mul3A_199, %add3A_308 : i32
        %get3A_310 = arith.index_cast %add3A_309 : i32 to index
        %get3A_311 = arith.constant 0 : index
        %get3A_312 = tpu.vector_load %arg12[%get3A_310, %get3A_311] {strides = array<i32>} : memref<1696x32xf32, #tpu.memory_space<vmem>>, vector<1x16xf32>,
        %get3A_313 = vector.shape_cast %get3A_312 : vector<1x16xf32> to vector<16xf32>
        %add3A_314 = arith.constant 6 : i32
        %add3A_315 = arith.addi %mul3A_199, %add3A_314 : i32
        %get3A_316 = arith.index_cast %add3A_315 : i32 to index
        %get3A_317 = arith.constant 16 : index
        %get3A_318 = tpu.vector_load %arg12[%get3A_316, %get3A_317] {strides = array<i32>} : memref<1696x32xf32, #tpu.memory_space<vmem>>, vector<1x16xf32>,
        %get3A_319 = vector.shape_cast %get3A_318 : vector<1x16xf32> to vector<16xf32>
        %add3A_320 = arith.addf %add3A_302, %get3A_313 : vector<16xf32>
        %add3A_321 = arith.addf %add3A_303, %get3A_319 : vector<16xf32>
        %mul3A_322 = arith.mulf %get3A_313, %get3A_313 : vector<16xf32>
        %add3A_323 = arith.addf %add3A_305, %mul3A_322 : vector<16xf32>
        %mul3A_324 = arith.mulf %get3A_319, %get3A_319 : vector<16xf32>
        %add3A_325 = arith.addf %add3A_307, %mul3A_324 : vector<16xf32>
        %add3A_326 = arith.constant 7 : i32
        %add3A_327 = arith.addi %mul3A_199, %add3A_326 : i32
        %get3A_328 = arith.index_cast %add3A_327 : i32 to index
        %get3A_329 = arith.constant 0 : index
        %get3A_330 = tpu.vector_load %arg12[%get3A_328, %get3A_329] {strides = array<i32>} : memref<1696x32xf32, #tpu.memory_space<vmem>>, vector<1x16xf32>,
        %get3A_331 = vector.shape_cast %get3A_330 : vector<1x16xf32> to vector<16xf32>
        %add3A_332 = arith.constant 7 : i32
        %add3A_333 = arith.addi %mul3A_199, %add3A_332 : i32
        %get3A_334 = arith.index_cast %add3A_333 : i32 to index
        %get3A_335 = arith.constant 16 : index
        %get3A_336 = tpu.vector_load %arg12[%get3A_334, %get3A_335] {strides = array<i32>} : memref<1696x32xf32, #tpu.memory_space<vmem>>, vector<1x16xf32>,
        %get3A_337 = vector.shape_cast %get3A_336 : vector<1x16xf32> to vector<16xf32>
        %add3A_338 = arith.addf %add3A_320, %get3A_331 : vector<16xf32>
        %add3A_339 = arith.addf %add3A_321, %get3A_337 : vector<16xf32>
        %mul3A_340 = arith.mulf %get3A_331, %get3A_331 : vector<16xf32>
        %add3A_341 = arith.addf %add3A_323, %mul3A_340 : vector<16xf32>
        %mul3A_342 = arith.mulf %get3A_337, %get3A_337 : vector<16xf32>
        %add3A_343 = arith.addf %add3A_325, %mul3A_342 : vector<16xf32>
        %add3A_344 = arith.constant 8 : i32
        %add3A_345 = arith.addi %mul3A_199, %add3A_344 : i32
        %get3A_346 = arith.index_cast %add3A_345 : i32 to index
        %get3A_347 = arith.constant 0 : index
        %get3A_348 = tpu.vector_load %arg12[%get3A_346, %get3A_347] {strides = array<i32>} : memref<1696x32xf32, #tpu.memory_space<vmem>>, vector<1x16xf32>,
        %get3A_349 = vector.shape_cast %get3A_348 : vector<1x16xf32> to vector<16xf32>
        %add3A_350 = arith.constant 8 : i32
        %add3A_351 = arith.addi %mul3A_199, %add3A_350 : i32
        %get3A_352 = arith.index_cast %add3A_351 : i32 to index
        %get3A_353 = arith.constant 16 : index
        %get3A_354 = tpu.vector_load %arg12[%get3A_352, %get3A_353] {strides = array<i32>} : memref<1696x32xf32, #tpu.memory_space<vmem>>, vector<1x16xf32>,
        %get3A_355 = vector.shape_cast %get3A_354 : vector<1x16xf32> to vector<16xf32>
        %add3A_356 = arith.addf %add3A_338, %get3A_349 : vector<16xf32>
        %add3A_357 = arith.addf %add3A_339, %get3A_355 : vector<16xf32>
        %mul3A_358 = arith.mulf %get3A_349, %get3A_349 : vector<16xf32>
        %add3A_359 = arith.addf %add3A_341, %mul3A_358 : vector<16xf32>
        %mul3A_360 = arith.mulf %get3A_355, %get3A_355 : vector<16xf32>
        %add3A_361 = arith.addf %add3A_343, %mul3A_360 : vector<16xf32>
        %add3A_362 = arith.constant 9 : i32
        %add3A_363 = arith.addi %mul3A_199, %add3A_362 : i32
        %get3A_364 = arith.index_cast %add3A_363 : i32 to index
        %get3A_365 = arith.constant 0 : index
        %get3A_366 = tpu.vector_load %arg12[%get3A_364, %get3A_365] {strides = array<i32>} : memref<1696x32xf32, #tpu.memory_space<vmem>>, vector<1x16xf32>,
        %get3A_367 = vector.shape_cast %get3A_366 : vector<1x16xf32> to vector<16xf32>
        %add3A_368 = arith.constant 9 : i32
        %add3A_369 = arith.addi %mul3A_199, %add3A_368 : i32
        %get3A_370 = arith.index_cast %add3A_369 : i32 to index
        %get3A_371 = arith.constant 16 : index
        %get3A_372 = tpu.vector_load %arg12[%get3A_370, %get3A_371] {strides = array<i32>} : memref<1696x32xf32, #tpu.memory_space<vmem>>, vector<1x16xf32>,
        %get3A_373 = vector.shape_cast %get3A_372 : vector<1x16xf32> to vector<16xf32>
        %add3A_374 = arith.addf %add3A_356, %get3A_367 : vector<16xf32>
        %add3A_375 = arith.addf %add3A_357, %get3A_373 : vector<16xf32>
        %mul3A_376 = arith.mulf %get3A_367, %get3A_367 : vector<16xf32>
        %add3A_377 = arith.addf %add3A_359, %mul3A_376 : vector<16xf32>
        %mul3A_378 = arith.mulf %get3A_373, %get3A_373 : vector<16xf32>
        %add3A_379 = arith.addf %add3A_361, %mul3A_378 : vector<16xf32>
        %add3A_380 = arith.constant 10 : i32
        %add3A_381 = arith.addi %mul3A_199, %add3A_380 : i32
        %get3A_382 = arith.index_cast %add3A_381 : i32 to index
        %get3A_383 = arith.constant 0 : index
        %get3A_384 = tpu.vector_load %arg12[%get3A_382, %get3A_383] {strides = array<i32>} : memref<1696x32xf32, #tpu.memory_space<vmem>>, vector<1x16xf32>,
        %get3A_385 = vector.shape_cast %get3A_384 : vector<1x16xf32> to vector<16xf32>
        %add3A_386 = arith.constant 10 : i32
        %add3A_387 = arith.addi %mul3A_199, %add3A_386 : i32
        %get3A_388 = arith.index_cast %add3A_387 : i32 to index
        %get3A_389 = arith.constant 16 : index
        %get3A_390 = tpu.vector_load %arg12[%get3A_388, %get3A_389] {strides = array<i32>} : memref<1696x32xf32, #tpu.memory_space<vmem>>, vector<1x16xf32>,
        %get3A_391 = vector.shape_cast %get3A_390 : vector<1x16xf32> to vector<16xf32>
        %add3A_392 = arith.addf %add3A_374, %get3A_385 : vector<16xf32>
        %add3A_393 = arith.addf %add3A_375, %get3A_391 : vector<16xf32>
        %mul3A_394 = arith.mulf %get3A_385, %get3A_385 : vector<16xf32>
        %add3A_395 = arith.addf %add3A_377, %mul3A_394 : vector<16xf32>
        %mul3A_396 = arith.mulf %get3A_391, %get3A_391 : vector<16xf32>
        %add3A_397 = arith.addf %add3A_379, %mul3A_396 : vector<16xf32>
        %add3A_398 = arith.constant 11 : i32
        %add3A_399 = arith.addi %mul3A_199, %add3A_398 : i32
        %get3A_400 = arith.index_cast %add3A_399 : i32 to index
        %get3A_401 = arith.constant 0 : index
        %get3A_402 = tpu.vector_load %arg12[%get3A_400, %get3A_401] {strides = array<i32>} : memref<1696x32xf32, #tpu.memory_space<vmem>>, vector<1x16xf32>,
        %get3A_403 = vector.shape_cast %get3A_402 : vector<1x16xf32> to vector<16xf32>
        %add3A_404 = arith.constant 11 : i32
        %add3A_405 = arith.addi %mul3A_199, %add3A_404 : i32
        %get3A_406 = arith.index_cast %add3A_405 : i32 to index
        %get3A_407 = arith.constant 16 : index
        %get3A_408 = tpu.vector_load %arg12[%get3A_406, %get3A_407] {strides = array<i32>} : memref<1696x32xf32, #tpu.memory_space<vmem>>, vector<1x16xf32>,
        %get3A_409 = vector.shape_cast %get3A_408 : vector<1x16xf32> to vector<16xf32>
        %add3A_410 = arith.addf %add3A_392, %get3A_403 : vector<16xf32>
        %add3A_411 = arith.addf %add3A_393, %get3A_409 : vector<16xf32>
        %mul3A_412 = arith.mulf %get3A_403, %get3A_403 : vector<16xf32>
        %add3A_413 = arith.addf %add3A_395, %mul3A_412 : vector<16xf32>
        %mul3A_414 = arith.mulf %get3A_409, %get3A_409 : vector<16xf32>
        %add3A_415 = arith.addf %add3A_397, %mul3A_414 : vector<16xf32>
        %add3A_416 = arith.constant 12 : i32
        %add3A_417 = arith.addi %mul3A_199, %add3A_416 : i32
        %get3A_418 = arith.index_cast %add3A_417 : i32 to index
        %get3A_419 = arith.constant 0 : index
        %get3A_420 = tpu.vector_load %arg12[%get3A_418, %get3A_419] {strides = array<i32>} : memref<1696x32xf32, #tpu.memory_space<vmem>>, vector<1x16xf32>,
        %get3A_421 = vector.shape_cast %get3A_420 : vector<1x16xf32> to vector<16xf32>
        %add3A_422 = arith.constant 12 : i32
        %add3A_423 = arith.addi %mul3A_199, %add3A_422 : i32
        %get3A_424 = arith.index_cast %add3A_423 : i32 to index
        %get3A_425 = arith.constant 16 : index
        %get3A_426 = tpu.vector_load %arg12[%get3A_424, %get3A_425] {strides = array<i32>} : memref<1696x32xf32, #tpu.memory_space<vmem>>, vector<1x16xf32>,
        %get3A_427 = vector.shape_cast %get3A_426 : vector<1x16xf32> to vector<16xf32>
        %add3A_428 = arith.addf %add3A_410, %get3A_421 : vector<16xf32>
        %add3A_429 = arith.addf %add3A_411, %get3A_427 : vector<16xf32>
        %mul3A_430 = arith.mulf %get3A_421, %get3A_421 : vector<16xf32>
        %add3A_431 = arith.addf %add3A_413, %mul3A_430 : vector<16xf32>
        %mul3A_432 = arith.mulf %get3A_427, %get3A_427 : vector<16xf32>
        %add3A_433 = arith.addf %add3A_415, %mul3A_432 : vector<16xf32>
        %add3A_434 = arith.constant 13 : i32
        %add3A_435 = arith.addi %mul3A_199, %add3A_434 : i32
        %get3A_436 = arith.index_cast %add3A_435 : i32 to index
        %get3A_437 = arith.constant 0 : index
        %get3A_438 = tpu.vector_load %arg12[%get3A_436, %get3A_437] {strides = array<i32>} : memref<1696x32xf32, #tpu.memory_space<vmem>>, vector<1x16xf32>,
        %get3A_439 = vector.shape_cast %get3A_438 : vector<1x16xf32> to vector<16xf32>
        %add3A_440 = arith.constant 13 : i32
        %add3A_441 = arith.addi %mul3A_199, %add3A_440 : i32
        %get3A_442 = arith.index_cast %add3A_441 : i32 to index
        %get3A_443 = arith.constant 16 : index
        %get3A_444 = tpu.vector_load %arg12[%get3A_442, %get3A_443] {strides = array<i32>} : memref<1696x32xf32, #tpu.memory_space<vmem>>, vector<1x16xf32>,
        %get3A_445 = vector.shape_cast %get3A_444 : vector<1x16xf32> to vector<16xf32>
        %add3A_446 = arith.addf %add3A_428, %get3A_439 : vector<16xf32>
        %add3A_447 = arith.addf %add3A_429, %get3A_445 : vector<16xf32>
        %mul3A_448 = arith.mulf %get3A_439, %get3A_439 : vector<16xf32>
        %add3A_449 = arith.addf %add3A_431, %mul3A_448 : vector<16xf32>
        %mul3A_450 = arith.mulf %get3A_445, %get3A_445 : vector<16xf32>
        %add3A_451 = arith.addf %add3A_433, %mul3A_450 : vector<16xf32>
        %add3A_452 = arith.constant 14 : i32
        %add3A_453 = arith.addi %mul3A_199, %add3A_452 : i32
        %get3A_454 = arith.index_cast %add3A_453 : i32 to index
        %get3A_455 = arith.constant 0 : index
        %get3A_456 = tpu.vector_load %arg12[%get3A_454, %get3A_455] {strides = array<i32>} : memref<1696x32xf32, #tpu.memory_space<vmem>>, vector<1x16xf32>,
        %get3A_457 = vector.shape_cast %get3A_456 : vector<1x16xf32> to vector<16xf32>
        %add3A_458 = arith.constant 14 : i32
        %add3A_459 = arith.addi %mul3A_199, %add3A_458 : i32
        %get3A_460 = arith.index_cast %add3A_459 : i32 to index
        %get3A_461 = arith.constant 16 : index
        %get3A_462 = tpu.vector_load %arg12[%get3A_460, %get3A_461] {strides = array<i32>} : memref<1696x32xf32, #tpu.memory_space<vmem>>, vector<1x16xf32>,
        %get3A_463 = vector.shape_cast %get3A_462 : vector<1x16xf32> to vector<16xf32>
        %add3A_464 = arith.addf %add3A_446, %get3A_457 : vector<16xf32>
        %add3A_465 = arith.addf %add3A_447, %get3A_463 : vector<16xf32>
        %mul3A_466 = arith.mulf %get3A_457, %get3A_457 : vector<16xf32>
        %add3A_467 = arith.addf %add3A_449, %mul3A_466 : vector<16xf32>
        %mul3A_468 = arith.mulf %get3A_463, %get3A_463 : vector<16xf32>
        %add3A_469 = arith.addf %add3A_451, %mul3A_468 : vector<16xf32>
        %add3A_470 = arith.constant 15 : i32
        %add3A_471 = arith.addi %mul3A_199, %add3A_470 : i32
        %get3A_472 = arith.index_cast %add3A_471 : i32 to index
        %get3A_473 = arith.constant 0 : index
        %get3A_474 = tpu.vector_load %arg12[%get3A_472, %get3A_473] {strides = array<i32>} : memref<1696x32xf32, #tpu.memory_space<vmem>>, vector<1x16xf32>,
        %get3A_475 = vector.shape_cast %get3A_474 : vector<1x16xf32> to vector<16xf32>
        %add3A_476 = arith.constant 15 : i32
        %add3A_477 = arith.addi %mul3A_199, %add3A_476 : i32
        %get3A_478 = arith.index_cast %add3A_477 : i32 to index
        %get3A_479 = arith.constant 16 : index
        %get3A_480 = tpu.vector_load %arg12[%get3A_478, %get3A_479] {strides = array<i32>} : memref<1696x32xf32, #tpu.memory_space<vmem>>, vector<1x16xf32>,
        %get3A_481 = vector.shape_cast %get3A_480 : vector<1x16xf32> to vector<16xf32>
        %add3A_482 = arith.addf %add3A_464, %get3A_475 : vector<16xf32>
        %add3A_483 = arith.addf %add3A_465, %get3A_481 : vector<16xf32>
        %mul3A_484 = arith.mulf %get3A_475, %get3A_475 : vector<16xf32>
        %add3A_485 = arith.addf %add3A_467, %mul3A_484 : vector<16xf32>
        %mul3A_486 = arith.mulf %get3A_481, %get3A_481 : vector<16xf32>
        %add3A_487 = arith.addf %add3A_469, %mul3A_486 : vector<16xf32>
        %add3A_488 = arith.constant 16 : i32
        %add3A_489 = arith.addi %mul3A_199, %add3A_488 : i32
        %get3A_490 = arith.index_cast %add3A_489 : i32 to index
        %get3A_491 = arith.constant 0 : index
        %get3A_492 = tpu.vector_load %arg12[%get3A_490, %get3A_491] {strides = array<i32>} : memref<1696x32xf32, #tpu.memory_space<vmem>>, vector<1x16xf32>,
        %get3A_493 = vector.shape_cast %get3A_492 : vector<1x16xf32> to vector<16xf32>
        %add3A_494 = arith.constant 16 : i32
        %add3A_495 = arith.addi %mul3A_199, %add3A_494 : i32
        %get3A_496 = arith.index_cast %add3A_495 : i32 to index
        %get3A_497 = arith.constant 16 : index
        %get3A_498 = tpu.vector_load %arg12[%get3A_496, %get3A_497] {strides = array<i32>} : memref<1696x32xf32, #tpu.memory_space<vmem>>, vector<1x16xf32>,
        %get3A_499 = vector.shape_cast %get3A_498 : vector<1x16xf32> to vector<16xf32>
        %add3A_500 = arith.addf %add3A_482, %get3A_493 : vector<16xf32>
        %add3A_501 = arith.addf %add3A_483, %get3A_499 : vector<16xf32>
        %mul3A_502 = arith.mulf %get3A_493, %get3A_493 : vector<16xf32>
        %add3A_503 = arith.addf %add3A_485, %mul3A_502 : vector<16xf32>
        %mul3A_504 = arith.mulf %get3A_499, %get3A_499 : vector<16xf32>
        %add3A_505 = arith.addf %add3A_487, %mul3A_504 : vector<16xf32>
        %add3A_506 = arith.constant 17 : i32
        %add3A_507 = arith.addi %mul3A_199, %add3A_506 : i32
        %get3A_508 = arith.index_cast %add3A_507 : i32 to index
        %get3A_509 = arith.constant 0 : index
        %get3A_510 = tpu.vector_load %arg12[%get3A_508, %get3A_509] {strides = array<i32>} : memref<1696x32xf32, #tpu.memory_space<vmem>>, vector<1x16xf32>,
        %get3A_511 = vector.shape_cast %get3A_510 : vector<1x16xf32> to vector<16xf32>
        %add3A_512 = arith.constant 17 : i32
        %add3A_513 = arith.addi %mul3A_199, %add3A_512 : i32
        %get3A_514 = arith.index_cast %add3A_513 : i32 to index
        %get3A_515 = arith.constant 16 : index
        %get3A_516 = tpu.vector_load %arg12[%get3A_514, %get3A_515] {strides = array<i32>} : memref<1696x32xf32, #tpu.memory_space<vmem>>, vector<1x16xf32>,
        %get3A_517 = vector.shape_cast %get3A_516 : vector<1x16xf32> to vector<16xf32>
        %add3A_518 = arith.addf %add3A_500, %get3A_511 : vector<16xf32>
        %add3A_519 = arith.addf %add3A_501, %get3A_517 : vector<16xf32>
        %mul3A_520 = arith.mulf %get3A_511, %get3A_511 : vector<16xf32>
        %add3A_521 = arith.addf %add3A_503, %mul3A_520 : vector<16xf32>
        %mul3A_522 = arith.mulf %get3A_517, %get3A_517 : vector<16xf32>
        %add3A_523 = arith.addf %add3A_505, %mul3A_522 : vector<16xf32>
        %add3A_524 = arith.constant 18 : i32
        %add3A_525 = arith.addi %mul3A_199, %add3A_524 : i32
        %get3A_526 = arith.index_cast %add3A_525 : i32 to index
        %get3A_527 = arith.constant 0 : index
        %get3A_528 = tpu.vector_load %arg12[%get3A_526, %get3A_527] {strides = array<i32>} : memref<1696x32xf32, #tpu.memory_space<vmem>>, vector<1x16xf32>,
        %get3A_529 = vector.shape_cast %get3A_528 : vector<1x16xf32> to vector<16xf32>
        %add3A_530 = arith.constant 18 : i32
        %add3A_531 = arith.addi %mul3A_199, %add3A_530 : i32
        %get3A_532 = arith.index_cast %add3A_531 : i32 to index
        %get3A_533 = arith.constant 16 : index
        %get3A_534 = tpu.vector_load %arg12[%get3A_532, %get3A_533] {strides = array<i32>} : memref<1696x32xf32, #tpu.memory_space<vmem>>, vector<1x16xf32>,
        %get3A_535 = vector.shape_cast %get3A_534 : vector<1x16xf32> to vector<16xf32>
        %add3A_536 = arith.addf %add3A_518, %get3A_529 : vector<16xf32>
        %add3A_537 = arith.addf %add3A_519, %get3A_535 : vector<16xf32>
        %mul3A_538 = arith.mulf %get3A_529, %get3A_529 : vector<16xf32>
        %add3A_539 = arith.addf %add3A_521, %mul3A_538 : vector<16xf32>
        %mul3A_540 = arith.mulf %get3A_535, %get3A_535 : vector<16xf32>
        %add3A_541 = arith.addf %add3A_523, %mul3A_540 : vector<16xf32>
        %add3A_542 = arith.constant 19 : i32
        %add3A_543 = arith.addi %mul3A_199, %add3A_542 : i32
        %get3A_544 = arith.index_cast %add3A_543 : i32 to index
        %get3A_545 = arith.constant 0 : index
        %get3A_546 = tpu.vector_load %arg12[%get3A_544, %get3A_545] {strides = array<i32>} : memref<1696x32xf32, #tpu.memory_space<vmem>>, vector<1x16xf32>,
        %get3A_547 = vector.shape_cast %get3A_546 : vector<1x16xf32> to vector<16xf32>
        %add3A_548 = arith.constant 19 : i32
        %add3A_549 = arith.addi %mul3A_199, %add3A_548 : i32
        %get3A_550 = arith.index_cast %add3A_549 : i32 to index
        %get3A_551 = arith.constant 16 : index
        %get3A_552 = tpu.vector_load %arg12[%get3A_550, %get3A_551] {strides = array<i32>} : memref<1696x32xf32, #tpu.memory_space<vmem>>, vector<1x16xf32>,
        %get3A_553 = vector.shape_cast %get3A_552 : vector<1x16xf32> to vector<16xf32>
        %add3A_554 = arith.addf %add3A_536, %get3A_547 : vector<16xf32>
        %add3A_555 = arith.addf %add3A_537, %get3A_553 : vector<16xf32>
        %mul3A_556 = arith.mulf %get3A_547, %get3A_547 : vector<16xf32>
        %add3A_557 = arith.addf %add3A_539, %mul3A_556 : vector<16xf32>
        %mul3A_558 = arith.mulf %get3A_553, %get3A_553 : vector<16xf32>
        %add3A_559 = arith.addf %add3A_541, %mul3A_558 : vector<16xf32>
        %add3A_560 = arith.constant 20 : i32
        %add3A_561 = arith.addi %mul3A_199, %add3A_560 : i32
        %get3A_562 = arith.index_cast %add3A_561 : i32 to index
        %get3A_563 = arith.constant 0 : index
        %get3A_564 = tpu.vector_load %arg12[%get3A_562, %get3A_563] {strides = array<i32>} : memref<1696x32xf32, #tpu.memory_space<vmem>>, vector<1x16xf32>,
        %get3A_565 = vector.shape_cast %get3A_564 : vector<1x16xf32> to vector<16xf32>
        %add3A_566 = arith.constant 20 : i32
        %add3A_567 = arith.addi %mul3A_199, %add3A_566 : i32
        %get3A_568 = arith.index_cast %add3A_567 : i32 to index
        %get3A_569 = arith.constant 16 : index
        %get3A_570 = tpu.vector_load %arg12[%get3A_568, %get3A_569] {strides = array<i32>} : memref<1696x32xf32, #tpu.memory_space<vmem>>, vector<1x16xf32>,
        %get3A_571 = vector.shape_cast %get3A_570 : vector<1x16xf32> to vector<16xf32>
        %add3A_572 = arith.addf %add3A_554, %get3A_565 : vector<16xf32>
        %add3A_573 = arith.addf %add3A_555, %get3A_571 : vector<16xf32>
        %mul3A_574 = arith.mulf %get3A_565, %get3A_565 : vector<16xf32>
        %add3A_575 = arith.addf %add3A_557, %mul3A_574 : vector<16xf32>
        %mul3A_576 = arith.mulf %get3A_571, %get3A_571 : vector<16xf32>
        %add3A_577 = arith.addf %add3A_559, %mul3A_576 : vector<16xf32>
        %add3A_578 = arith.constant 21 : i32
        %add3A_579 = arith.addi %mul3A_199, %add3A_578 : i32
        %get3A_580 = arith.index_cast %add3A_579 : i32 to index
        %get3A_581 = arith.constant 0 : index
        %get3A_582 = tpu.vector_load %arg12[%get3A_580, %get3A_581] {strides = array<i32>} : memref<1696x32xf32, #tpu.memory_space<vmem>>, vector<1x16xf32>,
        %get3A_583 = vector.shape_cast %get3A_582 : vector<1x16xf32> to vector<16xf32>
        %add3A_584 = arith.constant 21 : i32
        %add3A_585 = arith.addi %mul3A_199, %add3A_584 : i32
        %get3A_586 = arith.index_cast %add3A_585 : i32 to index
        %get3A_587 = arith.constant 16 : index
        %get3A_588 = tpu.vector_load %arg12[%get3A_586, %get3A_587] {strides = array<i32>} : memref<1696x32xf32, #tpu.memory_space<vmem>>, vector<1x16xf32>,
        %get3A_589 = vector.shape_cast %get3A_588 : vector<1x16xf32> to vector<16xf32>
        %add3A_590 = arith.addf %add3A_572, %get3A_583 : vector<16xf32>
        %add3A_591 = arith.addf %add3A_573, %get3A_589 : vector<16xf32>
        %mul3A_592 = arith.mulf %get3A_583, %get3A_583 : vector<16xf32>
        %add3A_593 = arith.addf %add3A_575, %mul3A_592 : vector<16xf32>
        %mul3A_594 = arith.mulf %get3A_589, %get3A_589 : vector<16xf32>
        %add3A_595 = arith.addf %add3A_577, %mul3A_594 : vector<16xf32>
        %add3A_596 = arith.constant 22 : i32
        %add3A_597 = arith.addi %mul3A_199, %add3A_596 : i32
        %get3A_598 = arith.index_cast %add3A_597 : i32 to index
        %get3A_599 = arith.constant 0 : index
        %get3A_600 = tpu.vector_load %arg12[%get3A_598, %get3A_599] {strides = array<i32>} : memref<1696x32xf32, #tpu.memory_space<vmem>>, vector<1x16xf32>,
        %get3A_601 = vector.shape_cast %get3A_600 : vector<1x16xf32> to vector<16xf32>
        %add3A_602 = arith.constant 22 : i32
        %add3A_603 = arith.addi %mul3A_199, %add3A_602 : i32
        %get3A_604 = arith.index_cast %add3A_603 : i32 to index
        %get3A_605 = arith.constant 16 : index
        %get3A_606 = tpu.vector_load %arg12[%get3A_604, %get3A_605] {strides = array<i32>} : memref<1696x32xf32, #tpu.memory_space<vmem>>, vector<1x16xf32>,
        %get3A_607 = vector.shape_cast %get3A_606 : vector<1x16xf32> to vector<16xf32>
        %add3A_608 = arith.addf %add3A_590, %get3A_601 : vector<16xf32>
        %add3A_609 = arith.addf %add3A_591, %get3A_607 : vector<16xf32>
        %mul3A_610 = arith.mulf %get3A_601, %get3A_601 : vector<16xf32>
        %add3A_611 = arith.addf %add3A_593, %mul3A_610 : vector<16xf32>
        %mul3A_612 = arith.mulf %get3A_607, %get3A_607 : vector<16xf32>
        %add3A_613 = arith.addf %add3A_595, %mul3A_612 : vector<16xf32>
        %add3A_614 = arith.constant 23 : i32
        %add3A_615 = arith.addi %mul3A_199, %add3A_614 : i32
        %get3A_616 = arith.index_cast %add3A_615 : i32 to index
        %get3A_617 = arith.constant 0 : index
        %get3A_618 = tpu.vector_load %arg12[%get3A_616, %get3A_617] {strides = array<i32>} : memref<1696x32xf32, #tpu.memory_space<vmem>>, vector<1x16xf32>,
        %get3A_619 = vector.shape_cast %get3A_618 : vector<1x16xf32> to vector<16xf32>
        %add3A_620 = arith.constant 23 : i32
        %add3A_621 = arith.addi %mul3A_199, %add3A_620 : i32
        %get3A_622 = arith.index_cast %add3A_621 : i32 to index
        %get3A_623 = arith.constant 16 : index
        %get3A_624 = tpu.vector_load %arg12[%get3A_622, %get3A_623] {strides = array<i32>} : memref<1696x32xf32, #tpu.memory_space<vmem>>, vector<1x16xf32>,
        %get3A_625 = vector.shape_cast %get3A_624 : vector<1x16xf32> to vector<16xf32>
        %add3A_626 = arith.addf %add3A_608, %get3A_619 : vector<16xf32>
        %add3A_627 = arith.addf %add3A_609, %get3A_625 : vector<16xf32>
        %mul3A_628 = arith.mulf %get3A_619, %get3A_619 : vector<16xf32>
        %add3A_629 = arith.addf %add3A_611, %mul3A_628 : vector<16xf32>
        %mul3A_630 = arith.mulf %get3A_625, %get3A_625 : vector<16xf32>
        %add3A_631 = arith.addf %add3A_613, %mul3A_630 : vector<16xf32>
        %add3A_632 = arith.constant 24 : i32
        %add3A_633 = arith.addi %mul3A_199, %add3A_632 : i32
        %get3A_634 = arith.index_cast %add3A_633 : i32 to index
        %get3A_635 = arith.constant 0 : index
        %get3A_636 = tpu.vector_load %arg12[%get3A_634, %get3A_635] {strides = array<i32>} : memref<1696x32xf32, #tpu.memory_space<vmem>>, vector<1x16xf32>,
        %get3A_637 = vector.shape_cast %get3A_636 : vector<1x16xf32> to vector<16xf32>
        %add3A_638 = arith.constant 24 : i32
        %add3A_639 = arith.addi %mul3A_199, %add3A_638 : i32
        %get3A_640 = arith.index_cast %add3A_639 : i32 to index
        %get3A_641 = arith.constant 16 : index
        %get3A_642 = tpu.vector_load %arg12[%get3A_640, %get3A_641] {strides = array<i32>} : memref<1696x32xf32, #tpu.memory_space<vmem>>, vector<1x16xf32>,
        %get3A_643 = vector.shape_cast %get3A_642 : vector<1x16xf32> to vector<16xf32>
        %add3A_644 = arith.addf %add3A_626, %get3A_637 : vector<16xf32>
        %add3A_645 = arith.addf %add3A_627, %get3A_643 : vector<16xf32>
        %mul3A_646 = arith.mulf %get3A_637, %get3A_637 : vector<16xf32>
        %add3A_647 = arith.addf %add3A_629, %mul3A_646 : vector<16xf32>
        %mul3A_648 = arith.mulf %get3A_643, %get3A_643 : vector<16xf32>
        %add3A_649 = arith.addf %add3A_631, %mul3A_648 : vector<16xf32>
        %add3A_650 = arith.constant 25 : i32
        %add3A_651 = arith.addi %mul3A_199, %add3A_650 : i32
        %get3A_652 = arith.index_cast %add3A_651 : i32 to index
        %get3A_653 = arith.constant 0 : index
        %get3A_654 = tpu.vector_load %arg12[%get3A_652, %get3A_653] {strides = array<i32>} : memref<1696x32xf32, #tpu.memory_space<vmem>>, vector<1x16xf32>,
        %get3A_655 = vector.shape_cast %get3A_654 : vector<1x16xf32> to vector<16xf32>
        %add3A_656 = arith.constant 25 : i32
        %add3A_657 = arith.addi %mul3A_199, %add3A_656 : i32
        %get3A_658 = arith.index_cast %add3A_657 : i32 to index
        %get3A_659 = arith.constant 16 : index
        %get3A_660 = tpu.vector_load %arg12[%get3A_658, %get3A_659] {strides = array<i32>} : memref<1696x32xf32, #tpu.memory_space<vmem>>, vector<1x16xf32>,
        %get3A_661 = vector.shape_cast %get3A_660 : vector<1x16xf32> to vector<16xf32>
        %add3A_662 = arith.addf %add3A_644, %get3A_655 : vector<16xf32>
        %add3A_663 = arith.addf %add3A_645, %get3A_661 : vector<16xf32>
        %mul3A_664 = arith.mulf %get3A_655, %get3A_655 : vector<16xf32>
        %add3A_665 = arith.addf %add3A_647, %mul3A_664 : vector<16xf32>
        %mul3A_666 = arith.mulf %get3A_661, %get3A_661 : vector<16xf32>
        %add3A_667 = arith.addf %add3A_649, %mul3A_666 : vector<16xf32>
        %add3A_668 = arith.constant 26 : i32
        %add3A_669 = arith.addi %mul3A_199, %add3A_668 : i32
        %get3A_670 = arith.index_cast %add3A_669 : i32 to index
        %get3A_671 = arith.constant 0 : index
        %get3A_672 = tpu.vector_load %arg12[%get3A_670, %get3A_671] {strides = array<i32>} : memref<1696x32xf32, #tpu.memory_space<vmem>>, vector<1x16xf32>,
        %get3A_673 = vector.shape_cast %get3A_672 : vector<1x16xf32> to vector<16xf32>
        %add3A_674 = arith.constant 26 : i32
        %add3A_675 = arith.addi %mul3A_199, %add3A_674 : i32
        %get3A_676 = arith.index_cast %add3A_675 : i32 to index
        %get3A_677 = arith.constant 16 : index
        %get3A_678 = tpu.vector_load %arg12[%get3A_676, %get3A_677] {strides = array<i32>} : memref<1696x32xf32, #tpu.memory_space<vmem>>, vector<1x16xf32>,
        %get3A_679 = vector.shape_cast %get3A_678 : vector<1x16xf32> to vector<16xf32>
        %add3A_680 = arith.addf %add3A_662, %get3A_673 : vector<16xf32>
        %add3A_681 = arith.addf %add3A_663, %get3A_679 : vector<16xf32>
        %mul3A_682 = arith.mulf %get3A_673, %get3A_673 : vector<16xf32>
        %add3A_683 = arith.addf %add3A_665, %mul3A_682 : vector<16xf32>
        %mul3A_684 = arith.mulf %get3A_679, %get3A_679 : vector<16xf32>
        %add3A_685 = arith.addf %add3A_667, %mul3A_684 : vector<16xf32>
        %add3A_686 = arith.constant 27 : i32
        %add3A_687 = arith.addi %mul3A_199, %add3A_686 : i32
        %get3A_688 = arith.index_cast %add3A_687 : i32 to index
        %get3A_689 = arith.constant 0 : index
        %get3A_690 = tpu.vector_load %arg12[%get3A_688, %get3A_689] {strides = array<i32>} : memref<1696x32xf32, #tpu.memory_space<vmem>>, vector<1x16xf32>,
        %get3A_691 = vector.shape_cast %get3A_690 : vector<1x16xf32> to vector<16xf32>
        %add3A_692 = arith.constant 27 : i32
        %add3A_693 = arith.addi %mul3A_199, %add3A_692 : i32
        %get3A_694 = arith.index_cast %add3A_693 : i32 to index
        %get3A_695 = arith.constant 16 : index
        %get3A_696 = tpu.vector_load %arg12[%get3A_694, %get3A_695] {strides = array<i32>} : memref<1696x32xf32, #tpu.memory_space<vmem>>, vector<1x16xf32>,
        %get3A_697 = vector.shape_cast %get3A_696 : vector<1x16xf32> to vector<16xf32>
        %add3A_698 = arith.addf %add3A_680, %get3A_691 : vector<16xf32>
        %add3A_699 = arith.addf %add3A_681, %get3A_697 : vector<16xf32>
        %mul3A_700 = arith.mulf %get3A_691, %get3A_691 : vector<16xf32>
        %add3A_701 = arith.addf %add3A_683, %mul3A_700 : vector<16xf32>
        %mul3A_702 = arith.mulf %get3A_697, %get3A_697 : vector<16xf32>
        %add3A_703 = arith.addf %add3A_685, %mul3A_702 : vector<16xf32>
        %add3A_704 = arith.constant 28 : i32
        %add3A_705 = arith.addi %mul3A_199, %add3A_704 : i32
        %get3A_706 = arith.index_cast %add3A_705 : i32 to index
        %get3A_707 = arith.constant 0 : index
        %get3A_708 = tpu.vector_load %arg12[%get3A_706, %get3A_707] {strides = array<i32>} : memref<1696x32xf32, #tpu.memory_space<vmem>>, vector<1x16xf32>,
        %get3A_709 = vector.shape_cast %get3A_708 : vector<1x16xf32> to vector<16xf32>
        %add3A_710 = arith.constant 28 : i32
        %add3A_711 = arith.addi %mul3A_199, %add3A_710 : i32
        %get3A_712 = arith.index_cast %add3A_711 : i32 to index
        %get3A_713 = arith.constant 16 : index
        %get3A_714 = tpu.vector_load %arg12[%get3A_712, %get3A_713] {strides = array<i32>} : memref<1696x32xf32, #tpu.memory_space<vmem>>, vector<1x16xf32>,
        %get3A_715 = vector.shape_cast %get3A_714 : vector<1x16xf32> to vector<16xf32>
        %add3A_716 = arith.addf %add3A_698, %get3A_709 : vector<16xf32>
        %add3A_717 = arith.addf %add3A_699, %get3A_715 : vector<16xf32>
        %mul3A_718 = arith.mulf %get3A_709, %get3A_709 : vector<16xf32>
        %add3A_719 = arith.addf %add3A_701, %mul3A_718 : vector<16xf32>
        %mul3A_720 = arith.mulf %get3A_715, %get3A_715 : vector<16xf32>
        %add3A_721 = arith.addf %add3A_703, %mul3A_720 : vector<16xf32>
        %add3A_722 = arith.constant 29 : i32
        %add3A_723 = arith.addi %mul3A_199, %add3A_722 : i32
        %get3A_724 = arith.index_cast %add3A_723 : i32 to index
        %get3A_725 = arith.constant 0 : index
        %get3A_726 = tpu.vector_load %arg12[%get3A_724, %get3A_725] {strides = array<i32>} : memref<1696x32xf32, #tpu.memory_space<vmem>>, vector<1x16xf32>,
        %get3A_727 = vector.shape_cast %get3A_726 : vector<1x16xf32> to vector<16xf32>
        %add3A_728 = arith.constant 29 : i32
        %add3A_729 = arith.addi %mul3A_199, %add3A_728 : i32
        %get3A_730 = arith.index_cast %add3A_729 : i32 to index
        %get3A_731 = arith.constant 16 : index
        %get3A_732 = tpu.vector_load %arg12[%get3A_730, %get3A_731] {strides = array<i32>} : memref<1696x32xf32, #tpu.memory_space<vmem>>, vector<1x16xf32>,
        %get3A_733 = vector.shape_cast %get3A_732 : vector<1x16xf32> to vector<16xf32>
        %add3A_734 = arith.addf %add3A_716, %get3A_727 : vector<16xf32>
        %add3A_735 = arith.addf %add3A_717, %get3A_733 : vector<16xf32>
        %mul3A_736 = arith.mulf %get3A_727, %get3A_727 : vector<16xf32>
        %add3A_737 = arith.addf %add3A_719, %mul3A_736 : vector<16xf32>
        %mul3A_738 = arith.mulf %get3A_733, %get3A_733 : vector<16xf32>
        %add3A_739 = arith.addf %add3A_721, %mul3A_738 : vector<16xf32>
        %add3A_740 = arith.constant 30 : i32
        %add3A_741 = arith.addi %mul3A_199, %add3A_740 : i32
        %get3A_742 = arith.index_cast %add3A_741 : i32 to index
        %get3A_743 = arith.constant 0 : index
        %get3A_744 = tpu.vector_load %arg12[%get3A_742, %get3A_743] {strides = array<i32>} : memref<1696x32xf32, #tpu.memory_space<vmem>>, vector<1x16xf32>,
        %get3A_745 = vector.shape_cast %get3A_744 : vector<1x16xf32> to vector<16xf32>
        %add3A_746 = arith.constant 30 : i32
        %add3A_747 = arith.addi %mul3A_199, %add3A_746 : i32
        %get3A_748 = arith.index_cast %add3A_747 : i32 to index
        %get3A_749 = arith.constant 16 : index
        %get3A_750 = tpu.vector_load %arg12[%get3A_748, %get3A_749] {strides = array<i32>} : memref<1696x32xf32, #tpu.memory_space<vmem>>, vector<1x16xf32>,
        %get3A_751 = vector.shape_cast %get3A_750 : vector<1x16xf32> to vector<16xf32>
        %add3A_752 = arith.addf %add3A_734, %get3A_745 : vector<16xf32>
        %add3A_753 = arith.addf %add3A_735, %get3A_751 : vector<16xf32>
        %mul3A_754 = arith.mulf %get3A_745, %get3A_745 : vector<16xf32>
        %add3A_755 = arith.addf %add3A_737, %mul3A_754 : vector<16xf32>
        %mul3A_756 = arith.mulf %get3A_751, %get3A_751 : vector<16xf32>
        %add3A_757 = arith.addf %add3A_739, %mul3A_756 : vector<16xf32>
        %add3A_758 = arith.constant 31 : i32
        %add3A_759 = arith.addi %mul3A_199, %add3A_758 : i32
        %get3A_760 = arith.index_cast %add3A_759 : i32 to index
        %get3A_761 = arith.constant 0 : index
        %get3A_762 = tpu.vector_load %arg12[%get3A_760, %get3A_761] {strides = array<i32>} : memref<1696x32xf32, #tpu.memory_space<vmem>>, vector<1x16xf32>,
        %get3A_763 = vector.shape_cast %get3A_762 : vector<1x16xf32> to vector<16xf32>
        %add3A_764 = arith.constant 31 : i32
        %add3A_765 = arith.addi %mul3A_199, %add3A_764 : i32
        %get3A_766 = arith.index_cast %add3A_765 : i32 to index
        %get3A_767 = arith.constant 16 : index
        %get3A_768 = tpu.vector_load %arg12[%get3A_766, %get3A_767] {strides = array<i32>} : memref<1696x32xf32, #tpu.memory_space<vmem>>, vector<1x16xf32>,
        %get3A_769 = vector.shape_cast %get3A_768 : vector<1x16xf32> to vector<16xf32>
        %add3A_770 = arith.addf %add3A_752, %get3A_763 : vector<16xf32>
        %add3A_771 = arith.addf %add3A_753, %get3A_769 : vector<16xf32>
        %mul3A_772 = arith.mulf %get3A_763, %get3A_763 : vector<16xf32>
        %add3A_773 = arith.addf %add3A_755, %mul3A_772 : vector<16xf32>
        %mul3A_774 = arith.mulf %get3A_769, %get3A_769 : vector<16xf32>
        %add3A_775 = arith.addf %add3A_757, %mul3A_774 : vector<16xf32>
        %add3A_776 = arith.constant 32 : i32
        %add3A_777 = arith.addi %mul3A_199, %add3A_776 : i32
        %get3A_778 = arith.index_cast %add3A_777 : i32 to index
        %get3A_779 = arith.constant 0 : index
        %get3A_780 = tpu.vector_load %arg12[%get3A_778, %get3A_779] {strides = array<i32>} : memref<1696x32xf32, #tpu.memory_space<vmem>>, vector<1x16xf32>,
        %get3A_781 = vector.shape_cast %get3A_780 : vector<1x16xf32> to vector<16xf32>
        %add3A_782 = arith.constant 32 : i32
        %add3A_783 = arith.addi %mul3A_199, %add3A_782 : i32
        %get3A_784 = arith.index_cast %add3A_783 : i32 to index
        %get3A_785 = arith.constant 16 : index
        %get3A_786 = tpu.vector_load %arg12[%get3A_784, %get3A_785] {strides = array<i32>} : memref<1696x32xf32, #tpu.memory_space<vmem>>, vector<1x16xf32>,
        %get3A_787 = vector.shape_cast %get3A_786 : vector<1x16xf32> to vector<16xf32>
        %add3A_788 = arith.addf %add3A_770, %get3A_781 : vector<16xf32>
        %add3A_789 = arith.addf %add3A_771, %get3A_787 : vector<16xf32>
        %mul3A_790 = arith.mulf %get3A_781, %get3A_781 : vector<16xf32>
        %add3A_791 = arith.addf %add3A_773, %mul3A_790 : vector<16xf32>
        %mul3A_792 = arith.mulf %get3A_787, %get3A_787 : vector<16xf32>
        %add3A_793 = arith.addf %add3A_775, %mul3A_792 : vector<16xf32>
        %add3A_794 = arith.constant 33 : i32
        %add3A_795 = arith.addi %mul3A_199, %add3A_794 : i32
        %get3A_796 = arith.index_cast %add3A_795 : i32 to index
        %get3A_797 = arith.constant 0 : index
        %get3A_798 = tpu.vector_load %arg12[%get3A_796, %get3A_797] {strides = array<i32>} : memref<1696x32xf32, #tpu.memory_space<vmem>>, vector<1x16xf32>,
        %get3A_799 = vector.shape_cast %get3A_798 : vector<1x16xf32> to vector<16xf32>
        %add3A_800 = arith.constant 33 : i32
        %add3A_801 = arith.addi %mul3A_199, %add3A_800 : i32
        %get3A_802 = arith.index_cast %add3A_801 : i32 to index
        %get3A_803 = arith.constant 16 : index
        %get3A_804 = tpu.vector_load %arg12[%get3A_802, %get3A_803] {strides = array<i32>} : memref<1696x32xf32, #tpu.memory_space<vmem>>, vector<1x16xf32>,
        %get3A_805 = vector.shape_cast %get3A_804 : vector<1x16xf32> to vector<16xf32>
        %add3A_806 = arith.addf %add3A_788, %get3A_799 : vector<16xf32>
        %add3A_807 = arith.addf %add3A_789, %get3A_805 : vector<16xf32>
        %mul3A_808 = arith.mulf %get3A_799, %get3A_799 : vector<16xf32>
        %add3A_809 = arith.addf %add3A_791, %mul3A_808 : vector<16xf32>
        %mul3A_810 = arith.mulf %get3A_805, %get3A_805 : vector<16xf32>
        %add3A_811 = arith.addf %add3A_793, %mul3A_810 : vector<16xf32>
        %add3A_812 = arith.constant 34 : i32
        %add3A_813 = arith.addi %mul3A_199, %add3A_812 : i32
        %get3A_814 = arith.index_cast %add3A_813 : i32 to index
        %get3A_815 = arith.constant 0 : index
        %get3A_816 = tpu.vector_load %arg12[%get3A_814, %get3A_815] {strides = array<i32>} : memref<1696x32xf32, #tpu.memory_space<vmem>>, vector<1x16xf32>,
        %get3A_817 = vector.shape_cast %get3A_816 : vector<1x16xf32> to vector<16xf32>
        %add3A_818 = arith.constant 34 : i32
        %add3A_819 = arith.addi %mul3A_199, %add3A_818 : i32
        %get3A_820 = arith.index_cast %add3A_819 : i32 to index
        %get3A_821 = arith.constant 16 : index
        %get3A_822 = tpu.vector_load %arg12[%get3A_820, %get3A_821] {strides = array<i32>} : memref<1696x32xf32, #tpu.memory_space<vmem>>, vector<1x16xf32>,
        %get3A_823 = vector.shape_cast %get3A_822 : vector<1x16xf32> to vector<16xf32>
        %add3A_824 = arith.addf %add3A_806, %get3A_817 : vector<16xf32>
        %add3A_825 = arith.addf %add3A_807, %get3A_823 : vector<16xf32>
        %mul3A_826 = arith.mulf %get3A_817, %get3A_817 : vector<16xf32>
        %add3A_827 = arith.addf %add3A_809, %mul3A_826 : vector<16xf32>
        %mul3A_828 = arith.mulf %get3A_823, %get3A_823 : vector<16xf32>
        %add3A_829 = arith.addf %add3A_811, %mul3A_828 : vector<16xf32>
        %add3A_830 = arith.constant 35 : i32
        %add3A_831 = arith.addi %mul3A_199, %add3A_830 : i32
        %get3A_832 = arith.index_cast %add3A_831 : i32 to index
        %get3A_833 = arith.constant 0 : index
        %get3A_834 = tpu.vector_load %arg12[%get3A_832, %get3A_833] {strides = array<i32>} : memref<1696x32xf32, #tpu.memory_space<vmem>>, vector<1x16xf32>,
        %get3A_835 = vector.shape_cast %get3A_834 : vector<1x16xf32> to vector<16xf32>
        %add3A_836 = arith.constant 35 : i32
        %add3A_837 = arith.addi %mul3A_199, %add3A_836 : i32
        %get3A_838 = arith.index_cast %add3A_837 : i32 to index
        %get3A_839 = arith.constant 16 : index
        %get3A_840 = tpu.vector_load %arg12[%get3A_838, %get3A_839] {strides = array<i32>} : memref<1696x32xf32, #tpu.memory_space<vmem>>, vector<1x16xf32>,
        %get3A_841 = vector.shape_cast %get3A_840 : vector<1x16xf32> to vector<16xf32>
        %add3A_842 = arith.addf %add3A_824, %get3A_835 : vector<16xf32>
        %add3A_843 = arith.addf %add3A_825, %get3A_841 : vector<16xf32>
        %mul3A_844 = arith.mulf %get3A_835, %get3A_835 : vector<16xf32>
        %add3A_845 = arith.addf %add3A_827, %mul3A_844 : vector<16xf32>
        %mul3A_846 = arith.mulf %get3A_841, %get3A_841 : vector<16xf32>
        %add3A_847 = arith.addf %add3A_829, %mul3A_846 : vector<16xf32>
        %add3A_848 = arith.constant 36 : i32
        %add3A_849 = arith.addi %mul3A_199, %add3A_848 : i32
        %get3A_850 = arith.index_cast %add3A_849 : i32 to index
        %get3A_851 = arith.constant 0 : index
        %get3A_852 = tpu.vector_load %arg12[%get3A_850, %get3A_851] {strides = array<i32>} : memref<1696x32xf32, #tpu.memory_space<vmem>>, vector<1x16xf32>,
        %get3A_853 = vector.shape_cast %get3A_852 : vector<1x16xf32> to vector<16xf32>
        %add3A_854 = arith.constant 36 : i32
        %add3A_855 = arith.addi %mul3A_199, %add3A_854 : i32
        %get3A_856 = arith.index_cast %add3A_855 : i32 to index
        %get3A_857 = arith.constant 16 : index
        %get3A_858 = tpu.vector_load %arg12[%get3A_856, %get3A_857] {strides = array<i32>} : memref<1696x32xf32, #tpu.memory_space<vmem>>, vector<1x16xf32>,
        %get3A_859 = vector.shape_cast %get3A_858 : vector<1x16xf32> to vector<16xf32>
        %add3A_860 = arith.addf %add3A_842, %get3A_853 : vector<16xf32>
        %add3A_861 = arith.addf %add3A_843, %get3A_859 : vector<16xf32>
        %mul3A_862 = arith.mulf %get3A_853, %get3A_853 : vector<16xf32>
        %add3A_863 = arith.addf %add3A_845, %mul3A_862 : vector<16xf32>
        %mul3A_864 = arith.mulf %get3A_859, %get3A_859 : vector<16xf32>
        %add3A_865 = arith.addf %add3A_847, %mul3A_864 : vector<16xf32>
        %add3A_866 = arith.constant 37 : i32
        %add3A_867 = arith.addi %mul3A_199, %add3A_866 : i32
        %get3A_868 = arith.index_cast %add3A_867 : i32 to index
        %get3A_869 = arith.constant 0 : index
        %get3A_870 = tpu.vector_load %arg12[%get3A_868, %get3A_869] {strides = array<i32>} : memref<1696x32xf32, #tpu.memory_space<vmem>>, vector<1x16xf32>,
        %get3A_871 = vector.shape_cast %get3A_870 : vector<1x16xf32> to vector<16xf32>
        %add3A_872 = arith.constant 37 : i32
        %add3A_873 = arith.addi %mul3A_199, %add3A_872 : i32
        %get3A_874 = arith.index_cast %add3A_873 : i32 to index
        %get3A_875 = arith.constant 16 : index
        %get3A_876 = tpu.vector_load %arg12[%get3A_874, %get3A_875] {strides = array<i32>} : memref<1696x32xf32, #tpu.memory_space<vmem>>, vector<1x16xf32>,
        %get3A_877 = vector.shape_cast %get3A_876 : vector<1x16xf32> to vector<16xf32>
        %add3A_878 = arith.addf %add3A_860, %get3A_871 : vector<16xf32>
        %add3A_879 = arith.addf %add3A_861, %get3A_877 : vector<16xf32>
        %mul3A_880 = arith.mulf %get3A_871, %get3A_871 : vector<16xf32>
        %add3A_881 = arith.addf %add3A_863, %mul3A_880 : vector<16xf32>
        %mul3A_882 = arith.mulf %get3A_877, %get3A_877 : vector<16xf32>
        %add3A_883 = arith.addf %add3A_865, %mul3A_882 : vector<16xf32>
        %add3A_884 = arith.constant 38 : i32
        %add3A_885 = arith.addi %mul3A_199, %add3A_884 : i32
        %get3A_886 = arith.index_cast %add3A_885 : i32 to index
        %get3A_887 = arith.constant 0 : index
        %get3A_888 = tpu.vector_load %arg12[%get3A_886, %get3A_887] {strides = array<i32>} : memref<1696x32xf32, #tpu.memory_space<vmem>>, vector<1x16xf32>,
        %get3A_889 = vector.shape_cast %get3A_888 : vector<1x16xf32> to vector<16xf32>
        %add3A_890 = arith.constant 38 : i32
        %add3A_891 = arith.addi %mul3A_199, %add3A_890 : i32
        %get3A_892 = arith.index_cast %add3A_891 : i32 to index
        %get3A_893 = arith.constant 16 : index
        %get3A_894 = tpu.vector_load %arg12[%get3A_892, %get3A_893] {strides = array<i32>} : memref<1696x32xf32, #tpu.memory_space<vmem>>, vector<1x16xf32>,
        %get3A_895 = vector.shape_cast %get3A_894 : vector<1x16xf32> to vector<16xf32>
        %add3A_896 = arith.addf %add3A_878, %get3A_889 : vector<16xf32>
        %add3A_897 = arith.addf %add3A_879, %get3A_895 : vector<16xf32>
        %mul3A_898 = arith.mulf %get3A_889, %get3A_889 : vector<16xf32>
        %add3A_899 = arith.addf %add3A_881, %mul3A_898 : vector<16xf32>
        %mul3A_900 = arith.mulf %get3A_895, %get3A_895 : vector<16xf32>
        %add3A_901 = arith.addf %add3A_883, %mul3A_900 : vector<16xf32>
        %add3A_902 = arith.constant 39 : i32
        %add3A_903 = arith.addi %mul3A_199, %add3A_902 : i32
        %get3A_904 = arith.index_cast %add3A_903 : i32 to index
        %get3A_905 = arith.constant 0 : index
        %get3A_906 = tpu.vector_load %arg12[%get3A_904, %get3A_905] {strides = array<i32>} : memref<1696x32xf32, #tpu.memory_space<vmem>>, vector<1x16xf32>,
        %get3A_907 = vector.shape_cast %get3A_906 : vector<1x16xf32> to vector<16xf32>
        %add3A_908 = arith.constant 39 : i32
        %add3A_909 = arith.addi %mul3A_199, %add3A_908 : i32
        %get3A_910 = arith.index_cast %add3A_909 : i32 to index
        %get3A_911 = arith.constant 16 : index
        %get3A_912 = tpu.vector_load %arg12[%get3A_910, %get3A_911] {strides = array<i32>} : memref<1696x32xf32, #tpu.memory_space<vmem>>, vector<1x16xf32>,
        %get3A_913 = vector.shape_cast %get3A_912 : vector<1x16xf32> to vector<16xf32>
        %add3A_914 = arith.addf %add3A_896, %get3A_907 : vector<16xf32>
        %add3A_915 = arith.addf %add3A_897, %get3A_913 : vector<16xf32>
        %mul3A_916 = arith.mulf %get3A_907, %get3A_907 : vector<16xf32>
        %add3A_917 = arith.addf %add3A_899, %mul3A_916 : vector<16xf32>
        %mul3A_918 = arith.mulf %get3A_913, %get3A_913 : vector<16xf32>
        %add3A_919 = arith.addf %add3A_901, %mul3A_918 : vector<16xf32>
        %add3A_920 = arith.constant 40 : i32
        %add3A_921 = arith.addi %mul3A_199, %add3A_920 : i32
        %get3A_922 = arith.index_cast %add3A_921 : i32 to index
        %get3A_923 = arith.constant 0 : index
        %get3A_924 = tpu.vector_load %arg12[%get3A_922, %get3A_923] {strides = array<i32>} : memref<1696x32xf32, #tpu.memory_space<vmem>>, vector<1x16xf32>,
        %get3A_925 = vector.shape_cast %get3A_924 : vector<1x16xf32> to vector<16xf32>
        %add3A_926 = arith.constant 40 : i32
        %add3A_927 = arith.addi %mul3A_199, %add3A_926 : i32
        %get3A_928 = arith.index_cast %add3A_927 : i32 to index
        %get3A_929 = arith.constant 16 : index
        %get3A_930 = tpu.vector_load %arg12[%get3A_928, %get3A_929] {strides = array<i32>} : memref<1696x32xf32, #tpu.memory_space<vmem>>, vector<1x16xf32>,
        %get3A_931 = vector.shape_cast %get3A_930 : vector<1x16xf32> to vector<16xf32>
        %add3A_932 = arith.addf %add3A_914, %get3A_925 : vector<16xf32>
        %add3A_933 = arith.addf %add3A_915, %get3A_931 : vector<16xf32>
        %mul3A_934 = arith.mulf %get3A_925, %get3A_925 : vector<16xf32>
        %add3A_935 = arith.addf %add3A_917, %mul3A_934 : vector<16xf32>
        %mul3A_936 = arith.mulf %get3A_931, %get3A_931 : vector<16xf32>
        %add3A_937 = arith.addf %add3A_919, %mul3A_936 : vector<16xf32>
        %add3A_938 = arith.constant 41 : i32
        %add3A_939 = arith.addi %mul3A_199, %add3A_938 : i32
        %get3A_940 = arith.index_cast %add3A_939 : i32 to index
        %get3A_941 = arith.constant 0 : index
        %get3A_942 = tpu.vector_load %arg12[%get3A_940, %get3A_941] {strides = array<i32>} : memref<1696x32xf32, #tpu.memory_space<vmem>>, vector<1x16xf32>,
        %get3A_943 = vector.shape_cast %get3A_942 : vector<1x16xf32> to vector<16xf32>
        %add3A_944 = arith.constant 41 : i32
        %add3A_945 = arith.addi %mul3A_199, %add3A_944 : i32
        %get3A_946 = arith.index_cast %add3A_945 : i32 to index
        %get3A_947 = arith.constant 16 : index
        %get3A_948 = tpu.vector_load %arg12[%get3A_946, %get3A_947] {strides = array<i32>} : memref<1696x32xf32, #tpu.memory_space<vmem>>, vector<1x16xf32>,
        %get3A_949 = vector.shape_cast %get3A_948 : vector<1x16xf32> to vector<16xf32>
        %add3A_950 = arith.addf %add3A_932, %get3A_943 : vector<16xf32>
        %add3A_951 = arith.addf %add3A_933, %get3A_949 : vector<16xf32>
        %mul3A_952 = arith.mulf %get3A_943, %get3A_943 : vector<16xf32>
        %add3A_953 = arith.addf %add3A_935, %mul3A_952 : vector<16xf32>
        %mul3A_954 = arith.mulf %get3A_949, %get3A_949 : vector<16xf32>
        %add3A_955 = arith.addf %add3A_937, %mul3A_954 : vector<16xf32>
        %add3A_956 = arith.constant 42 : i32
        %add3A_957 = arith.addi %mul3A_199, %add3A_956 : i32
        %get3A_958 = arith.index_cast %add3A_957 : i32 to index
        %get3A_959 = arith.constant 0 : index
        %get3A_960 = tpu.vector_load %arg12[%get3A_958, %get3A_959] {strides = array<i32>} : memref<1696x32xf32, #tpu.memory_space<vmem>>, vector<1x16xf32>,
        %get3A_961 = vector.shape_cast %get3A_960 : vector<1x16xf32> to vector<16xf32>
        %add3A_962 = arith.constant 42 : i32
        %add3A_963 = arith.addi %mul3A_199, %add3A_962 : i32
        %get3A_964 = arith.index_cast %add3A_963 : i32 to index
        %get3A_965 = arith.constant 16 : index
        %get3A_966 = tpu.vector_load %arg12[%get3A_964, %get3A_965] {strides = array<i32>} : memref<1696x32xf32, #tpu.memory_space<vmem>>, vector<1x16xf32>,
        %get3A_967 = vector.shape_cast %get3A_966 : vector<1x16xf32> to vector<16xf32>
        %add3A_968 = arith.addf %add3A_950, %get3A_961 : vector<16xf32>
        %add3A_969 = arith.addf %add3A_951, %get3A_967 : vector<16xf32>
        %mul3A_970 = arith.mulf %get3A_961, %get3A_961 : vector<16xf32>
        %add3A_971 = arith.addf %add3A_953, %mul3A_970 : vector<16xf32>
        %mul3A_972 = arith.mulf %get3A_967, %get3A_967 : vector<16xf32>
        %add3A_973 = arith.addf %add3A_955, %mul3A_972 : vector<16xf32>
        %add3A_974 = arith.constant 43 : i32
        %add3A_975 = arith.addi %mul3A_199, %add3A_974 : i32
        %get3A_976 = arith.index_cast %add3A_975 : i32 to index
        %get3A_977 = arith.constant 0 : index
        %get3A_978 = tpu.vector_load %arg12[%get3A_976, %get3A_977] {strides = array<i32>} : memref<1696x32xf32, #tpu.memory_space<vmem>>, vector<1x16xf32>,
        %get3A_979 = vector.shape_cast %get3A_978 : vector<1x16xf32> to vector<16xf32>
        %add3A_980 = arith.constant 43 : i32
        %add3A_981 = arith.addi %mul3A_199, %add3A_980 : i32
        %get3A_982 = arith.index_cast %add3A_981 : i32 to index
        %get3A_983 = arith.constant 16 : index
        %get3A_984 = tpu.vector_load %arg12[%get3A_982, %get3A_983] {strides = array<i32>} : memref<1696x32xf32, #tpu.memory_space<vmem>>, vector<1x16xf32>,
        %get3A_985 = vector.shape_cast %get3A_984 : vector<1x16xf32> to vector<16xf32>
        %add3A_986 = arith.addf %add3A_968, %get3A_979 : vector<16xf32>
        %add3A_987 = arith.addf %add3A_969, %get3A_985 : vector<16xf32>
        %mul3A_988 = arith.mulf %get3A_979, %get3A_979 : vector<16xf32>
        %add3A_989 = arith.addf %add3A_971, %mul3A_988 : vector<16xf32>
        %mul3A_990 = arith.mulf %get3A_985, %get3A_985 : vector<16xf32>
        %add3A_991 = arith.addf %add3A_973, %mul3A_990 : vector<16xf32>
        %add3A_992 = arith.constant 44 : i32
        %add3A_993 = arith.addi %mul3A_199, %add3A_992 : i32
        %get3A_994 = arith.index_cast %add3A_993 : i32 to index
        %get3A_995 = arith.constant 0 : index
        %get3A_996 = tpu.vector_load %arg12[%get3A_994, %get3A_995] {strides = array<i32>} : memref<1696x32xf32, #tpu.memory_space<vmem>>, vector<1x16xf32>,
        %get3A_997 = vector.shape_cast %get3A_996 : vector<1x16xf32> to vector<16xf32>
        %add3A_998 = arith.constant 44 : i32
        %add3A_999 = arith.addi %mul3A_199, %add3A_998 : i32
        %get3A_1000 = arith.index_cast %add3A_999 : i32 to index
        %get3A_1001 = arith.constant 16 : index
        %get3A_1002 = tpu.vector_load %arg12[%get3A_1000, %get3A_1001] {strides = array<i32>} : memref<1696x32xf32, #tpu.memory_space<vmem>>, vector<1x16xf32>,
        %get3A_1003 = vector.shape_cast %get3A_1002 : vector<1x16xf32> to vector<16xf32>
        %add3A_1004 = arith.addf %add3A_986, %get3A_997 : vector<16xf32>
        %add3A_1005 = arith.addf %add3A_987, %get3A_1003 : vector<16xf32>
        %mul3A_1006 = arith.mulf %get3A_997, %get3A_997 : vector<16xf32>
        %add3A_1007 = arith.addf %add3A_989, %mul3A_1006 : vector<16xf32>
        %mul3A_1008 = arith.mulf %get3A_1003, %get3A_1003 : vector<16xf32>
        %add3A_1009 = arith.addf %add3A_991, %mul3A_1008 : vector<16xf32>
        %add3A_1010 = arith.constant 45 : i32
        %add3A_1011 = arith.addi %mul3A_199, %add3A_1010 : i32
        %get3A_1012 = arith.index_cast %add3A_1011 : i32 to index
        %get3A_1013 = arith.constant 0 : index
        %get3A_1014 = tpu.vector_load %arg12[%get3A_1012, %get3A_1013] {strides = array<i32>} : memref<1696x32xf32, #tpu.memory_space<vmem>>, vector<1x16xf32>,
        %get3A_1015 = vector.shape_cast %get3A_1014 : vector<1x16xf32> to vector<16xf32>
        %add3A_1016 = arith.constant 45 : i32
        %add3A_1017 = arith.addi %mul3A_199, %add3A_1016 : i32
        %get3A_1018 = arith.index_cast %add3A_1017 : i32 to index
        %get3A_1019 = arith.constant 16 : index
        %get3A_1020 = tpu.vector_load %arg12[%get3A_1018, %get3A_1019] {strides = array<i32>} : memref<1696x32xf32, #tpu.memory_space<vmem>>, vector<1x16xf32>,
        %get3A_1021 = vector.shape_cast %get3A_1020 : vector<1x16xf32> to vector<16xf32>
        %add3A_1022 = arith.addf %add3A_1004, %get3A_1015 : vector<16xf32>
        %add3A_1023 = arith.addf %add3A_1005, %get3A_1021 : vector<16xf32>
        %mul3A_1024 = arith.mulf %get3A_1015, %get3A_1015 : vector<16xf32>
        %add3A_1025 = arith.addf %add3A_1007, %mul3A_1024 : vector<16xf32>
        %mul3A_1026 = arith.mulf %get3A_1021, %get3A_1021 : vector<16xf32>
        %add3A_1027 = arith.addf %add3A_1009, %mul3A_1026 : vector<16xf32>
        %add3A_1028 = arith.constant 46 : i32
        %add3A_1029 = arith.addi %mul3A_199, %add3A_1028 : i32
        %get3A_1030 = arith.index_cast %add3A_1029 : i32 to index
        %get3A_1031 = arith.constant 0 : index
        %get3A_1032 = tpu.vector_load %arg12[%get3A_1030, %get3A_1031] {strides = array<i32>} : memref<1696x32xf32, #tpu.memory_space<vmem>>, vector<1x16xf32>,
        %get3A_1033 = vector.shape_cast %get3A_1032 : vector<1x16xf32> to vector<16xf32>
        %add3A_1034 = arith.constant 46 : i32
        %add3A_1035 = arith.addi %mul3A_199, %add3A_1034 : i32
        %get3A_1036 = arith.index_cast %add3A_1035 : i32 to index
        %get3A_1037 = arith.constant 16 : index
        %get3A_1038 = tpu.vector_load %arg12[%get3A_1036, %get3A_1037] {strides = array<i32>} : memref<1696x32xf32, #tpu.memory_space<vmem>>, vector<1x16xf32>,
        %get3A_1039 = vector.shape_cast %get3A_1038 : vector<1x16xf32> to vector<16xf32>
        %add3A_1040 = arith.addf %add3A_1022, %get3A_1033 : vector<16xf32>
        %add3A_1041 = arith.addf %add3A_1023, %get3A_1039 : vector<16xf32>
        %mul3A_1042 = arith.mulf %get3A_1033, %get3A_1033 : vector<16xf32>
        %add3A_1043 = arith.addf %add3A_1025, %mul3A_1042 : vector<16xf32>
        %mul3A_1044 = arith.mulf %get3A_1039, %get3A_1039 : vector<16xf32>
        %add3A_1045 = arith.addf %add3A_1027, %mul3A_1044 : vector<16xf32>
        %add3A_1046 = arith.constant 47 : i32
        %add3A_1047 = arith.addi %mul3A_199, %add3A_1046 : i32
        %get3A_1048 = arith.index_cast %add3A_1047 : i32 to index
        %get3A_1049 = arith.constant 0 : index
        %get3A_1050 = tpu.vector_load %arg12[%get3A_1048, %get3A_1049] {strides = array<i32>} : memref<1696x32xf32, #tpu.memory_space<vmem>>, vector<1x16xf32>,
        %get3A_1051 = vector.shape_cast %get3A_1050 : vector<1x16xf32> to vector<16xf32>
        %add3A_1052 = arith.constant 47 : i32
        %add3A_1053 = arith.addi %mul3A_199, %add3A_1052 : i32
        %get3A_1054 = arith.index_cast %add3A_1053 : i32 to index
        %get3A_1055 = arith.constant 16 : index
        %get3A_1056 = tpu.vector_load %arg12[%get3A_1054, %get3A_1055] {strides = array<i32>} : memref<1696x32xf32, #tpu.memory_space<vmem>>, vector<1x16xf32>,
        %get3A_1057 = vector.shape_cast %get3A_1056 : vector<1x16xf32> to vector<16xf32>
        %add3A_1058 = arith.addf %add3A_1040, %get3A_1051 : vector<16xf32>
        %add3A_1059 = arith.addf %add3A_1041, %get3A_1057 : vector<16xf32>
        %mul3A_1060 = arith.mulf %get3A_1051, %get3A_1051 : vector<16xf32>
        %add3A_1061 = arith.addf %add3A_1043, %mul3A_1060 : vector<16xf32>
        %mul3A_1062 = arith.mulf %get3A_1057, %get3A_1057 : vector<16xf32>
        %add3A_1063 = arith.addf %add3A_1045, %mul3A_1062 : vector<16xf32>
        %add3A_1064 = arith.constant 48 : i32
        %add3A_1065 = arith.addi %mul3A_199, %add3A_1064 : i32
        %get3A_1066 = arith.index_cast %add3A_1065 : i32 to index
        %get3A_1067 = arith.constant 0 : index
        %get3A_1068 = tpu.vector_load %arg12[%get3A_1066, %get3A_1067] {strides = array<i32>} : memref<1696x32xf32, #tpu.memory_space<vmem>>, vector<1x16xf32>,
        %get3A_1069 = vector.shape_cast %get3A_1068 : vector<1x16xf32> to vector<16xf32>
        %add3A_1070 = arith.constant 48 : i32
        %add3A_1071 = arith.addi %mul3A_199, %add3A_1070 : i32
        %get3A_1072 = arith.index_cast %add3A_1071 : i32 to index
        %get3A_1073 = arith.constant 16 : index
        %get3A_1074 = tpu.vector_load %arg12[%get3A_1072, %get3A_1073] {strides = array<i32>} : memref<1696x32xf32, #tpu.memory_space<vmem>>, vector<1x16xf32>,
        %get3A_1075 = vector.shape_cast %get3A_1074 : vector<1x16xf32> to vector<16xf32>
        %add3A_1076 = arith.addf %add3A_1058, %get3A_1069 : vector<16xf32>
        %add3A_1077 = arith.addf %add3A_1059, %get3A_1075 : vector<16xf32>
        %mul3A_1078 = arith.mulf %get3A_1069, %get3A_1069 : vector<16xf32>
        %add3A_1079 = arith.addf %add3A_1061, %mul3A_1078 : vector<16xf32>
        %mul3A_1080 = arith.mulf %get3A_1075, %get3A_1075 : vector<16xf32>
        %add3A_1081 = arith.addf %add3A_1063, %mul3A_1080 : vector<16xf32>
        %add3A_1082 = arith.constant 49 : i32
        %add3A_1083 = arith.addi %mul3A_199, %add3A_1082 : i32
        %get3A_1084 = arith.index_cast %add3A_1083 : i32 to index
        %get3A_1085 = arith.constant 0 : index
        %get3A_1086 = tpu.vector_load %arg12[%get3A_1084, %get3A_1085] {strides = array<i32>} : memref<1696x32xf32, #tpu.memory_space<vmem>>, vector<1x16xf32>,
        %get3A_1087 = vector.shape_cast %get3A_1086 : vector<1x16xf32> to vector<16xf32>
        %add3A_1088 = arith.constant 49 : i32
        %add3A_1089 = arith.addi %mul3A_199, %add3A_1088 : i32
        %get3A_1090 = arith.index_cast %add3A_1089 : i32 to index
        %get3A_1091 = arith.constant 16 : index
        %get3A_1092 = tpu.vector_load %arg12[%get3A_1090, %get3A_1091] {strides = array<i32>} : memref<1696x32xf32, #tpu.memory_space<vmem>>, vector<1x16xf32>,
        %get3A_1093 = vector.shape_cast %get3A_1092 : vector<1x16xf32> to vector<16xf32>
        %add3A_1094 = arith.addf %add3A_1076, %get3A_1087 : vector<16xf32>
        %add3A_1095 = arith.addf %add3A_1077, %get3A_1093 : vector<16xf32>
        %mul3A_1096 = arith.mulf %get3A_1087, %get3A_1087 : vector<16xf32>
        %add3A_1097 = arith.addf %add3A_1079, %mul3A_1096 : vector<16xf32>
        %mul3A_1098 = arith.mulf %get3A_1093, %get3A_1093 : vector<16xf32>
        %add3A_1099 = arith.addf %add3A_1081, %mul3A_1098 : vector<16xf32>
        %add3A_1100 = arith.constant 50 : i32
        %add3A_1101 = arith.addi %mul3A_199, %add3A_1100 : i32
        %get3A_1102 = arith.index_cast %add3A_1101 : i32 to index
        %get3A_1103 = arith.constant 0 : index
        %get3A_1104 = tpu.vector_load %arg12[%get3A_1102, %get3A_1103] {strides = array<i32>} : memref<1696x32xf32, #tpu.memory_space<vmem>>, vector<1x16xf32>,
        %get3A_1105 = vector.shape_cast %get3A_1104 : vector<1x16xf32> to vector<16xf32>
        %add3A_1106 = arith.constant 50 : i32
        %add3A_1107 = arith.addi %mul3A_199, %add3A_1106 : i32
        %get3A_1108 = arith.index_cast %add3A_1107 : i32 to index
        %get3A_1109 = arith.constant 16 : index
        %get3A_1110 = tpu.vector_load %arg12[%get3A_1108, %get3A_1109] {strides = array<i32>} : memref<1696x32xf32, #tpu.memory_space<vmem>>, vector<1x16xf32>,
        %get3A_1111 = vector.shape_cast %get3A_1110 : vector<1x16xf32> to vector<16xf32>
        %add3A_1112 = arith.addf %add3A_1094, %get3A_1105 : vector<16xf32>
        %add3A_1113 = arith.addf %add3A_1095, %get3A_1111 : vector<16xf32>
        %mul3A_1114 = arith.mulf %get3A_1105, %get3A_1105 : vector<16xf32>
        %add3A_1115 = arith.addf %add3A_1097, %mul3A_1114 : vector<16xf32>
        %mul3A_1116 = arith.mulf %get3A_1111, %get3A_1111 : vector<16xf32>
        %add3A_1117 = arith.addf %add3A_1099, %mul3A_1116 : vector<16xf32>
        %add3A_1118 = arith.constant 51 : i32
        %add3A_1119 = arith.addi %mul3A_199, %add3A_1118 : i32
        %get3A_1120 = arith.index_cast %add3A_1119 : i32 to index
        %get3A_1121 = arith.constant 0 : index
        %get3A_1122 = tpu.vector_load %arg12[%get3A_1120, %get3A_1121] {strides = array<i32>} : memref<1696x32xf32, #tpu.memory_space<vmem>>, vector<1x16xf32>,
        %get3A_1123 = vector.shape_cast %get3A_1122 : vector<1x16xf32> to vector<16xf32>
        %add3A_1124 = arith.constant 51 : i32
        %add3A_1125 = arith.addi %mul3A_199, %add3A_1124 : i32
        %get3A_1126 = arith.index_cast %add3A_1125 : i32 to index
        %get3A_1127 = arith.constant 16 : index
        %get3A_1128 = tpu.vector_load %arg12[%get3A_1126, %get3A_1127] {strides = array<i32>} : memref<1696x32xf32, #tpu.memory_space<vmem>>, vector<1x16xf32>,
        %get3A_1129 = vector.shape_cast %get3A_1128 : vector<1x16xf32> to vector<16xf32>
        %add3A_1130 = arith.addf %broadcast_in_dim3A_39, %get3A_1123 : vector<16xf32>
        %add3A_1131 = arith.addf %broadcast_in_dim3A_39, %get3A_1129 : vector<16xf32>
        %mul3A_1132 = arith.mulf %get3A_1123, %get3A_1123 : vector<16xf32>
        %add3A_1133 = arith.addf %add3A_1115, %mul3A_1132 : vector<16xf32>
        %mul3A_1134 = arith.mulf %get3A_1129, %get3A_1129 : vector<16xf32>
        %add3A_1135 = arith.addf %add3A_1117, %mul3A_1134 : vector<16xf32>
        %add3A_1136 = arith.constant 52 : i32
        %add3A_1137 = arith.addi %mul3A_199, %add3A_1136 : i32
        %get3A_1138 = arith.index_cast %add3A_1137 : i32 to index
        %get3A_1139 = arith.constant 0 : index
        %get3A_1140 = tpu.vector_load %arg12[%get3A_1138, %get3A_1139] {strides = array<i32>} : memref<1696x32xf32, #tpu.memory_space<vmem>>, vector<1x16xf32>,
        %get3A_1141 = vector.shape_cast %get3A_1140 : vector<1x16xf32> to vector<16xf32>
        %add3A_1142 = arith.constant 52 : i32
        %add3A_1143 = arith.addi %mul3A_199, %add3A_1142 : i32
        %get3A_1144 = arith.index_cast %add3A_1143 : i32 to index
        %get3A_1145 = arith.constant 16 : index
        %get3A_1146 = tpu.vector_load %arg12[%get3A_1144, %get3A_1145] {strides = array<i32>} : memref<1696x32xf32, #tpu.memory_space<vmem>>, vector<1x16xf32>,
        %get3A_1147 = vector.shape_cast %get3A_1146 : vector<1x16xf32> to vector<16xf32>
        %add3A_1148 = arith.addf %add3A_1130, %get3A_1141 : vector<16xf32>
        %add3A_1149 = arith.addf %add3A_1131, %get3A_1147 : vector<16xf32>
        %mul3A_1150 = arith.mulf %get3A_1141, %get3A_1141 : vector<16xf32>
        %add3A_1151 = arith.addf %add3A_1133, %mul3A_1150 : vector<16xf32>
        %mul3A_1152 = arith.mulf %get3A_1147, %get3A_1147 : vector<16xf32>
        %add3A_1153 = arith.addf %add3A_1135, %mul3A_1152 : vector<16xf32>
        %add3A_1154 = arith.addf %add3A_1112, %add3A_1148 : vector<16xf32>
        %add3A_1155 = arith.addf %add3A_1113, %add3A_1149 : vector<16xf32>
        %mul3A_1156 = arith.mulf %add3A_1154, %add3A_1154 : vector<16xf32>
        %sub3A = arith.subf %mul3A_1156, %add3A_1151 : vector<16xf32>
        %mul3A_1157 = arith.mulf %add3A_1155, %add3A_1155 : vector<16xf32>
        %sub3A_1158 = arith.subf %mul3A_1157, %add3A_1153 : vector<16xf32>
        %add3A_1159 = arith.addf %sub3A, %sub3A_1158 : vector<16xf32>
        %get3A_1160 = arith.index_cast %mul3A_199 : i32 to index
        %get3A_1161 = tpu.vector_load %arg14[%get3A_1160] {strides = array<i32>} : memref<1712xf32, #tpu.memory_space<vmem>>, vector<16xf32>,
        %get3A_1162 = vector.shape_cast %get3A_1161 : vector<16xf32> to vector<16xf32>
        %add3A_1163 = arith.constant 16 : i32
        %add3A_1164 = arith.addi %mul3A_199, %add3A_1163 : i32
        %get3A_1165 = arith.index_cast %add3A_1164 : i32 to index
        %get3A_1166 = tpu.vector_load %arg14[%get3A_1165] {strides = array<i32>} : memref<1712xf32, #tpu.memory_space<vmem>>, vector<16xf32>,
        %get3A_1167 = vector.shape_cast %get3A_1166 : vector<16xf32> to vector<16xf32>
        %add3A_1168 = arith.constant 32 : i32
        %add3A_1169 = arith.addi %mul3A_199, %add3A_1168 : i32
        %get3A_1170 = arith.index_cast %add3A_1169 : i32 to index
        %get3A_1171 = tpu.vector_load %arg14[%get3A_1170] {strides = array<i32>} : memref<1712xf32, #tpu.memory_space<vmem>>, vector<16xf32>,
        %get3A_1172 = vector.shape_cast %get3A_1171 : vector<16xf32> to vector<16xf32>
        %add3A_1173 = arith.constant 48 : i32
        %add3A_1174 = arith.addi %mul3A_199, %add3A_1173 : i32
        %get3A_1175 = arith.index_cast %add3A_1174 : i32 to index
        %get3A_1176 = tpu.vector_load %arg14[%get3A_1175] {strides = array<i32>} : memref<1712xf32, #tpu.memory_space<vmem>>, vector<16xf32>,
        %get3A_1177 = vector.shape_cast %get3A_1176 : vector<16xf32> to vector<16xf32>
        %jit3A = arith.constant 0.000000e+00 : f32
        %broadcast_in_dim3A_1178 = vector.broadcast %jit3A : f32 to vector<16xf32>
        %select_n3A = arith.select %lt3A_27, %get3A_1177, %broadcast_in_dim3A_1178 : vector<16xi1>, vector<16xf32>
        %mul3A_1179 = arith.constant 5.000000e-01 : f32
        %mul3A_1180 = vector.broadcast %mul3A_1179 : f32 to vector<16xf32>
        %mul3A_1181 = arith.mulf %mul3A_1180, %add3A_1159 : vector<16xf32>
        %add3A_1182 = arith.addf %get3A_1162, %get3A_1167 : vector<16xf32>
        %add3A_1183 = arith.addf %get3A_1172, %select_n3A : vector<16xf32>
        %add3A_1184 = arith.addf %add3A_1182, %add3A_1183 : vector<16xf32>
        %add3A_1185 = arith.addf %mul3A_1181, %add3A_1184 : vector<16xf32>
        %reshape3A = vector.shape_cast %xor3A_29 : vector<16xi32> to vector<16x1xi32>
        %gather3A = vector.shape_cast %reshape3A : vector<16x1xi32> to vector<16xi32>
        %gather3A_1186 = tpu.dynamic_gather %add3A_1185[%gather3A] in [0] : vector<16xf32>, vector<16xi32> -> vector<16xf32>
        %add3A_1187 = arith.addf %add3A_1185, %gather3A_1186 : vector<16xf32>
        %reshape3A_1188 = vector.shape_cast %xor3A_32 : vector<16xi32> to vector<16x1xi32>
        %gather3A_1189 = vector.shape_cast %reshape3A_1188 : vector<16x1xi32> to vector<16xi32>
        %gather3A_1190 = tpu.dynamic_gather %add3A_1187[%gather3A_1189] in [0] : vector<16xf32>, vector<16xi32> -> vector<16xf32>
        %add3A_1191 = arith.addf %add3A_1187, %gather3A_1190 : vector<16xf32>
        %reshape3A_1192 = vector.shape_cast %xor3A_35 : vector<16xi32> to vector<16x1xi32>
        %gather3A_1193 = vector.shape_cast %reshape3A_1192 : vector<16x1xi32> to vector<16xi32>
        %gather3A_1194 = tpu.dynamic_gather %add3A_1191[%gather3A_1193] in [0] : vector<16xf32>, vector<16xi32> -> vector<16xf32>
        %add3A_1195 = arith.addf %add3A_1191, %gather3A_1194 : vector<16xf32>
        %reshape3A_1196 = vector.shape_cast %xor3A_38 : vector<16xi32> to vector<16x1xi32>
        %gather3A_1197 = vector.shape_cast %reshape3A_1196 : vector<16x1xi32> to vector<16xi32>
        %gather3A_1198 = tpu.dynamic_gather %add3A_1195[%gather3A_1197] in [0] : vector<16xf32>, vector<16xi32> -> vector<16xf32>
        %add3A_1199 = arith.addf %add3A_1195, %gather3A_1198 : vector<16xf32>
        %and3A = arith.constant 15 : i32
        %and3A_1200 = arith.andi %scan3A_196, %and3A : i32
        %eq3A = vector.broadcast %and3A_1200 : i32 to vector<16xi32>
        %eq3A_1201 = arith.cmpi eq, %iota3A, %eq3A : vector<16xi32>
        %select_n3A_1202 = arith.select %eq3A_1201, %add3A_1199, %scan3A_197 : vector<16xi1>, vector<16xf32>
        %and3A_1203 = arith.constant 15 : i32
        %and3A_1204 = arith.andi %scan3A_196, %and3A_1203 : i32
        %eq3A_1205 = arith.constant 15 : i32
        %eq3A_1206 = arith.cmpi eq, %and3A_1204, %eq3A_1205 : i32
        %convert_element_type3A_1207 = arith.extui %eq3A_1206 : i1 to i32
        %cond3A_1208 = arith.constant 0 : i32
        %cond3A_1209 = arith.cmpi ne, %convert_element_type3A_1207, %cond3A_1208 : i32
        scf.if %cond3A_1209 {
          %sub3A_1238 = arith.constant 15 : i32
          %sub3A_1239 = arith.subi %scan3A_196, %sub3A_1238 : i32
          %swap3A_1240 = arith.index_cast %sub3A_1239 : i32 to index
          %swap3A_1241 = tpu.vector_load %arg18[%swap3A_1240] {strides = array<i32>} : memref<32xf32, #tpu.memory_space<vmem>>, vector<16xf32>,
          %swap3A_1242 = vector.shape_cast %swap3A_1241 : vector<16xf32> to vector<16xf32>
          %swap3A_1243 = vector.shape_cast %select_n3A_1202 : vector<16xf32> to vector<16xf32>
          tpu.vector_store %arg18[%swap3A_1240], %swap3A_1243 {strides = array<i32>} : memref<32xf32, #tpu.memory_space<vmem>>, vector<16xf32>,
        } else {
        }
        %mul3A_1210 = arith.constant 32 : i32
        %mul3A_1211 = arith.muli %scan3A_196, %mul3A_1210 : i32
        %swap3A_1212 = arith.index_cast %mul3A_1211 : i32 to index
        %swap3A_1213 = tpu.vector_load %arg15[%swap3A_1212] {strides = array<i32>} : memref<1024xf32, #tpu.memory_space<vmem>>, vector<16xf32>,
        %swap3A_1214 = vector.shape_cast %swap3A_1213 : vector<16xf32> to vector<16xf32>
        %swap3A_1215 = vector.shape_cast %add3A_1112 : vector<16xf32> to vector<16xf32>
        tpu.vector_store %arg15[%swap3A_1212], %swap3A_1215 {strides = array<i32>} : memref<1024xf32, #tpu.memory_space<vmem>>, vector<16xf32>,
        %mul3A_1216 = arith.constant 32 : i32
        %mul3A_1217 = arith.muli %scan3A_196, %mul3A_1216 : i32
        %add3A_1218 = arith.constant 16 : i32
        %add3A_1219 = arith.addi %mul3A_1217, %add3A_1218 : i32
        %swap3A_1220 = arith.index_cast %add3A_1219 : i32 to index
        %swap3A_1221 = tpu.vector_load %arg15[%swap3A_1220] {strides = array<i32>} : memref<1024xf32, #tpu.memory_space<vmem>>, vector<16xf32>,
        %swap3A_1222 = vector.shape_cast %swap3A_1221 : vector<16xf32> to vector<16xf32>
        %swap3A_1223 = vector.shape_cast %add3A_1113 : vector<16xf32> to vector<16xf32>
        tpu.vector_store %arg15[%swap3A_1220], %swap3A_1223 {strides = array<i32>} : memref<1024xf32, #tpu.memory_space<vmem>>, vector<16xf32>,
        %mul3A_1224 = arith.constant 32 : i32
        %mul3A_1225 = arith.muli %scan3A_196, %mul3A_1224 : i32
        %swap3A_1226 = arith.index_cast %mul3A_1225 : i32 to index
        %swap3A_1227 = tpu.vector_load %arg16[%swap3A_1226] {strides = array<i32>} : memref<1024xf32, #tpu.memory_space<vmem>>, vector<16xf32>,
        %swap3A_1228 = vector.shape_cast %swap3A_1227 : vector<16xf32> to vector<16xf32>
        %swap3A_1229 = vector.shape_cast %add3A_1148 : vector<16xf32> to vector<16xf32>
        tpu.vector_store %arg16[%swap3A_1226], %swap3A_1229 {strides = array<i32>} : memref<1024xf32, #tpu.memory_space<vmem>>, vector<16xf32>,
        %mul3A_1230 = arith.constant 32 : i32
        %mul3A_1231 = arith.muli %scan3A_196, %mul3A_1230 : i32
        %add3A_1232 = arith.constant 16 : i32
        %add3A_1233 = arith.addi %mul3A_1231, %add3A_1232 : i32
        %swap3A_1234 = arith.index_cast %add3A_1233 : i32 to index
        %swap3A_1235 = tpu.vector_load %arg16[%swap3A_1234] {strides = array<i32>} : memref<1024xf32, #tpu.memory_space<vmem>>, vector<16xf32>,
        %swap3A_1236 = vector.shape_cast %swap3A_1235 : vector<16xf32> to vector<16xf32>
        %swap3A_1237 = vector.shape_cast %add3A_1149 : vector<16xf32> to vector<16xf32>
        tpu.vector_store %arg16[%swap3A_1234], %swap3A_1237 {strides = array<i32>} : memref<1024xf32, #tpu.memory_space<vmem>>, vector<16xf32>,
        scf.yield %select_n3A_1202 : vector<16xf32>
      }
      %scan3A_148 = arith.constant 32 : i32
      %get3A_149 = arith.constant 0 : index
      %get3A_150 = tpu.vector_load %arg19[%get3A_149] {strides = array<i32>} : memref<16xf32, #tpu.memory_space<vmem>>, vector<16xf32>,
      %get3A_151 = vector.shape_cast %get3A_150 : vector<16xf32> to vector<16xf32>
      %get3A_152 = arith.constant 0 : index
      %get3A_153 = tpu.vector_load %arg18[%get3A_152] {strides = array<i32>} : memref<32xf32, #tpu.memory_space<vmem>>, vector<16xf32>,
      %get3A_154 = vector.shape_cast %get3A_153 : vector<16xf32> to vector<16xf32>
      %add3A_155 = arith.addf %get3A_154, %get3A_151 : vector<16xf32>
      %neg3A_156 = arith.constant 0.000000e+00 : f32
      %neg3A_157 = vector.broadcast %neg3A_156 : f32 to vector<16xf32>
      %neg3A_158 = arith.subf %neg3A_157, %add3A_155 : vector<16xf32>
      %exp3A_159 = math.exp %neg3A_158 : vector<16xf32>
      %add3A_160 = arith.constant 1.000000e+00 : f32
      %add3A_161 = vector.broadcast %add3A_160 : f32 to vector<16xf32>
      %add3A_162 = arith.addf %add3A_161, %exp3A_159 : vector<16xf32>
      %div3A_163 = arith.constant 1.000000e+00 : f32
      %div3A_164 = vector.broadcast %div3A_163 : f32 to vector<16xf32>
      %div3A_165 = arith.divf %div3A_164, %add3A_162 : vector<16xf32>
      %swap3A_166 = arith.constant 0 : index
      %swap3A_167 = tpu.vector_load %arg17[%swap3A_166] {strides = array<i32>} : memref<32xf32, #tpu.memory_space<vmem>>, vector<16xf32>,
      %swap3A_168 = vector.shape_cast %swap3A_167 : vector<16xf32> to vector<16xf32>
      %swap3A_169 = vector.shape_cast %div3A_165 : vector<16xf32> to vector<16xf32>
      tpu.vector_store %arg17[%swap3A_166], %swap3A_169 {strides = array<i32>} : memref<32xf32, #tpu.memory_space<vmem>>, vector<16xf32>,
      %get3A_170 = arith.constant 16 : index
      %get3A_171 = tpu.vector_load %arg18[%get3A_170] {strides = array<i32>} : memref<32xf32, #tpu.memory_space<vmem>>, vector<16xf32>,
      %get3A_172 = vector.shape_cast %get3A_171 : vector<16xf32> to vector<16xf32>
      %add3A_173 = arith.addf %get3A_172, %get3A_151 : vector<16xf32>
      %neg3A_174 = arith.constant 0.000000e+00 : f32
      %neg3A_175 = vector.broadcast %neg3A_174 : f32 to vector<16xf32>
      %neg3A_176 = arith.subf %neg3A_175, %add3A_173 : vector<16xf32>
      %exp3A_177 = math.exp %neg3A_176 : vector<16xf32>
      %add3A_178 = arith.constant 1.000000e+00 : f32
      %add3A_179 = vector.broadcast %add3A_178 : f32 to vector<16xf32>
      %add3A_180 = arith.addf %add3A_179, %exp3A_177 : vector<16xf32>
      %div3A_181 = arith.constant 1.000000e+00 : f32
      %div3A_182 = vector.broadcast %div3A_181 : f32 to vector<16xf32>
      %div3A_183 = arith.divf %div3A_182, %add3A_180 : vector<16xf32>
      %swap3A_184 = arith.constant 16 : index
      %swap3A_185 = tpu.vector_load %arg17[%swap3A_184] {strides = array<i32>} : memref<32xf32, #tpu.memory_space<vmem>>, vector<16xf32>,
      %swap3A_186 = vector.shape_cast %swap3A_185 : vector<16xf32> to vector<16xf32>
      %swap3A_187 = vector.shape_cast %div3A_183 : vector<16xf32> to vector<16xf32>
      tpu.vector_store %arg17[%swap3A_184], %swap3A_187 {strides = array<i32>} : memref<32xf32, #tpu.memory_space<vmem>>, vector<16xf32>,
      %mul3A_188 = arith.constant 32 : i32
      %mul3A_189 = arith.muli %add3A_121, %mul3A_188 : i32
      %add3A_190 = arith.addi %mul3A_2, %mul3A_189 : i32
      %mul3A_191 = arith.constant 32 : i32
      %mul3A_192 = arith.muli %add3A_190, %mul3A_191 : i32
      "tpu.region"() ({
        %run_scoped3A = tpu.sem_alloc : memref<!tpu.dma_semaphore, #tpu.memory_space<semaphore_mem>>
        %dma_start3A_196 = tpu.memref_slice %arg7[%mul3A_192] : memref<524288xf32, #tpu.memory_space<hbm>> -> memref<1024xf32, #tpu.memory_space<hbm>>
        %dma_start3A_197 = tpu.memref_slice %arg7[%mul3A_192] : memref<524288xf32, #tpu.memory_space<hbm>> -> memref<1024xf32, #tpu.memory_space<hbm>>
        tpu.enqueue_dma source(%arg15 : memref<1024xf32, #tpu.memory_space<vmem>>) target(%dma_start3A_197 : memref<1024xf32, #tpu.memory_space<hbm>>) target_semaphore(%run_scoped3A : memref<!tpu.dma_semaphore, #tpu.memory_space<semaphore_mem>>)
        %dma_wait3A_198 = tpu.memref_slice %arg7[%mul3A_192] : memref<524288xf32, #tpu.memory_space<hbm>> -> memref<1024xf32, #tpu.memory_space<hbm>>
        %dma_wait3A_199 = tpu.memref_slice %arg7[%mul3A_192] : memref<524288xf32, #tpu.memory_space<hbm>> -> memref<1024xf32, #tpu.memory_space<hbm>>
        tpu.wait_dma2 semaphore(%run_scoped3A : memref<!tpu.dma_semaphore, #tpu.memory_space<semaphore_mem>>) src(%arg15 : memref<1024xf32, #tpu.memory_space<vmem>>) dst(%dma_wait3A_199 : memref<1024xf32, #tpu.memory_space<hbm>>)
        tpu.yield
      }) : () -> ()
      %mul3A_193 = arith.constant 32 : i32
      %mul3A_194 = arith.muli %add3A_190, %mul3A_193 : i32
      "tpu.region"() ({
        %run_scoped3A = tpu.sem_alloc : memref<!tpu.dma_semaphore, #tpu.memory_space<semaphore_mem>>
        %dma_start3A_196 = tpu.memref_slice %arg8[%mul3A_194] : memref<524288xf32, #tpu.memory_space<hbm>> -> memref<1024xf32, #tpu.memory_space<hbm>>
        %dma_start3A_197 = tpu.memref_slice %arg8[%mul3A_194] : memref<524288xf32, #tpu.memory_space<hbm>> -> memref<1024xf32, #tpu.memory_space<hbm>>
        tpu.enqueue_dma source(%arg16 : memref<1024xf32, #tpu.memory_space<vmem>>) target(%dma_start3A_197 : memref<1024xf32, #tpu.memory_space<hbm>>) target_semaphore(%run_scoped3A : memref<!tpu.dma_semaphore, #tpu.memory_space<semaphore_mem>>)
        %dma_wait3A_198 = tpu.memref_slice %arg8[%mul3A_194] : memref<524288xf32, #tpu.memory_space<hbm>> -> memref<1024xf32, #tpu.memory_space<hbm>>
        %dma_wait3A_199 = tpu.memref_slice %arg8[%mul3A_194] : memref<524288xf32, #tpu.memory_space<hbm>> -> memref<1024xf32, #tpu.memory_space<hbm>>
        tpu.wait_dma2 semaphore(%run_scoped3A : memref<!tpu.dma_semaphore, #tpu.memory_space<semaphore_mem>>) src(%arg16 : memref<1024xf32, #tpu.memory_space<vmem>>) dst(%dma_wait3A_199 : memref<1024xf32, #tpu.memory_space<hbm>>)
        tpu.yield
      }) : () -> ()
      "tpu.region"() ({
        %run_scoped3A = tpu.sem_alloc : memref<!tpu.dma_semaphore, #tpu.memory_space<semaphore_mem>>
        %dma_start3A_196 = tpu.memref_slice %arg6[%add3A_190] : memref<16384xf32, #tpu.memory_space<hbm>> -> memref<32xf32, #tpu.memory_space<hbm>>
        %dma_start3A_197 = tpu.memref_slice %arg6[%add3A_190] : memref<16384xf32, #tpu.memory_space<hbm>> -> memref<32xf32, #tpu.memory_space<hbm>>
        tpu.enqueue_dma source(%arg17 : memref<32xf32, #tpu.memory_space<vmem>>) target(%dma_start3A_197 : memref<32xf32, #tpu.memory_space<hbm>>) target_semaphore(%run_scoped3A : memref<!tpu.dma_semaphore, #tpu.memory_space<semaphore_mem>>)
        %dma_wait3A_198 = tpu.memref_slice %arg6[%add3A_190] : memref<16384xf32, #tpu.memory_space<hbm>> -> memref<32xf32, #tpu.memory_space<hbm>>
        %dma_wait3A_199 = tpu.memref_slice %arg6[%add3A_190] : memref<16384xf32, #tpu.memory_space<hbm>> -> memref<32xf32, #tpu.memory_space<hbm>>
        tpu.wait_dma2 semaphore(%run_scoped3A : memref<!tpu.dma_semaphore, #tpu.memory_space<semaphore_mem>>) src(%arg17 : memref<32xf32, #tpu.memory_space<vmem>>) dst(%dma_wait3A_199 : memref<32xf32, #tpu.memory_space<hbm>>)
        tpu.yield
      }) : () -> ()
      %scan3A_195 = arith.constant 0 : i32
      scf.yield %scan3A_195 : i32
    }
    %scan3A_45 = arith.constant 8 : i32
    return
  }
}

</mosaic_0001>

<sc_bundles>
// kernel: _run.3.cloned.1.call-start
scs
__scs_entry_jumppad:
0x0: {  	(pc) =	sbr.rel $0x88, $3  }
0x1: {  	(tag) =	ssettag $0x0;
	lr =	simm.s32 $0x1  }
0x2: {  	[smem:$0x3F9A] =	sst lr;
	_ =	strace $0xD0000000  }
0x3: {  	_ = 	snop  }
0x4: {  	_ = 	snop  }
0x5: {  	_ = 	snop  }
0x6: {  	_ = 	snop  }
0x7: {  	_ = 	snop  }
__scs_overlays_trampoline_lowered:
0x8: {  	[smem:$0x3FA9] =	sst s0  }
0x9: {  	[smem:$0x3FAA] =	sst s1  }
0xa: {  	[smem:$0x3FAB] =	sst s2  }
0xb: {  	[smem:$0x3FAC] =	sst s3  }
0xc: {  	[smem:$0x3FAD] =	sst s4  }
0xd: {  	[smem:$0x3FAE] =	sst s5  }
0xe: {  	[smem:$0x3FAF] =	sst s6  }
0xf: {  	[smem:$0x3FB0] =	sst s7  }
0x10: {  	[smem:$0x3FB1] =	sst s8  }
0x11: {  	[smem:$0x3FB2] =	sst s9;
	s0 =	simm.s32 @!p0 $0x0  }
0x12: {  	s1 =	sld [smem:$0x3F98];
	s0 =	simm.s32 @p0 $0x1  }
0x13: {  	[smem:$0x3FB3] =	sst s0;
	s0 =	simm.s32 @!p1 $0x0  }
0x14: {  	s2 =	sld [smem:$0x3F97];
	s0 =	simm.s32 @p1 $0x1  }
0x15: {  	[smem:$0x3FB4] =	sst s0;
	s0 =	simm.s32 @!p2 $0x0  }
0x16: {  	s3 =	sld [smem:$0x3FDB];
	s0 =	simm.s32 @p2 $0x1  }
0x17: {  	s4 =	simm.s32 $0x1BF5;
	[smem:$0x3FB6] =	sst s0  }
0x18: {  	s0 =	sld [smem:$0x3F99];
	_ =	swait.ge [sflag:s4], $0x0  }
0x19: {  	s7 =	sld [smem:$0x3F9A]  }
0x1a: {  	s8 =	sadd.s32 $0xFFFFE003, lr  }
0x1b: {  	s9 =	sadd.s32 $0xFFFFFEF7, lr;
	s5 =	simm.s32 $0xFFFFFFFF;
	p2 =	slt.u32 s8, $0xFFFFF086  }
0x1c: {  	p1 =	slt.u32 s9, $0xF7A;
	s5 =	simm.s32 @!p2 $0x0  }
0x1d: {  	s5 =	simm.s32 @p1 $0x1;
	p0 =	seq.s32 s7, s2  }
0x1e: {  	s7 =	smul.u32 @!p0 $0xF7A, s2;
	p2 =	seq.s32 @!p0 s5, $0x0  }
0x1f: {  	s9 =	smul.u32 $0xF7A, s1;
	s8 =	simm.s32 @!p0 $0x1BF5;
	p2 =	por !p2, p0  }
0x20: {  	[sflag:s8] =	ssyncset.s32 @!p0 $0xFFFFF086;
	s6 =	sadd.s32 @!p0 s3, s7;
	s7 =	simm.s32 @!p0 $0x108  }
0x21: {  	s3 =	sadd.s32 s3, s9;
	s6 =	sadd.s32 @!p0 $0x88, s6;
	s7 =	simm.s32 @p2 $0x1082  }
0x22: {  	[simem:s7], [sflag:s8] =	dma.local @!p0 [hbm:s6], $0xF7A  }
0x23: {  	s9 =	sor.u32 $0xD0000000, s2;
	s6 =	simm.s32 $0x108;
	_ =	swait.ge @!p0 [sflag:s8], $0x0  }
0x24: {  	s3 =	sadd.s32 $0x88, s3;
	s6 =	simm.s32 @!p1 $0x1082;
	[sflag:s4] =	ssyncset.s32 $0xFFFFF086  }
0x25: {  	[simem:s6], [sflag:s4] =	dma.local [hbm:s3], $0xF7A  }
0x26: {  	[smem:$0x3F9A] =	sst s1;
	(tag) =	ssettag s2;
	_ =	strace s9  }
0x27: {  	s1 =	sld [smem:$0x3FAA]  }
0x28: {  	s2 =	sld [smem:$0x3FAB]  }
0x29: {  	s4 =	sld [smem:$0x3FAD]  }
0x2a: {  	p0 =	seq.s32 s5, $0x0;
	s5 =	sld [smem:$0x3FAE]  }
0x2b: {  	s6 =	sld [smem:$0x3FAF]  }
0x2c: {  	s7 =	sld [smem:$0x3FB0]  }
0x2d: {  	s3 =	simm.s32 $0x108;
	s8 =	sld [smem:$0x3FB1]  }
0x2e: {  	s3 =	simm.s32 @!p0 $0x1082;
	s9 =	sld [smem:$0x3FB2]  }
0x2f: {  	lr =	sadd.s32 s0, s3;
	s0 =	sld [smem:$0x3FA9]  }
0x30: {  	s3 =	sld [smem:$0x3FAC]  }
0x31: {  	[smem:$0x3FB5] =	sst s10  }
0x32: {  	s10 =	sld [smem:$0x3FB3];
	_ =	sdelay $0x3  }
0x33: {  	p0 =	seq.s32 s10, $0x1;
	s10 =	sld [smem:$0x3FB5];
	_ =	sdelay $0x3  }
0x34: {  	[smem:$0x3FB5] =	sst s10  }
0x35: {  	s10 =	sld [smem:$0x3FB4];
	_ =	sdelay $0x3  }
0x36: {  	p1 =	seq.s32 s10, $0x1;
	s10 =	sld [smem:$0x3FB5];
	_ =	sdelay $0x3  }
0x37: {  	[smem:$0x3FB5] =	sst s10  }
0x38: {  	s10 =	sld [smem:$0x3FB6]  }
0x39: {  	_ = 	snop;
	(pc) =	sbr.ind lr, $3  }
0x3a: {  	_ = 	snop  }
0x3b: {  	_ = 	snop  }
0x3c: {  	p2 =	seq.s32 s10, $0x1;
	s10 =	sld [smem:$0x3FB5]  }
0x3d: {  	_ =	shalt  }
0x3e: {  	_ =	shalt  }
0x3f: {  	_ =	shalt  }
0x40: {  	_ =	shalt  }
0x41: {  	_ =	shalt  }
0x42: {  	_ =	shalt  }
0x43: {  	_ =	shalt  }
0x44: {  	_ =	shalt  }
0x45: {  	_ =	shalt  }
0x46: {  	_ =	shalt  }
0x47: {  	_ =	shalt  }
0x48: {  	_ =	shalt  }
0x49: {  	_ =	shalt  }
0x4a: {  	_ =	shalt  }
0x4b: {  	_ =	shalt  }
0x4c: {  	_ =	shalt  }
0x4d: {  	_ =	shalt  }
0x4e: {  	_ =	shalt  }
0x4f: {  	_ =	shalt  }
0x50: {  	_ =	shalt  }
0x51: {  	_ =	shalt  }
0x52: {  	_ =	shalt  }
0x53: {  	_ =	shalt  }
0x54: {  	_ =	shalt  }
0x55: {  	_ =	shalt  }
0x56: {  	_ =	shalt  }
0x57: {  	_ =	shalt  }
0x58: {  	_ =	shalt  }
0x59: {  	_ =	shalt  }
0x5a: {  	_ =	shalt  }
0x5b: {  	_ =	shalt  }
0x5c: {  	_ =	shalt  }
0x5d: {  	_ =	shalt  }
0x5e: {  	_ =	shalt  }
0x5f: {  	_ =	shalt  }
0x60: {  	_ =	shalt  }
0x61: {  	_ =	shalt  }
0x62: {  	_ =	shalt  }
0x63: {  	_ =	shalt  }
0x64: {  	_ =	shalt  }
0x65: {  	_ =	shalt  }
0x66: {  	_ =	shalt  }
0x67: {  	_ =	shalt  }
0x68: {  	_ =	shalt  }
0x69: {  	_ =	shalt  }
0x6a: {  	_ =	shalt  }
0x6b: {  	_ =	shalt  }
0x6c: {  	_ =	shalt  }
0x6d: {  	_ =	shalt  }
0x6e: {  	_ =	shalt  }
0x6f: {  	_ =	shalt  }
0x70: {  	_ =	shalt  }
0x71: {  	_ =	shalt  }
0x72: {  	_ =	shalt  }
0x73: {  	_ =	shalt  }
0x74: {  	_ =	shalt  }
0x75: {  	_ =	shalt  }
0x76: {  	_ =	shalt  }
0x77: {  	_ =	shalt  }
0x78: {  	_ =	shalt  }
0x79: {  	_ =	shalt  }
0x7a: {  	_ =	shalt  }
0x7b: {  	_ =	shalt  }
0x7c: {  	_ =	shalt  }
0x7d: {  	_ =	shalt  }
0x7e: {  	_ =	shalt  }
0x7f: {  	_ =	shalt  }
0x80: {  	_ =	shalt  }
0x81: {  	_ =	shalt  }
0x82: {  	_ =	shalt  }
0x83: {  	_ =	shalt  }
0x84: {  	_ =	shalt  }
0x85: {  	_ =	shalt  }
0x86: {  	_ =	shalt  }
0x87: {  	_ =	shalt  }
.Lfunc_end0:
.L_simem_size_0:
called_computation_lowered:
.L_overlay_start_0:
0x88: {  	s2 =	sld [smem:$0x3FD9]  }
0x89: {  	s3 =	sld [smem:$0x3FFE];
	_ =	sdelay $0x1  }
0x8a: {  	s1 =	srdreg.scid  }
0x8b: {  	s0 =	sand.u32 $0x1, s1  }
0x8c: {  	s14 =	sshll.u32 s0, $0xA;
	s2 =	sadd.s32 s3, s2  }
0x8d: {  	s2 =	sadd.s32 s2, s14  }
0x8e: {  	[smem:$0x3FC1] =	sst s2  }
0x8f: {  	_ = 	snop  }
0x90: {  	s2 =	sld [smem:$0x3FD0];
	_ =	sdelay $0x2  }
0x91: {  	s15 =	simm.s32 $0xA;
	s4 =	simm.s32 $0x10  }
0x92: {  	[smem:s4], [sflag:s15] =	dma.local [hbm:s2], $0x1  }
0x93: {  	_ =	swait.eq [sflag:s15], $0x1  }
0x94: {  	s16 =	sld [smem:$0x10];
	[sflag:s15] =	ssyncset.done $0x0  }
0x95: {  	s17 =	sld [smem:$0x11];
	[sflag:s15] =	ssyncadd.s32 $0xFFFFFFFF  }
0x96: {  	s18 =	sld [smem:$0x12];
	(tm) =	ssettm $0x1  }
0x97: {  	s5 =	sld [smem:$0x3FFB];
	_ =	sdelay $0x3  }
0x98: {  	_ =	strace s5  }
0x99: {  	s5 =	sld [smem:$0x3FFC];
	_ =	sdelay $0x3  }
0x9a: {  	_ =	strace s5  }
0x9b: {  	s5 =	sld [smem:$0x3FFD];
	_ =	sdelay $0x3  }
0x9c: {  	_ =	strace s5  }
0x9d: {  	_ =	strace $0x8FFFFFFF  }
0x9e: {  	s19 =	sld [smem:$0x3FDB];
	_ =	sdelay $0x1  }
0x9f: {  	s6 =	simm.s32 $_scs_section_size  }
0xa0: {  	s7 =	simm.s32 $_size__tile_overlayer_lowered;
	s8 =	simm.s32 $_tile_overlayer_lowered  }
0xa1: {  	s22 =	simm.s32 $0x1BFF;
	s21 =	sshll.u32 s8, $0x1;
	s5 =	sadd.s32 s6, s19  }
0xa2: {  	s9 =	simm.s32 $0x0;
	s20 =	sshll.u32 s7, $0x1;
	s7 =	sadd.s32 s21, s5  }
0xa3: {  	[timem:s9], [sflag:s22] =	dma.local [hbm:s7], s20  }
0xa4: {  	_ =	swait.ge [sflag:s22], s20  }
0xa5: {  	s6 =	ssub.s32 $0x0, s20;
	[sflag:s22] =	ssyncset.done $0x0  }
0xa6: {  	[sflag:s22] =	ssyncadd.s32 s6;
	_ =	sdelay $0x1  }
0xa7: {  	s23 =	simm.s32 $0x1B8B  }
0xa8: {  	_ =	swait.ge [sflag:s23], $0x1  }
0xa9: {  	[sflag:s23] =	ssyncset.done $0x0  }
0xaa: {  	s25 =	simm.s32 $0x1B8E;
	s24 =	sld [smem:$0x3FFE];
	[sflag:s23] =	ssyncadd.s32 $0xFFFFFFFF  }
0xab: {  	s26 =	simm.s32 $execute0_lowered;
	[smem:$0x3FD2] =	sst s25  }
0xac: {  	s7 =	sshll.u32 s26, $0x1;
	_ =	strace $0x80000046;
	[dreg:$0x1] =	wrdreg $0xFFFFFFFF  }
0xad: {  	s28 =	simm.s32 $_size_execute0_lowered;
	s5 =	sadd.s32 s5, s7;
	[dreg:$0x0] =	wrdreg $0x0  }
0xae: {  	s7 =	sshll.u32 s28, $0x1;
	[dreg:$0x2] =	wrdreg s5  }
0xaf: {  	[dreg:$0x3] =	wrdreg s7  }
0xb0: {  	[dreg:$0x4] =	wrdreg $0xC0  }
0xb1: {  	_ =	task [dreg:s9], $0x5FFFF  }
0xb2: {  	[dreg:$0x1] =	wrdreg $0xFFFFFFFF  }
0xb3: {  	[dreg:$0x0] =	wrdreg $0x60  }
0xb4: {  	[dreg:$0x2] =	wrdreg s24  }
0xb5: {  	[dreg:$0x3] =	wrdreg s17  }
0xb6: {  	[dreg:$0x4] =	wrdreg s16  }
0xb7: {  	[dreg:$0x5] =	wrdreg s18  }
0xb8: {  	[dreg:$0x6] =	wrdreg $0x9  }
0xb9: {  	_ =	task.clear_ibuf [dreg:s9], $0x7FFFF;
	_ =	strace $0x90000046  }
0xba: {  	s29 =	simm.s32 $0x9;
	_ =	strace $0x80000048  }
0xbb: {  	_ =	swait.ge [sflag:s29], $0x1  }
0xbc: {  	[sflag:s29] =	ssyncadd.s32 $0xFFFFFFFF  }
0xbd: {  	_ =	strace $0x90000048  }
0xbe: {  	_ =	sfence  }
0xbf: {  	s30 =	sld [smem:$0x0];
	_ =	sdelay $0x2  }
0xc0: {  	s31 =	sshll.u32 s1, $0xD;
	s1 =	sshrl.u32 s1, $0x2  }
0xc1: {  	s3 =	sand.u32 $0x4000, s31;
	s1 =	sadd.s32 s1, s30  }
0xc2: {  	s0 =	sor.u32 s3, s0;
	s1 =	sshll.u32 s1, $0x11  }
0xc3: {  	s0 =	sor.u32 s1, s0  }
0xc4: {  	s0 =	sadd.s32 $0x8F2B, s0  }
0xc5: {  	[sflag:s0] =	ssyncadd.remote.s32 $0x1  }
0xc6: {  	_ =	sfence.sel $0xFFFF  }
0xc7: {  	[dreg:$0x0] =	wrdreg $0xFFFFFFFF;
	(pc) =	sbr.abs _section_cstart, $3  }
0xc8: {  	[dreg:$0x1] =	wrdreg $0xFFFFFFFF  }
0xc9: {  	_ =	task.clear_ibuf [dreg:s9], $0x2FFFF;
	_ =	strace $0x9FFFFFFF  }
0xca: {  	(tm) =	ssettm $0x7FFFFFFF  }
0xcb: {  	_ =	shalt  }
tec
execute0_lowered:
.L_overlay_start_1:
0x0: {  	(tag) =	ssettag $0x1  }
0x1: {  	s0 =	rddreg [dreg:$0x0]  }
0x2: {  	s2 =	rddreg [dreg:$0x2]  }
0x3: {  	s4 =	rddreg [dreg:$0x3];
	s5 =	simm.s32 $0x0;
	s1 =	srdreg.scid  }
0x4: {  	s3 =	stileid.u32;
	v0 =	vimm.s32 $0xEFCDAB89;
	s17 =	simm.s32 $0x5;
	s18 =	simm.s32 $0x6A0  }
0x5: {  	v1 =	vimm.s32 $0x67452301;
	v2 =	vimm.s32 $0xDCFE98BA;
	s22 =	simm.s32 $0x2;
	s23 =	simm.s32 $0xE140;
	s24 =	simm.s32 $0x1BBF0  }
0x6: {  	v3 =	vimm.s32 $0x54761032;
	v4 =	vimm.s32 $0xBA98FEDC;
	s28 =	simm.s32 $0x1C6A0;
	s29 =	simm.s32 $0x1CAA0;
	s30 =	simm.s32 $0x0  }
0x7: {  	v5 =	vimm.s32 $0x32107654;
	v6 =	vimm.s32 $0xFEDCBA98;
	[smem:$0x7FF] =	sst s5;
	s1 =	sand.u32 $0x1, s1;
	s3 =	sshll.u32 s3, $0x1  }
0x8: {  	v7 =	vimm.s32 $0x76543210;
	vm0 =	vmmov $0x1f;
	v0 =	vunpack.c.l.s4.s8 v0;
	s6 =	sadd.s32 $0x1000, s0;
	s7 =	sadd.s32 $0xF43400, s0;
	s3 =	sor.u32 s1, s3  }
0x9: {  	v1 =	vunpack.c.l.s4.s8 v1;
	s8 =	sadd.s32 $0x1B800, s0;
	v2 =	vunpack.c.l.s4.s8 v2;
	v3 =	vunpack.c.l.s4.s8 v3;
	s1 =	ssub.s32 $0x2, s1;
	s10 =	smul.u32 $0x6A00, s3  }
0xa: {  	s9 =	sadd.s32 $0x3A200, s0;
	v4 =	vunpack.c.l.s4.s8 v4;
	v5 =	vunpack.c.l.s4.s8 v5;
	v6 =	vunpack.c.l.s4.s8 v6;
	s11 =	sshrl.u32 s1, $0x1;
	s12 =	smul.u32 $0xD40, s3  }
0xb: {  	v7 =	vunpack.c.l.s4.s8 v7;
	_ =	strace $0x80000047;
	v0 =	vunpack.c.0.s8.s32 v0;
	v1 =	vunpack.c.0.s8.s32 v1;
	s25 =	ssub.s32 s1, s11;
	s26 =	sshrl.u32 s10, $0x3  }
0xc: {  	v2 =	vunpack.c.0.s8.s32 v2;
	v3 =	vunpack.c.0.s8.s32 v3;
	v6 =	vunpack.c.0.s8.s32 v6;
	s10 =	sshll.u32 s3, $0x9;
	s31 =	sadd.s32 s6, s12;
	s0 =	smax.u32 s25, $0x1  }
0xd: {  	v4 =	vunpack.c.0.s8.s32 v4;
	v5 =	vunpack.c.0.s8.s32 v5;
	v7 =	vunpack.c.0.s8.s32 v7;
	s25 =	simm.s32 $0x3;
	[dreg:$0x5] =	wrdreg s31;
	s1 =	sadd.s32 s6, s26  }
0xe: {  	v0 =	vcombine.low v1, v0;
	v1 =	vcombine.low v3, v2;
	v3 =	vand.u32 $0xF, v6;
	s13 =	sor.u32 $0x40, s10;
	[dreg:$0x7] =	wrdreg s0;
	s1 =	sadd.s32 $0xD4, s1  }
0xf: {  	v2 =	vcombine.low v5, v4;
	v4 =	vlaneseq.u32;
	s14 =	sor.u32 $0x60, s10;
	s26 =	simm.s32 $0x1C2A0;
	v3 =	vcombine.low v3, v7;
	[dreg:$0x6] =	wrdreg s1  }
.LBB2_1:
0x10: {  	s0 =	rddreg [dreg:$0x1];
	s1 =	simm.s32 $0x1CAE0  }
0x11: {  	[tilespmem:s1], [sflag:$0x5] =	stream.linear.gather [hbm4b:s0+s5], $0x10, $0x38;
	[tilespmem:$0x1CAF0] =	vst v63  }
0x12: {  	_ =	swait.ge [sflag:s17], $0x10  }
0x13: {  	[sflag:s17] =	ssyncset.done $0x0  }
0x14: {  	s15 =	rddreg [dreg:$0x5];
	[sflag:s17] =	ssyncadd.s32 $0xFFFFFFF0  }
0x15: {  	[tilespmem:s5], [sflag:$0x1] =	stream.linear.gather [hbm4b:s15+s5], $0x6A0, $0x38;
	[tilespmem:$0x1CAF0] =	vst v63  }
0x16: {  	s19 =	simm.s32 $0x1;
	s16 =	rddreg [dreg:$0x6]  }
0x17: {  	[tilespmem:s18], [sflag:$0x2] =	stream.linear.gather [hbm4b:s16+s5], $0x6A0, $0x38;
	[tilespmem:$0x1CAF0] =	vst v63  }
0x18: {  	_ =	swait.ge [sflag:s19], $0x6A0  }
0x19: {  	[sflag:s19] =	ssyncset.done $0x0  }
0x1a: {  	s20 =	simm.s32 $0xD40;
	[sflag:s19] =	ssyncadd.s32 $0xFFFFF960  }
0x1b: {  	[tilespmem:s20], [sflag:$0x3] =	stream.indirect.gather [hbm4b:s7+s18], $0x20, s5, s18, $0xb8;
	[tilespmem:$0x1CAF0] =	vst v63  }
0x1c: {  	s21 =	simm.s32 $0x1B540;
	s31 =	simm.s32 $0x0  }
0x1d: {  	[tilespmem:s21], [sflag:$0x3] =	stream.indirect.gather [hbm4b:s8+s18], $0x1, s5, s18, $0xb8;
	[tilespmem:$0x1CAF0] =	vst v63  }
.LBB2_2:
0x1e: {  	_ =	swait.ge [sflag:s22], $0x6A0  }
0x1f: {  	[sflag:s22] =	ssyncset.done $0x0  }
0x20: {  	[sflag:s22] =	ssyncadd.s32 $0xFFFFF960  }
0x21: {  	[tilespmem:s23], [sflag:$0x4] =	stream.indirect.gather [hbm4b:s7+s18], $0x20, s18, s18, $0xb8;
	[tilespmem:$0x1CAF0] =	vst v63  }
0x22: {  	_ = 	snop  }
0x23: {  	[tilespmem:s24], [sflag:$0x4] =	stream.indirect.gather [hbm4b:s8+s18], $0x1, s18, s18, $0xb8;
	[tilespmem:$0x1CAF0] =	vst v63  }
0x24: {  	s0 =	sshll.u32 s31, $0x6;
	p0 =	seq.s32 s31, $0x7;
	_ =	swait.ge [sflag:s25], $0xD400  }
0x25: {  	s1 =	sadd.s32 @!p0 s0, s13;
	[sflag:s25] =	ssyncset.done $0x0  }
0x26: {  	s1 =	smul.u32 @!p0 $0x35, s1;
	[sflag:s25] =	ssyncadd.s32 $0xFFFF2C00  }
0x27: {  	_ =	swait.ge [sflag:s25], $0x6A0  }
0x28: {  	s1 =	sshrl.u32 @!p0 s1, $0x3;
	[sflag:s25] =	ssyncset.done $0x0  }
0x29: {  	s3 =	simm.s32 @!p0 $0x0;
	s1 =	sadd.s32 @!p0 s6, s1;
	[sflag:s25] =	ssyncadd.s32 $0xFFFFF960  }
0x2a: {  	[tilespmem:s3], [sflag:$0x1] =	stream.linear.gather @!p0 [hbm4b:s1+s3], $0x6A0, $0x38;
	[tilespmem:$0x1CAF0] =	vst v63  }
0x2b: {  	s3 =	simm.s32 $0x1090  }
0x2c: {  	v5 =	vld [tilespmem:s3+$0xFFFFFD10]  }
0x2d: {  	v6 =	vld [tilespmem:s3+$0xFFFFFCF0]  }
0x2e: {  	v7 =	vld [tilespmem:s3+$0xFFFFFCD0]  }
0x2f: {  	v8 =	vld [tilespmem:s3+$0xFFFFFCB0]  }
0x30: {  	v11 =	vld [tilespmem:s3+$0xFFFFFCC0]  }
0x31: {  	v9 =	vld [tilespmem:s3+$0xFFFFFD30]  }
0x32: {  	v10 =	vld [tilespmem:s3+$0xFFFFFCE0]  }
0x33: {  	v12 =	vld [tilespmem:s3+$0xFFFFFD50]  }
0x34: {  	v15 =	vld [tilespmem:s3+$0xFFFFFD00];
	v13 =	vadd.f32 $0.0e+00, v8;
	v8 =	vmul.f32 v8, v8;
	v14 =	vmul.f32 v7, v7  }
0x35: {  	v16 =	vld [tilespmem:s3+$0xFFFFFD70];
	v19 =	vadd.f32 $0.0e+00, v11  }
0x36: {  	v29 =	vld [tilespmem:s3+$0xFFFFFD20];
	v17 =	vmul.f32 v6, v6;
	v7 =	vadd.f32 v7, v13;
	v8 =	vadd.f32 v14, v8  }
0x37: {  	v30 =	vld [tilespmem:s3+$0xFFFFFD90];
	v18 =	vmul.f32 v10, v10;
	v11 =	vmul.f32 v11, v11;
	v10 =	vadd.f32 v10, v19  }
0x38: {  	v20 =	vmul.f32 v5, v5;
	v6 =	vadd.f32 v6, v7;
	v7 =	vadd.f32 v17, v8;
	v8 =	vld [tilespmem:s3+$0xFFFFFD40]  }
0x39: {  	v31 =	vld [tilespmem:s3+$0xFFFFFDB0];
	v32 =	vmul.f32 v15, v15;
	v11 =	vadd.f32 v18, v11;
	v10 =	vadd.f32 v15, v10  }
0x3a: {  	v33 =	vmul.f32 v9, v9;
	v5 =	vadd.f32 v5, v6;
	v6 =	vadd.f32 v20, v7;
	v7 =	vld [tilespmem:s3+$0xFFFFFD60]  }
0x3b: {  	v34 =	vld [tilespmem:s3+$0xFFFFFDD0];
	v35 =	vmul.f32 v29, v29;
	v11 =	vadd.f32 v32, v11;
	v10 =	vadd.f32 v29, v10  }
0x3c: {  	v36 =	vmul.f32 v12, v12;
	v5 =	vadd.f32 v9, v5;
	v6 =	vadd.f32 v33, v6;
	v9 =	vld [tilespmem:s3+$0xFFFFFD80]  }
0x3d: {  	v37 =	vld [tilespmem:s3+$0xFFFFFDF0];
	v11 =	vadd.f32 v35, v11;
	v38 =	vmul.f32 v8, v8;
	v8 =	vadd.f32 v8, v10  }
0x3e: {  	v40 =	vld [tilespmem:s3+$0xFFFFFDA0];
	v39 =	vmul.f32 v16, v16;
	v5 =	vadd.f32 v12, v5;
	v6 =	vadd.f32 v36, v6  }
0x3f: {  	v41 =	vld [tilespmem:s3+$0xFFFFFE10];
	v10 =	vadd.f32 v38, v11;
	v11 =	vmul.f32 v7, v7;
	v7 =	vadd.f32 v7, v8  }
0x40: {  	v43 =	vld [tilespmem:s3+$0xFFFFFDC0];
	v42 =	vmul.f32 v30, v30;
	v5 =	vadd.f32 v16, v5;
	v6 =	vadd.f32 v39, v6  }
0x41: {  	v44 =	vld [tilespmem:s3+$0xFFFFFE30];
	v8 =	vadd.f32 v11, v10;
	v10 =	vmul.f32 v9, v9;
	v7 =	vadd.f32 v9, v7  }
0x42: {  	v45 =	vld [tilespmem:s3+$0xFFFFFDE0];
	v11 =	vmul.f32 v31, v31;
	v5 =	vadd.f32 v30, v5;
	v6 =	vadd.f32 v42, v6  }
0x43: {  	v46 =	vld [tilespmem:s3+$0xFFFFFE50];
	v9 =	vmul.f32 v40, v40;
	v8 =	vadd.f32 v10, v8;
	v7 =	vadd.f32 v40, v7  }
0x44: {  	v10 =	vmul.f32 v34, v34;
	v5 =	vadd.f32 v31, v5;
	v6 =	vadd.f32 v11, v6;
	v11 =	vld [tilespmem:s3+$0xFFFFFE00]  }
0x45: {  	v47 =	vld [tilespmem:s3+$0xFFFFFE70];
	v8 =	vadd.f32 v9, v8;
	v9 =	vmul.f32 v43, v43;
	v7 =	vadd.f32 v43, v7  }
0x46: {  	v48 =	vmul.f32 v37, v37;
	v5 =	vadd.f32 v34, v5;
	v6 =	vadd.f32 v10, v6;
	v10 =	vld [tilespmem:s3+$0xFFFFFE20]  }
0x47: {  	v49 =	vld [tilespmem:s3+$0xFFFFFE90];
	v8 =	vadd.f32 v9, v8;
	v9 =	vmul.f32 v45, v45;
	v7 =	vadd.f32 v45, v7  }
0x48: {  	v51 =	vld [tilespmem:s3+$0xFFFFFE40];
	v50 =	vmul.f32 v41, v41;
	v5 =	vadd.f32 v37, v5;
	v6 =	vadd.f32 v48, v6  }
0x49: {  	v52 =	vld [tilespmem:s3+$0xFFFFFEB0];
	v8 =	vadd.f32 v9, v8;
	v9 =	vmul.f32 v11, v11;
	v7 =	vadd.f32 v11, v7  }
0x4a: {  	v54 =	vld [tilespmem:s3+$0xFFFFFE60];
	v53 =	vmul.f32 v44, v44;
	v5 =	vadd.f32 v41, v5;
	v6 =	vadd.f32 v50, v6  }
0x4b: {  	v55 =	vld [tilespmem:s3+$0xFFFFFED0];
	v8 =	vadd.f32 v9, v8;
	v9 =	vmul.f32 v10, v10;
	v7 =	vadd.f32 v10, v7  }
0x4c: {  	v56 =	vld [tilespmem:s3+$0xFFFFFE80];
	v11 =	vmul.f32 v46, v46;
	v5 =	vadd.f32 v44, v5;
	v6 =	vadd.f32 v53, v6  }
0x4d: {  	v57 =	vld [tilespmem:s3+$0xFFFFFEF0];
	v8 =	vadd.f32 v9, v8;
	v9 =	vmul.f32 v51, v51;
	v7 =	vadd.f32 v51, v7  }
0x4e: {  	v10 =	vmul.f32 v47, v47;
	v5 =	vadd.f32 v46, v5;
	v6 =	vadd.f32 v11, v6;
	v11 =	vld [tilespmem:s3+$0xFFFFFEA0]  }
0x4f: {  	v58 =	vld [tilespmem:s3+$0xFFFFFF10];
	v8 =	vadd.f32 v9, v8;
	v9 =	vmul.f32 v54, v54;
	v7 =	vadd.f32 v54, v7  }
0x50: {  	v59 =	vmul.f32 v49, v49;
	v5 =	vadd.f32 v47, v5;
	v6 =	vadd.f32 v10, v6;
	v10 =	vld [tilespmem:s3+$0xFFFFFEC0]  }
0x51: {  	v60 =	vld [tilespmem:s3+$0xFFFFFF30];
	v8 =	vadd.f32 v9, v8;
	v9 =	vmul.f32 v56, v56;
	v7 =	vadd.f32 v56, v7  }
0x52: {  	v62 =	vld [tilespmem:s3+$0xFFFFFEE0];
	v61 =	vmul.f32 v52, v52;
	v5 =	vadd.f32 v49, v5;
	v6 =	vadd.f32 v59, v6  }
0x53: {  	v63 =	vld [tilespmem:s3+$0xFFFFFF50];
	v8 =	vadd.f32 v9, v8;
	v9 =	vmul.f32 v11, v11;
	v7 =	vadd.f32 v11, v7  }
0x54: {  	v24 =	vld [tilespmem:s3+$0xFFFFFF00];
	v23 =	vmul.f32 v55, v55;
	v5 =	vadd.f32 v52, v5;
	v6 =	vadd.f32 v61, v6  }
0x55: {  	v25 =	vld [tilespmem:s3+$0xFFFFFF70];
	v8 =	vadd.f32 v9, v8;
	v9 =	vmul.f32 v10, v10;
	v7 =	vadd.f32 v10, v7  }
0x56: {  	v26 =	vld [tilespmem:s3+$0xFFFFFF20];
	v11 =	vmul.f32 v57, v57;
	v5 =	vadd.f32 v55, v5;
	v6 =	vadd.f32 v23, v6  }
0x57: {  	v27 =	vld [tilespmem:s3+$0xFFFFFF90];
	v8 =	vadd.f32 v9, v8;
	v9 =	vmul.f32 v62, v62;
	v7 =	vadd.f32 v62, v7  }
0x58: {  	v10 =	vmul.f32 v58, v58;
	v5 =	vadd.f32 v57, v5;
	v6 =	vadd.f32 v11, v6;
	v11 =	vld [tilespmem:s3+$0xFFFFFF40]  }
0x59: {  	v28 =	vld [tilespmem:s3+$0xFFFFFFB0];
	v8 =	vadd.f32 v9, v8;
	v9 =	vmul.f32 v24, v24;
	v7 =	vadd.f32 v24, v7  }
0x5a: {  	v29 =	vmul.f32 v60, v60;
	v5 =	vadd.f32 v58, v5;
	v6 =	vadd.f32 v10, v6;
	v10 =	vld [tilespmem:s3+$0xFFFFFF60]  }
0x5b: {  	v32 =	vld [tilespmem:s3+$0xFFFFFF80];
	v8 =	vadd.f32 v9, v8;
	v9 =	vmul.f32 v26, v26;
	v7 =	vadd.f32 v26, v7  }
0x5c: {  	v35 =	vld [tilespmem:s3+$0xFFFFFFA0];
	v31 =	vmul.f32 v63, v63;
	v5 =	vadd.f32 v60, v5;
	v6 =	vadd.f32 v29, v6  }
0x5d: {  	v33 =	vld [tilespmem:s3+$0xFFFFFFF0];
	v8 =	vadd.f32 v9, v8;
	v9 =	vmul.f32 v11, v11;
	v7 =	vadd.f32 v11, v7  }
0x5e: {  	v36 =	vld [tilespmem:s3+$0x10];
	v34 =	vmul.f32 v25, v25;
	v5 =	vadd.f32 v63, v5;
	v6 =	vadd.f32 v31, v6  }
0x5f: {  	v30 =	vld [tilespmem:s3+$0xFFFFFFD0];
	v8 =	vadd.f32 v9, v8;
	v9 =	vmul.f32 v10, v10;
	v7 =	vadd.f32 v10, v7  }
0x60: {  	v37 =	vld [tilespmem:s3+$0xFFFFFFC0];
	v11 =	vmul.f32 v27, v27;
	v5 =	vadd.f32 v25, v5;
	v6 =	vadd.f32 v34, v6  }
0x61: {  	v38 =	vld [tilespmem:s3+$0x30];
	v8 =	vadd.f32 v9, v8;
	v9 =	vmul.f32 v32, v32;
	v7 =	vadd.f32 v32, v7  }
0x62: {  	v10 =	vmul.f32 v28, v28;
	v5 =	vadd.f32 v27, v5;
	v6 =	vadd.f32 v11, v6;
	v11 =	vld [tilespmem:s3+$0xFFFFFFE0]  }
0x63: {  	v39 =	vld [tilespmem:s3+$0x50];
	v8 =	vadd.f32 v9, v8;
	v9 =	vmul.f32 v35, v35;
	v7 =	vadd.f32 v35, v7  }
0x64: {  	v40 =	vmul.f32 v30, v30;
	v5 =	vadd.f32 v28, v5;
	v6 =	vadd.f32 v10, v6;
	v10 =	vld [tilespmem:s3+$0x0]  }
0x65: {  	v43 =	vld [tilespmem:s3+$0x20];
	v8 =	vadd.f32 v9, v8;
	v9 =	vmul.f32 v37, v37;
	v7 =	vadd.f32 v37, v7  }
0x66: {  	v42 =	vmul.f32 v33, v33;
	v48 =	vld [tilespmem:s3+$0x60];
	v5 =	vadd.f32 v30, v5;
	v6 =	vadd.f32 v40, v6  }
0x67: {  	v41 =	vld [tilespmem:s3+$0x70];
	v8 =	vadd.f32 v9, v8;
	v9 =	vmul.f32 v11, v11;
	v7 =	vadd.f32 v11, v7  }
0x68: {  	v45 =	vmul.f32 v36, v36;
	v46 =	vld [tilespmem:s3+$0x40];
	v5 =	vadd.f32 v33, v5;
	v6 =	vadd.f32 v42, v6  }
0x69: {  	v50 =	vld [tilespmem:s3+$0xF0];
	v8 =	vadd.f32 v9, v8;
	v9 =	vmul.f32 v10, v10;
	v7 =	vadd.f32 v10, v7  }
0x6a: {  	v44 =	vld [tilespmem:s3+$0x90];
	v11 =	vmul.f32 v38, v38;
	v5 =	vadd.f32 v36, v5;
	v6 =	vadd.f32 v45, v6  }
0x6b: {  	v54 =	vld [tilespmem:s3+$0xC0];
	v8 =	vadd.f32 v9, v8;
	v9 =	vmul.f32 v43, v43;
	v7 =	vadd.f32 v43, v7  }
0x6c: {  	v10 =	vmul.f32 v39, v39;
	v5 =	vadd.f32 v38, v5;
	v6 =	vadd.f32 v11, v6;
	v11 =	vld [tilespmem:s3+$0x80]  }
0x6d: {  	v47 =	vld [tilespmem:s3+$0xB0];
	v8 =	vadd.f32 v9, v8;
	v9 =	vmul.f32 v46, v46;
	v7 =	vadd.f32 v46, v7  }
0x6e: {  	v5 =	vadd.f32 v39, v5;
	v6 =	vadd.f32 v10, v6;
	v10 =	vld [tilespmem:s3+$0xA0]  }
0x6f: {  	v51 =	vmul.f32 v41, v41;
	v49 =	vld [tilespmem:s3+$0xD0];
	v8 =	vadd.f32 v9, v8;
	v9 =	vmul.f32 v48, v48  }
0x70: {  	v53 =	vmul.f32 v44, v44;
	v59 =	vld [tilespmem:s3+$0x100];
	v7 =	vadd.f32 v48, v7;
	v5 =	vadd.f32 v41, v5  }
0x71: {  	v52 =	vld [tilespmem:s3+$0x110];
	v6 =	vadd.f32 v51, v6;
	v8 =	vadd.f32 v9, v8;
	v9 =	vmul.f32 v11, v11  }
0x72: {  	v61 =	vld [tilespmem:s3+$0x190];
	v56 =	vmul.f32 v47, v47;
	v7 =	vadd.f32 v11, v7;
	v5 =	vadd.f32 v44, v5  }
0x73: {  	v57 =	vld [tilespmem:s3+$0xE0];
	v6 =	vadd.f32 v53, v6;
	v8 =	vadd.f32 v9, v8;
	v9 =	vmul.f32 v10, v10  }
0x74: {  	v43 =	vld [tilespmem:s3+$0x310];
	v11 =	vmul.f32 v49, v49;
	v7 =	vadd.f32 v10, v7;
	v5 =	vadd.f32 v47, v5  }
0x75: {  	v55 =	vld [tilespmem:s3+$0x130];
	v6 =	vadd.f32 v56, v6;
	v8 =	vadd.f32 v9, v8;
	v9 =	vmul.f32 v54, v54  }
0x76: {  	v23 =	vld [tilespmem:s3+$0x160];
	v7 =	vadd.f32 v54, v7;
	v5 =	vadd.f32 v49, v5  }
0x77: {  	v10 =	vmul.f32 v50, v50;
	v6 =	vadd.f32 v11, v6;
	v11 =	vld [tilespmem:s3+$0x120];
	v8 =	vadd.f32 v9, v8  }
0x78: {  	v58 =	vld [tilespmem:s3+$0x150];
	v9 =	vmul.f32 v57, v57;
	v7 =	vadd.f32 v57, v7;
	v5 =	vadd.f32 v50, v5  }
0x79: {  	v62 =	vmul.f32 v52, v52;
	v6 =	vadd.f32 v10, v6;
	v10 =	vld [tilespmem:s3+$0x140];
	v50 =	vadd.f32 $0.0e+00, v43  }
0x7a: {  	v60 =	vld [tilespmem:s3+$0x170];
	v8 =	vadd.f32 v9, v8;
	v9 =	vmul.f32 v59, v59;
	v7 =	vadd.f32 v59, v7  }
0x7b: {  	v24 =	vld [tilespmem:s3+$0x1D0];
	v22 =	vmul.f32 v55, v55;
	v5 =	vadd.f32 v52, v5;
	v6 =	vadd.f32 v62, v6  }
0x7c: {  	v26 =	vld [tilespmem:s3+$0x180];
	v8 =	vadd.f32 v9, v8;
	v9 =	vmul.f32 v11, v11;
	v7 =	vadd.f32 v11, v7  }
0x7d: {  	v29 =	vld [tilespmem:s3+$0x210];
	v25 =	vmul.f32 v58, v58;
	v5 =	vadd.f32 v55, v5;
	v6 =	vadd.f32 v22, v6  }
0x7e: {  	v63 =	vld [tilespmem:s3+$0x1B0];
	v8 =	vadd.f32 v9, v8;
	v9 =	vmul.f32 v10, v10;
	v7 =	vadd.f32 v10, v7  }
0x7f: {  	v28 =	vld [tilespmem:s3+$0x1A0];
	v11 =	vmul.f32 v60, v60;
	v5 =	vadd.f32 v58, v5;
	v6 =	vadd.f32 v25, v6  }
0x80: {  	v34 =	vld [tilespmem:s3+$0x200];
	v8 =	vadd.f32 v9, v8;
	v9 =	vmul.f32 v23, v23;
	v7 =	vadd.f32 v23, v7  }
0x81: {  	v10 =	vmul.f32 v61, v61;
	v5 =	vadd.f32 v60, v5;
	v6 =	vadd.f32 v11, v6;
	v11 =	vld [tilespmem:s3+$0x1C0]  }
0x82: {  	v27 =	vld [tilespmem:s3+$0x1F0];
	v8 =	vadd.f32 v9, v8;
	v9 =	vmul.f32 v26, v26;
	v7 =	vadd.f32 v26, v7  }
0x83: {  	v31 =	vmul.f32 v63, v63;
	v5 =	vadd.f32 v61, v5;
	v6 =	vadd.f32 v10, v6;
	v10 =	vld [tilespmem:s3+$0x1E0]  }
0x84: {  	v32 =	vld [tilespmem:s3+$0x250];
	v8 =	vadd.f32 v9, v8;
	v9 =	vmul.f32 v28, v28;
	v7 =	vadd.f32 v28, v7  }
0x85: {  	v35 =	vld [tilespmem:s3+$0x270];
	v33 =	vmul.f32 v24, v24;
	v5 =	vadd.f32 v63, v5;
	v6 =	vadd.f32 v31, v6  }
0x86: {  	v30 =	vld [tilespmem:s3+$0x230];
	v8 =	vadd.f32 v9, v8;
	v9 =	vmul.f32 v11, v11;
	v7 =	vadd.f32 v11, v7  }
0x87: {  	v37 =	vld [tilespmem:s3+$0x220];
	v36 =	vmul.f32 v27, v27;
	v5 =	vadd.f32 v24, v5;
	v6 =	vadd.f32 v33, v6  }
0x88: {  	v40 =	vld [tilespmem:s3+$0x2B0];
	v8 =	vadd.f32 v9, v8;
	v9 =	vmul.f32 v10, v10;
	v7 =	vadd.f32 v10, v7  }
0x89: {  	v39 =	vld [tilespmem:s3+$0x240];
	v11 =	vmul.f32 v29, v29;
	v5 =	vadd.f32 v27, v5;
	v6 =	vadd.f32 v36, v6  }
0x8a: {  	v45 =	vld [tilespmem:s3+$0x2A0];
	v8 =	vadd.f32 v9, v8;
	v9 =	vmul.f32 v34, v34;
	v7 =	vadd.f32 v34, v7  }
0x8b: {  	v10 =	vmul.f32 v30, v30;
	v5 =	vadd.f32 v29, v5;
	v6 =	vadd.f32 v11, v6;
	v11 =	vld [tilespmem:s3+$0x260]  }
0x8c: {  	v38 =	vld [tilespmem:s3+$0x290];
	v8 =	vadd.f32 v9, v8;
	v9 =	vmul.f32 v37, v37;
	v7 =	vadd.f32 v37, v7  }
0x8d: {  	v42 =	vmul.f32 v32, v32;
	v5 =	vadd.f32 v30, v5;
	v6 =	vadd.f32 v10, v6;
	v10 =	vld [tilespmem:s3+$0x280]  }
0x8e: {  	v46 =	vld [tilespmem:s3+$0x2F0];
	v8 =	vadd.f32 v9, v8;
	v9 =	vmul.f32 v39, v39;
	v7 =	vadd.f32 v39, v7  }
0x8f: {  	v48 =	vld [tilespmem:s3+$0x330];
	v44 =	vmul.f32 v35, v35;
	v5 =	vadd.f32 v32, v5;
	v6 =	vadd.f32 v42, v6  }
0x90: {  	v41 =	vld [tilespmem:s3+$0x2D0];
	v8 =	vadd.f32 v9, v8;
	v9 =	vmul.f32 v11, v11;
	v7 =	vadd.f32 v11, v7  }
0x91: {  	v47 =	vld [tilespmem:s3+$0x2C0];
	v11 =	vmul.f32 v38, v38;
	v5 =	vadd.f32 v35, v5;
	v6 =	vadd.f32 v44, v6  }
0x92: {  	v49 =	vld [tilespmem:s3+$0x2E0];
	v8 =	vadd.f32 v9, v8;
	v9 =	vmul.f32 v10, v10;
	v7 =	vadd.f32 v10, v7  }
0x93: {  	v21 =	vmul.f32 v40, v40;
	v10 =	vld [tilespmem:s3+$0x320];
	v5 =	vadd.f32 v38, v5;
	v6 =	vadd.f32 v11, v6  }
0x94: {  	v51 =	vld [tilespmem:s3+$0x340];
	v8 =	vadd.f32 v9, v8;
	v9 =	vmul.f32 v45, v45;
	v7 =	vadd.f32 v45, v7  }
0x95: {  	v11 =	vld [tilespmem:s3+$0x300];
	v5 =	vadd.f32 v40, v5;
	v52 =	vadd.f32 v21, v6  }
0x96: {  	v6 =	vadd.f32 v48, v50;
	v8 =	vadd.f32 v9, v8;
	v9 =	vmul.f32 v47, v47  }
0x97: {  	v15 =	vmul.f32 v41, v41;
	v7 =	vadd.f32 v47, v7;
	v5 =	vadd.f32 v41, v5  }
0x98: {  	v53 =	vadd.f32 $0.0e+00, v10;
	v8 =	vadd.f32 v9, v8;
	v9 =	vmul.f32 v49, v49  }
0x99: {  	v54 =	vmul.f32 v46, v46;
	v15 =	vadd.f32 v15, v52;
	v18 =	vadd.f32 v49, v7  }
0x9a: {  	v55 =	vmul.f32 v11, v11;
	v7 =	vadd.f32 v51, v53;
	v56 =	vadd.f32 v9, v8  }
0x9b: {  	s1 =	simm.s32 $0x1B560;
	v57 =	vmul.f32 v43, v43;
	v8 =	vadd.f32 v11, v18;
	v11 =	vadd.f32 v54, v15  }
0x9c: {  	v62 =	vld [tilespmem:s1+$0xFFFFFFE0];
	v10 =	vmul.f32 v10, v10;
	v9 =	vadd.f32 v46, v5;
	v5 =	vadd.f32 v55, v56  }
0x9d: {  	v12 =	vmul.f32 v51, v51;
	v61 =	vld [tilespmem:s1+$0x10];
	v11 =	vadd.f32 v57, v11;
	v60 =	vadd.f32 v7, v8  }
0x9e: {  	v59 =	vmul.f32 v48, v48;
	v58 =	vld [tilespmem:s1+$0x0];
	v5 =	vadd.f32 v10, v5;
	v10 =	vadd.f32 v6, v9  }
0x9f: {  	v63 =	vld [tilespmem:s1+$0xFFFFFFF0];
	v13 =	vmul.f32 v60, v60  }
0xa0: {  	v11 =	vadd.f32 v59, v11;
	v5 =	vadd.f32 v12, v5;
	v10 =	vmul.f32 v10, v10;
	_ =	sdelay $0x1  }
0xa1: {  	v10 =	vsub.f32 v10, v11;
	v5 =	vsub.f32 v13, v5;
	v11 =	vnsel vm0, $0x0, v61  }
0xa2: {  	v11 =	vadd.f32 v11, v58  }
0xa3: {  	v5 =	vadd.f32 v5, v10;
	v10 =	vadd.f32 v63, v62;
	_ =	sdelay $0x1  }
0xa4: {  	v5 =	vmul.f32 $5.000000000e-01, v5;
	v10 =	vadd.f32 v11, v10;
	_ =	sdelay $0x1  }
0xa5: {  	v5 =	vadd.f32 v10, v5;
	_ =	sdelay $0x1  }
0xa6: {  	v10 =	vperm.xlane v5, v0;
	_ =	sdelay $0x1  }
0xa7: {  	v5 =	vadd.f32 v5, v10;
	_ =	sdelay $0x1  }
0xa8: {  	v10 =	vperm.xlane v5, v1;
	_ =	sdelay $0x1  }
0xa9: {  	v5 =	vadd.f32 v5, v10;
	_ =	sdelay $0x1  }
0xaa: {  	v10 =	vperm.xlane v5, v2;
	_ =	sdelay $0x1  }
0xab: {  	v5 =	vadd.f32 v5, v10;
	_ =	sdelay $0x1  }
0xac: {  	s11 =	simm.s32 $0x0;
	v10 =	vperm.xlane v5, v3  }
0xad: {  	s11 =	sand.u32 $0xF, s11  }
0xae: {  	v5 =	vadd.f32 v5, v10;
	v10 =	vmov s11  }
0xaf: {  	s20 =	simm.s32 $0x1C2B0;
	s16 =	simm.s32 $0x1C6B0;
	v11 =	vimm.f32 $0.0e+00;
	vm1 =	veq.s32 v10, v4  }
0xb0: {  	s12 =	simm.s32 $0x1CAB1;
	s21 =	simm.s32 $0x1;
	p1 =	sne.s32 s11, $0xF;
	v5 =	vsel vm1, v5, v11  }
0xb1: {  	s15 =	simm.s32 $0x1CAB2;
	s11 =	simm.s32 $0x1C2D0;
	[tilespmem:s12+$0x0] =	vst @!p1 v5;
	s12 =	simm.s32 $0x1C6D0  }
.LBB2_3:
0xb2: {  	s3 =	sadd.s32 $0x6A0, s3  }
0xb3: {  	s1 =	sadd.s32 $0x35, s1;
	s19 =	smov.u32 s21;
	s21 =	sadd.s32 $0x1, s21  }
0xb4: {  	p1 =	sne.s32 s21, $0x20;
	_ =	sdelay $0x1  }
0xb5: {  	[tilespmem:s20+$0x0] =	vst v8  }
0xb6: {  	[tilespmem:s20+$0xFFFFFFF0] =	vst v9;
	s20 =	smov.u32 s11  }
0xb7: {  	[tilespmem:s16+$0xFFFFFFF0] =	vst v6  }
0xb8: {  	[tilespmem:s16+$0x0] =	vst v7;
	s16 =	smov.u32 s12  }
0xb9: {  	v6 =	vld [tilespmem:s3+$0xFFFFFD10]  }
0xba: {  	v7 =	vld [tilespmem:s3+$0xFFFFFCF0]  }
0xbb: {  	v8 =	vld [tilespmem:s3+$0xFFFFFCD0]  }
0xbc: {  	v9 =	vld [tilespmem:s3+$0xFFFFFD30]  }
0xbd: {  	v10 =	vld [tilespmem:s3+$0xFFFFFCB0]  }
0xbe: {  	v11 =	vmul.f32 v6, v6;
	v12 =	vld [tilespmem:s3+$0xFFFFFD50]  }
0xbf: {  	v13 =	vld [tilespmem:s3+$0xFFFFFCE0]  }
0xc0: {  	v14 =	vld [tilespmem:s3+$0xFFFFFCC0]  }
0xc1: {  	v15 =	vmul.f32 v9, v9;
	v16 =	vld [tilespmem:s3+$0xFFFFFD70]  }
0xc2: {  	v18 =	vmul.f32 v8, v8;
	v17 =	vadd.f32 $0.0e+00, v10;
	v10 =	vmul.f32 v10, v10;
	v19 =	vld [tilespmem:s3+$0xFFFFFD00]  }
0xc3: {  	v20 =	vmul.f32 v7, v7;
	v21 =	vmul.f32 v12, v12;
	v22 =	vld [tilespmem:s3+$0xFFFFFD90]  }
0xc4: {  	v8 =	vadd.f32 v8, v17;
	v10 =	vadd.f32 v18, v10;
	v17 =	vmul.f32 v13, v13;
	v18 =	vld [tilespmem:s3+$0xFFFFFD20]  }
0xc5: {  	v23 =	vadd.f32 $0.0e+00, v14;
	v14 =	vmul.f32 v14, v14;
	v24 =	vld [tilespmem:s3+$0xFFFFFDB0]  }
0xc6: {  	v7 =	vadd.f32 v7, v8;
	v8 =	vadd.f32 v20, v10;
	v10 =	vld [tilespmem:s3+$0xFFFFFD40];
	v20 =	vmul.f32 v16, v16  }
0xc7: {  	v13 =	vadd.f32 v13, v23;
	v14 =	vadd.f32 v17, v14;
	v17 =	vmul.f32 v19, v19;
	v23 =	vld [tilespmem:s3+$0xFFFFFDD0]  }
0xc8: {  	v6 =	vadd.f32 v6, v7;
	v7 =	vadd.f32 v11, v8;
	v8 =	vld [tilespmem:s3+$0xFFFFFD60];
	v11 =	vmul.f32 v22, v22  }
0xc9: {  	v13 =	vadd.f32 v19, v13;
	v14 =	vadd.f32 v17, v14;
	v17 =	vmul.f32 v18, v18;
	v19 =	vld [tilespmem:s3+$0xFFFFFDF0]  }
0xca: {  	v6 =	vadd.f32 v9, v6;
	v7 =	vadd.f32 v15, v7;
	v9 =	vld [tilespmem:s3+$0xFFFFFD80];
	v15 =	vmul.f32 v24, v24  }
0xcb: {  	v13 =	vadd.f32 v18, v13;
	v14 =	vadd.f32 v17, v14;
	v17 =	vmul.f32 v10, v10;
	v18 =	vld [tilespmem:s3+$0xFFFFFE10]  }
0xcc: {  	v6 =	vadd.f32 v12, v6;
	v7 =	vadd.f32 v21, v7;
	v12 =	vld [tilespmem:s3+$0xFFFFFDA0];
	v21 =	vmul.f32 v23, v23  }
0xcd: {  	v10 =	vadd.f32 v10, v13;
	v13 =	vadd.f32 v17, v14;
	v14 =	vmul.f32 v8, v8;
	v17 =	vld [tilespmem:s3+$0xFFFFFE30]  }
0xce: {  	v6 =	vadd.f32 v16, v6;
	v7 =	vadd.f32 v20, v7;
	v16 =	vld [tilespmem:s3+$0xFFFFFDC0];
	v20 =	vmul.f32 v19, v19  }
0xcf: {  	v8 =	vadd.f32 v8, v10;
	v10 =	vadd.f32 v14, v13;
	v13 =	vmul.f32 v9, v9;
	v14 =	vld [tilespmem:s3+$0xFFFFFE50]  }
0xd0: {  	v6 =	vadd.f32 v22, v6;
	v7 =	vadd.f32 v11, v7;
	v11 =	vld [tilespmem:s3+$0xFFFFFDE0];
	v22 =	vmul.f32 v18, v18  }
0xd1: {  	v8 =	vadd.f32 v9, v8;
	v9 =	vadd.f32 v13, v10;
	v10 =	vmul.f32 v12, v12;
	v13 =	vld [tilespmem:s3+$0xFFFFFE70]  }
0xd2: {  	v6 =	vadd.f32 v24, v6;
	v7 =	vadd.f32 v15, v7;
	v15 =	vld [tilespmem:s3+$0xFFFFFE00];
	v24 =	vmul.f32 v17, v17  }
0xd3: {  	v8 =	vadd.f32 v12, v8;
	v9 =	vadd.f32 v10, v9;
	v10 =	vmul.f32 v16, v16;
	v12 =	vld [tilespmem:s3+$0xFFFFFE90]  }
0xd4: {  	v6 =	vadd.f32 v23, v6;
	v7 =	vadd.f32 v21, v7;
	v21 =	vld [tilespmem:s3+$0xFFFFFE20];
	v23 =	vmul.f32 v14, v14  }
0xd5: {  	v8 =	vadd.f32 v16, v8;
	v9 =	vadd.f32 v10, v9;
	v10 =	vmul.f32 v11, v11;
	v16 =	vld [tilespmem:s3+$0xFFFFFEB0]  }
0xd6: {  	v6 =	vadd.f32 v19, v6;
	v7 =	vadd.f32 v20, v7;
	v19 =	vld [tilespmem:s3+$0xFFFFFE40];
	v20 =	vmul.f32 v13, v13  }
0xd7: {  	v8 =	vadd.f32 v11, v8;
	v9 =	vadd.f32 v10, v9;
	v10 =	vmul.f32 v15, v15;
	v11 =	vld [tilespmem:s3+$0xFFFFFED0]  }
0xd8: {  	v6 =	vadd.f32 v18, v6;
	v7 =	vadd.f32 v22, v7;
	v18 =	vld [tilespmem:s3+$0xFFFFFE60];
	v22 =	vmul.f32 v12, v12  }
0xd9: {  	v8 =	vadd.f32 v15, v8;
	v9 =	vadd.f32 v10, v9;
	v10 =	vmul.f32 v21, v21;
	v15 =	vld [tilespmem:s3+$0xFFFFFEF0]  }
0xda: {  	v6 =	vadd.f32 v17, v6;
	v7 =	vadd.f32 v24, v7;
	v17 =	vld [tilespmem:s3+$0xFFFFFE80];
	v24 =	vmul.f32 v16, v16  }
0xdb: {  	v8 =	vadd.f32 v21, v8;
	v9 =	vadd.f32 v10, v9;
	v10 =	vmul.f32 v19, v19;
	v21 =	vld [tilespmem:s3+$0xFFFFFF10]  }
0xdc: {  	v6 =	vadd.f32 v14, v6;
	v7 =	vadd.f32 v23, v7;
	v14 =	vld [tilespmem:s3+$0xFFFFFEA0];
	v23 =	vmul.f32 v11, v11  }
0xdd: {  	v8 =	vadd.f32 v19, v8;
	v9 =	vadd.f32 v10, v9;
	v10 =	vmul.f32 v18, v18;
	v19 =	vld [tilespmem:s3+$0xFFFFFF30]  }
0xde: {  	v6 =	vadd.f32 v13, v6;
	v7 =	vadd.f32 v20, v7;
	v13 =	vld [tilespmem:s3+$0xFFFFFEC0];
	v20 =	vmul.f32 v15, v15  }
0xdf: {  	v8 =	vadd.f32 v18, v8;
	v9 =	vadd.f32 v10, v9;
	v10 =	vmul.f32 v17, v17;
	v18 =	vld [tilespmem:s3+$0xFFFFFF50]  }
0xe0: {  	v6 =	vadd.f32 v12, v6;
	v7 =	vadd.f32 v22, v7;
	v12 =	vld [tilespmem:s3+$0xFFFFFEE0];
	v22 =	vmul.f32 v21, v21  }
0xe1: {  	v8 =	vadd.f32 v17, v8;
	v9 =	vadd.f32 v10, v9;
	v10 =	vmul.f32 v14, v14;
	v17 =	vld [tilespmem:s3+$0xFFFFFF70]  }
0xe2: {  	v6 =	vadd.f32 v16, v6;
	v7 =	vadd.f32 v24, v7;
	v16 =	vld [tilespmem:s3+$0xFFFFFF00];
	v24 =	vmul.f32 v19, v19  }
0xe3: {  	v8 =	vadd.f32 v14, v8;
	v9 =	vadd.f32 v10, v9;
	v10 =	vmul.f32 v13, v13;
	v14 =	vld [tilespmem:s3+$0xFFFFFF90]  }
0xe4: {  	v6 =	vadd.f32 v11, v6;
	v7 =	vadd.f32 v23, v7;
	v11 =	vld [tilespmem:s3+$0xFFFFFF20];
	v23 =	vmul.f32 v18, v18  }
0xe5: {  	v8 =	vadd.f32 v13, v8;
	v9 =	vadd.f32 v10, v9;
	v10 =	vmul.f32 v12, v12;
	v13 =	vld [tilespmem:s3+$0xFFFFFFB0]  }
0xe6: {  	v6 =	vadd.f32 v15, v6;
	v7 =	vadd.f32 v20, v7;
	v15 =	vld [tilespmem:s3+$0xFFFFFF40];
	v20 =	vmul.f32 v17, v17  }
0xe7: {  	v8 =	vadd.f32 v12, v8;
	v9 =	vadd.f32 v10, v9;
	v10 =	vmul.f32 v16, v16;
	v12 =	vld [tilespmem:s3+$0xFFFFFFD0]  }
0xe8: {  	v6 =	vadd.f32 v21, v6;
	v7 =	vadd.f32 v22, v7;
	v21 =	vld [tilespmem:s3+$0xFFFFFF60];
	v22 =	vmul.f32 v14, v14  }
0xe9: {  	v8 =	vadd.f32 v16, v8;
	v9 =	vadd.f32 v10, v9;
	v10 =	vmul.f32 v11, v11;
	v16 =	vld [tilespmem:s3+$0xFFFFFFF0]  }
0xea: {  	v6 =	vadd.f32 v19, v6;
	v7 =	vadd.f32 v24, v7;
	v19 =	vld [tilespmem:s3+$0xFFFFFF80];
	v24 =	vmul.f32 v13, v13  }
0xeb: {  	v8 =	vadd.f32 v11, v8;
	v9 =	vadd.f32 v10, v9;
	v10 =	vmul.f32 v15, v15;
	v11 =	vld [tilespmem:s3+$0x10]  }
0xec: {  	v6 =	vadd.f32 v18, v6;
	v7 =	vadd.f32 v23, v7;
	v18 =	vld [tilespmem:s3+$0xFFFFFFA0];
	v23 =	vmul.f32 v12, v12  }
0xed: {  	v8 =	vadd.f32 v15, v8;
	v9 =	vadd.f32 v10, v9;
	v10 =	vmul.f32 v21, v21;
	v15 =	vld [tilespmem:s3+$0x30]  }
0xee: {  	v6 =	vadd.f32 v17, v6;
	v7 =	vadd.f32 v20, v7;
	v17 =	vld [tilespmem:s3+$0xFFFFFFC0];
	v20 =	vmul.f32 v16, v16  }
0xef: {  	v8 =	vadd.f32 v21, v8;
	v9 =	vadd.f32 v10, v9;
	v10 =	vmul.f32 v19, v19;
	v21 =	vld [tilespmem:s3+$0x50]  }
0xf0: {  	v6 =	vadd.f32 v14, v6;
	v7 =	vadd.f32 v22, v7;
	v14 =	vld [tilespmem:s3+$0xFFFFFFE0];
	v22 =	vmul.f32 v11, v11  }
0xf1: {  	v8 =	vadd.f32 v19, v8;
	v9 =	vadd.f32 v10, v9;
	v10 =	vmul.f32 v18, v18;
	v19 =	vld [tilespmem:s3+$0x70]  }
0xf2: {  	v6 =	vadd.f32 v13, v6;
	v7 =	vadd.f32 v24, v7;
	v13 =	vld [tilespmem:s3+$0x0];
	v24 =	vmul.f32 v15, v15  }
0xf3: {  	v8 =	vadd.f32 v18, v8;
	v9 =	vadd.f32 v10, v9;
	v10 =	vmul.f32 v17, v17;
	v18 =	vld [tilespmem:s3+$0x90]  }
0xf4: {  	v6 =	vadd.f32 v12, v6;
	v7 =	vadd.f32 v23, v7;
	v12 =	vld [tilespmem:s3+$0x20];
	v23 =	vmul.f32 v21, v21  }
0xf5: {  	v8 =	vadd.f32 v17, v8;
	v9 =	vadd.f32 v10, v9;
	v10 =	vmul.f32 v14, v14;
	v17 =	vld [tilespmem:s3+$0xB0]  }
0xf6: {  	v6 =	vadd.f32 v16, v6;
	v7 =	vadd.f32 v20, v7;
	v16 =	vld [tilespmem:s3+$0x40];
	v20 =	vmul.f32 v19, v19  }
0xf7: {  	v8 =	vadd.f32 v14, v8;
	v9 =	vadd.f32 v10, v9;
	v10 =	vmul.f32 v13, v13;
	v14 =	vld [tilespmem:s3+$0xD0]  }
0xf8: {  	v6 =	vadd.f32 v11, v6;
	v7 =	vadd.f32 v22, v7;
	v11 =	vld [tilespmem:s3+$0x60];
	v22 =	vmul.f32 v18, v18  }
0xf9: {  	v8 =	vadd.f32 v13, v8;
	v9 =	vadd.f32 v10, v9;
	v10 =	vmul.f32 v12, v12;
	v13 =	vld [tilespmem:s3+$0xF0]  }
0xfa: {  	v6 =	vadd.f32 v15, v6;
	v7 =	vadd.f32 v24, v7;
	v15 =	vld [tilespmem:s3+$0x80];
	v24 =	vmul.f32 v17, v17  }
0xfb: {  	v8 =	vadd.f32 v12, v8;
	v9 =	vadd.f32 v10, v9;
	v10 =	vmul.f32 v16, v16;
	v12 =	vld [tilespmem:s3+$0x110]  }
0xfc: {  	v6 =	vadd.f32 v21, v6;
	v7 =	vadd.f32 v23, v7;
	v21 =	vld [tilespmem:s3+$0xA0];
	v23 =	vmul.f32 v14, v14  }
0xfd: {  	v8 =	vadd.f32 v16, v8;
	v9 =	vadd.f32 v10, v9;
	v10 =	vmul.f32 v11, v11;
	v16 =	vld [tilespmem:s3+$0x130]  }
0xfe: {  	v6 =	vadd.f32 v19, v6;
	v7 =	vadd.f32 v20, v7;
	v19 =	vld [tilespmem:s3+$0xC0];
	v20 =	vmul.f32 v13, v13  }
0xff: {  	v8 =	vadd.f32 v11, v8;
	v9 =	vadd.f32 v10, v9;
	v10 =	vmul.f32 v15, v15;
	v11 =	vld [tilespmem:s3+$0x150]  }
0x100: {  	v6 =	vadd.f32 v18, v6;
	v7 =	vadd.f32 v22, v7;
	v18 =	vld [tilespmem:s3+$0xE0];
	v22 =	vmul.f32 v12, v12  }
0x101: {  	v8 =	vadd.f32 v15, v8;
	v9 =	vadd.f32 v10, v9;
	v10 =	vmul.f32 v21, v21;
	v15 =	vld [tilespmem:s3+$0x170]  }
0x102: {  	v6 =	vadd.f32 v17, v6;
	v7 =	vadd.f32 v24, v7;
	v17 =	vld [tilespmem:s3+$0x100];
	v24 =	vmul.f32 v16, v16  }
0x103: {  	v8 =	vadd.f32 v21, v8;
	v9 =	vadd.f32 v10, v9;
	v10 =	vmul.f32 v19, v19;
	v21 =	vld [tilespmem:s3+$0x190]  }
0x104: {  	v6 =	vadd.f32 v14, v6;
	v7 =	vadd.f32 v23, v7;
	v14 =	vld [tilespmem:s3+$0x120];
	v23 =	vmul.f32 v11, v11  }
0x105: {  	v8 =	vadd.f32 v19, v8;
	v9 =	vadd.f32 v10, v9;
	v10 =	vmul.f32 v18, v18;
	v19 =	vld [tilespmem:s3+$0x1B0]  }
0x106: {  	v6 =	vadd.f32 v13, v6;
	v7 =	vadd.f32 v20, v7;
	v13 =	vld [tilespmem:s3+$0x140];
	v20 =	vmul.f32 v15, v15  }
0x107: {  	v8 =	vadd.f32 v18, v8;
	v9 =	vadd.f32 v10, v9;
	v10 =	vmul.f32 v17, v17;
	v18 =	vld [tilespmem:s3+$0x1D0]  }
0x108: {  	v6 =	vadd.f32 v12, v6;
	v7 =	vadd.f32 v22, v7;
	v12 =	vld [tilespmem:s3+$0x160];
	v22 =	vmul.f32 v21, v21  }
0x109: {  	v8 =	vadd.f32 v17, v8;
	v9 =	vadd.f32 v10, v9;
	v10 =	vmul.f32 v14, v14;
	v17 =	vld [tilespmem:s3+$0x1F0]  }
0x10a: {  	v6 =	vadd.f32 v16, v6;
	v7 =	vadd.f32 v24, v7;
	v16 =	vld [tilespmem:s3+$0x180];
	v24 =	vmul.f32 v19, v19  }
0x10b: {  	v8 =	vadd.f32 v14, v8;
	v9 =	vadd.f32 v10, v9;
	v10 =	vmul.f32 v13, v13;
	v14 =	vld [tilespmem:s3+$0x210]  }
0x10c: {  	v6 =	vadd.f32 v11, v6;
	v7 =	vadd.f32 v23, v7;
	v11 =	vld [tilespmem:s3+$0x1A0];
	v23 =	vmul.f32 v18, v18  }
0x10d: {  	v8 =	vadd.f32 v13, v8;
	v9 =	vadd.f32 v10, v9;
	v10 =	vmul.f32 v12, v12;
	v13 =	vld [tilespmem:s3+$0x230]  }
0x10e: {  	v6 =	vadd.f32 v15, v6;
	v7 =	vadd.f32 v20, v7;
	v15 =	vld [tilespmem:s3+$0x1C0];
	v20 =	vmul.f32 v17, v17  }
0x10f: {  	v8 =	vadd.f32 v12, v8;
	v9 =	vadd.f32 v10, v9;
	v10 =	vmul.f32 v16, v16;
	v12 =	vld [tilespmem:s3+$0x250]  }
0x110: {  	v6 =	vadd.f32 v21, v6;
	v7 =	vadd.f32 v22, v7;
	v21 =	vld [tilespmem:s3+$0x1E0];
	v22 =	vmul.f32 v14, v14  }
0x111: {  	v8 =	vadd.f32 v16, v8;
	v9 =	vadd.f32 v10, v9;
	v10 =	vmul.f32 v11, v11;
	v16 =	vld [tilespmem:s3+$0x270]  }
0x112: {  	v6 =	vadd.f32 v19, v6;
	v7 =	vadd.f32 v24, v7;
	v19 =	vld [tilespmem:s3+$0x200];
	v24 =	vmul.f32 v13, v13  }
0x113: {  	v8 =	vadd.f32 v11, v8;
	v9 =	vadd.f32 v10, v9;
	v10 =	vmul.f32 v15, v15;
	v11 =	vld [tilespmem:s3+$0x290]  }
0x114: {  	v6 =	vadd.f32 v18, v6;
	v7 =	vadd.f32 v23, v7;
	v18 =	vld [tilespmem:s3+$0x220];
	v23 =	vmul.f32 v12, v12  }
0x115: {  	v8 =	vadd.f32 v15, v8;
	v9 =	vadd.f32 v10, v9;
	v10 =	vmul.f32 v21, v21;
	v15 =	vld [tilespmem:s3+$0x2B0]  }
0x116: {  	v6 =	vadd.f32 v17, v6;
	v7 =	vadd.f32 v20, v7;
	v17 =	vld [tilespmem:s3+$0x240];
	v20 =	vmul.f32 v16, v16  }
0x117: {  	v8 =	vadd.f32 v21, v8;
	v9 =	vadd.f32 v10, v9;
	v10 =	vmul.f32 v19, v19;
	v21 =	vld [tilespmem:s3+$0x2D0]  }
0x118: {  	v6 =	vadd.f32 v14, v6;
	v7 =	vadd.f32 v22, v7;
	v14 =	vld [tilespmem:s3+$0x260];
	v22 =	vmul.f32 v11, v11  }
0x119: {  	v8 =	vadd.f32 v19, v8;
	v9 =	vadd.f32 v10, v9;
	v10 =	vmul.f32 v18, v18;
	v19 =	vld [tilespmem:s3+$0x2F0]  }
0x11a: {  	v6 =	vadd.f32 v13, v6;
	v7 =	vadd.f32 v24, v7;
	v13 =	vld [tilespmem:s3+$0x280];
	v24 =	vmul.f32 v15, v15  }
0x11b: {  	v8 =	vadd.f32 v18, v8;
	v9 =	vadd.f32 v10, v9;
	v10 =	vmul.f32 v17, v17;
	v18 =	vld [tilespmem:s3+$0x310]  }
0x11c: {  	v6 =	vadd.f32 v12, v6;
	v7 =	vadd.f32 v23, v7;
	v12 =	vld [tilespmem:s3+$0x2A0];
	v23 =	vmul.f32 v21, v21  }
0x11d: {  	v8 =	vadd.f32 v17, v8;
	v9 =	vadd.f32 v10, v9;
	v10 =	vmul.f32 v14, v14;
	v17 =	vld [tilespmem:s3+$0x330]  }
0x11e: {  	v6 =	vadd.f32 v16, v6;
	v7 =	vadd.f32 v20, v7;
	v16 =	vld [tilespmem:s3+$0x2C0];
	v20 =	vmul.f32 v19, v19  }
0x11f: {  	v8 =	vadd.f32 v14, v8;
	v9 =	vadd.f32 v10, v9;
	v10 =	vmul.f32 v13, v13  }
0x120: {  	v6 =	vadd.f32 v11, v6;
	v11 =	vld [tilespmem:s3+$0x2E0];
	v14 =	vadd.f32 $0.0e+00, v18;
	v18 =	vmul.f32 v18, v18  }
0x121: {  	v8 =	vadd.f32 v13, v8;
	v9 =	vadd.f32 v10, v9;
	v10 =	vmul.f32 v12, v12;
	v13 =	vld [tilespmem:s3+$0x320]  }
0x122: {  	v7 =	vadd.f32 v22, v7;
	v6 =	vadd.f32 v15, v6;
	v15 =	vld [tilespmem:s3+$0x300];
	v22 =	vmul.f32 v17, v17  }
0x123: {  	v8 =	vadd.f32 v12, v8;
	v9 =	vadd.f32 v10, v9;
	v10 =	vmul.f32 v16, v16;
	v12 =	vld [tilespmem:s3+$0x340]  }
0x124: {  	v7 =	vadd.f32 v24, v7;
	v21 =	vadd.f32 v21, v6  }
0x125: {  	v8 =	vadd.f32 v16, v8;
	v9 =	vadd.f32 v10, v9;
	v10 =	vmul.f32 v11, v11  }
0x126: {  	v6 =	vadd.f32 v17, v14;
	v16 =	vadd.f32 $0.0e+00, v13  }
0x127: {  	v8 =	vadd.f32 v11, v8;
	v11 =	vadd.f32 v23, v7;
	v14 =	vmul.f32 v15, v15  }
0x128: {  	v10 =	vadd.f32 v10, v9;
	v7 =	vadd.f32 v12, v16  }
0x129: {  	v13 =	vmul.f32 v13, v13;
	v8 =	vadd.f32 v15, v8;
	v11 =	vadd.f32 v20, v11  }
0x12a: {  	v9 =	vadd.f32 v19, v21;
	v10 =	vadd.f32 v14, v10;
	v14 =	vld [tilespmem:s1+$0x0]  }
0x12b: {  	v12 =	vmul.f32 v12, v12;
	v11 =	vadd.f32 v18, v11;
	v15 =	vadd.f32 v7, v8;
	v16 =	vld [tilespmem:s1+$0x10]  }
0x12c: {  	v10 =	vadd.f32 v13, v10;
	v13 =	vadd.f32 v6, v9;
	v17 =	vld [tilespmem:s1+$0xFFFFFFE0]  }
0x12d: {  	v15 =	vmul.f32 v15, v15;
	v18 =	vld [tilespmem:s1+$0xFFFFFFF0]  }
0x12e: {  	v11 =	vadd.f32 v22, v11;
	v10 =	vadd.f32 v12, v10;
	v12 =	vmul.f32 v13, v13;
	_ =	sdelay $0x1  }
0x12f: {  	v11 =	vsub.f32 v12, v11;
	v10 =	vsub.f32 v15, v10;
	v12 =	vnsel vm0, $0x0, v16  }
0x130: {  	v12 =	vadd.f32 v12, v14  }
0x131: {  	v10 =	vadd.f32 v10, v11;
	v11 =	vadd.f32 v18, v17;
	_ =	sdelay $0x1  }
0x132: {  	v10 =	vmul.f32 $5.000000000e-01, v10;
	v11 =	vadd.f32 v12, v11;
	_ =	sdelay $0x1  }
0x133: {  	v10 =	vadd.f32 v11, v10;
	_ =	sdelay $0x1  }
0x134: {  	v11 =	vperm.xlane v10, v0;
	_ =	sdelay $0x1  }
0x135: {  	v10 =	vadd.f32 v10, v11;
	_ =	sdelay $0x1  }
0x136: {  	v11 =	vperm.xlane v10, v1;
	_ =	sdelay $0x1  }
0x137: {  	v10 =	vadd.f32 v10, v11;
	_ =	sdelay $0x1  }
0x138: {  	v11 =	vperm.xlane v10, v2;
	_ =	sdelay $0x1  }
0x139: {  	v10 =	vadd.f32 v10, v11;
	_ =	sdelay $0x1  }
0x13a: {  	v11 =	vperm.xlane v10, v3  }
.Ltmp0:
0x13b: {  	s19 =	sand.u32 $0xF, s19;
	(pc) =	sbr.rel @p1 .LBB2_3-.Ltmp0, $4  }
0x13c: {  	v10 =	vadd.f32 v10, v11;
	v11 =	vmov s19  }
0x13d: {  	vm1 =	veq.s32 v11, v4  }
0x13e: {  	p2 =	sne.s32 s19, $0xF;
	v5 =	vsel vm1, v10, v5  }
0x13f: {  	s11 =	sadd.s32 $0x20, s11;
	s12 =	sadd.s32 $0x20, s12;
	[tilespmem:s15+$0x0] =	vst @!p2 v5;
	s15 =	sadd.s32 $0x1, s15  }
0x140: {  	[tilespmem:s20+$0x0] =	vst v8  }
0x141: {  	[tilespmem:s20+$0xFFFFFFF0] =	vst v9  }
0x142: {  	[tilespmem:s16+$0xFFFFFFF0] =	vst v6  }
0x143: {  	[tilespmem:s16+$0x0] =	vst v7  }
0x144: {  	v5 =	vld [tilespmem:$0x1CAE0]  }
0x145: {  	v6 =	vld [tilespmem:$0x1CAC0];
	_ =	sdelay $0x4  }
0x146: {  	v6 =	vadd.f32 v6, v5;
	_ =	sdelay $0x1  }
0x147: {  	v6 =	vsub.f32 $0.0e+00, v6;
	_ =	sdelay $0x1  }
0x148: {  	v6 =	vmul.f32 $1.442695020e+00, v6;
	_ =	sdelay $0x1  }
0x149: {  	(erf) = vpow2.f32 v6;
	_ =	sdelay $0x1  }
0x14a: {  	v6 =	vld [tilespmem:$0x1CAD0];
	_ =	sdelay $0x4  }
0x14b: {  	v5 =	vadd.f32 v6, v5;
	_ =	sdelay $0x1  }
0x14c: {  	v5 =	vsub.f32 $0.0e+00, v5;
	v6 =	vpop (erf)  }
0x14d: {  	v6 =	vadd.f32 $1.000000000e+00, v6  }
0x14e: {  	v5 =	vmul.f32 $1.442695020e+00, v5  }
0x14f: {  	(erf) = vrcp.f32 v6  }
0x150: {  	(erf) = vpow2.f32 v5;
	_ =	sdelay $0x7  }
0x151: {  	v5 =	vpop (erf)  }
0x152: {  	v6 =	vpop (erf)  }
0x153: {  	v6 =	vadd.f32 $1.000000000e+00, v6;
	_ =	sdelay $0x1  }
0x154: {  	(erf) = vrcp.f32 v6;
	_ =	sdelay $0x7  }
0x155: {  	s3 =	sor.u32 s10, s0  }
0x156: {  	s1 =	sshll.u32 s3, $0x2;
	[tilespmem:$0x1CAA0] =	vst v5;
	v5 =	vpop (erf)  }
0x157: {  	s11 =	sadd.s32 s4, s1;
	[tilespmem:$0x1CAB0] =	vst v5  }
0x158: {  	[hbm4b:s11+s5] =	stream.linear.scatter [tilespmem:s26], [sflag:$0x5], $0x400, $0x38;
	[tilespmem:$0x1CAF0] =	vst v63  }
0x159: {  	_ =	swait.ge [sflag:s17], $0x400  }
0x15a: {  	[sflag:s17] =	ssyncset.done $0x0  }
0x15b: {  	s1 =	sadd.s32 s9, s1;
	[sflag:s17] =	ssyncadd.s32 $0xFFFFFC00  }
0x15c: {  	[hbm4b:s1+s5] =	stream.linear.scatter [tilespmem:s28], [sflag:$0x5], $0x400, $0x38;
	[tilespmem:$0x1CAF0] =	vst v63  }
0x15d: {  	_ =	swait.ge [sflag:s17], $0x400  }
0x15e: {  	s20 =	sshrl.u32 s3, $0x3;
	[sflag:s17] =	ssyncset.done $0x0  }
0x15f: {  	s1 =	sadd.s32 s2, s20;
	[sflag:s17] =	ssyncadd.s32 $0xFFFFFC00  }
0x160: {  	[hbm4b:s1+s5] =	stream.linear.scatter [tilespmem:s29], [sflag:$0x5], $0x20, $0x38;
	[tilespmem:$0x1CAF0] =	vst v63  }
0x161: {  	_ =	swait.ge [sflag:s17], $0x20  }
0x162: {  	[sflag:s17] =	ssyncset.done $0x0  }
0x163: {  	s1 =	simm.s32 @p0 $0x4;
	[sflag:s17] =	ssyncadd.s32 $0xFFFFFFE0  }
0x164: {  	_ =	swait.ge @p0 [sflag:s1], $0xD400  }
0x165: {  	[sflag:s1] =	ssyncset.done @p0 $0x0  }
0x166: {  	[sflag:s1] =	ssyncadd.s32 @p0 $0xFFFF2C00  }
0x167: {  	_ =	swait.ge @p0 [sflag:s1], $0x6A0  }
0x168: {  	[sflag:s1] =	ssyncset.done @p0 $0x0  }
0x169: {  	[sflag:s1] =	ssyncadd.s32 @p0 $0xFFFFF960;
	s1 =	simm.s32 @!p0 $0x1  }
0x16a: {  	_ =	swait.ge @!p0 [sflag:s1], $0x6A0  }
0x16b: {  	s12 =	simm.s32 @!p0 $0xD40;
	[sflag:s1] =	ssyncset.done @!p0 $0x0  }
0x16c: {  	s11 =	simm.s32 @!p0 $0x0;
	[sflag:s1] =	ssyncadd.s32 @!p0 $0xFFFFF960;
	s1 =	simm.s32 @!p0 $0x6A0  }
0x16d: {  	[tilespmem:s12], [sflag:$0x3] =	stream.indirect.gather @!p0 [hbm4b:s7+s1], $0x20, s11, s1, $0xb8;
	[tilespmem:$0x1CAF0] =	vst v63  }
0x16e: {  	s12 =	simm.s32 @!p0 $0x1B540  }
0x16f: {  	[tilespmem:s12], [sflag:$0x3] =	stream.indirect.gather @!p0 [hbm4b:s8+s1], $0x1, s11, s1, $0xb8;
	[tilespmem:$0x1CAF0] =	vst v63  }
0x170: {  	s12 =	simm.s32 @!p0 $0x4  }
0x171: {  	_ =	swait.ge @!p0 [sflag:s12], $0xD400  }
0x172: {  	s0 =	sadd.s32 @!p0 s0, s14;
	[sflag:s12] =	ssyncset.done @!p0 $0x0  }
0x173: {  	s0 =	smul.u32 @!p0 $0x35, s0;
	[sflag:s12] =	ssyncadd.s32 @!p0 $0xFFFF2C00  }
0x174: {  	_ =	swait.ge @!p0 [sflag:s12], $0x6A0  }
0x175: {  	s0 =	sshrl.u32 @!p0 s0, $0x3;
	[sflag:s12] =	ssyncset.done @!p0 $0x0  }
0x176: {  	s0 =	sadd.s32 @!p0 s6, s0;
	[sflag:s12] =	ssyncadd.s32 @!p0 $0xFFFFF960  }
0x177: {  	[tilespmem:s1], [sflag:$0x2] =	stream.linear.gather @!p0 [hbm4b:s0+s11], $0x6A0, $0x38;
	[tilespmem:$0x1CAF0] =	vst v63  }
0x178: {  	s0 =	simm.s32 $0xE490  }
0x179: {  	v5 =	vld [tilespmem:s0+$0xFFFFFD10]  }
0x17a: {  	v6 =	vld [tilespmem:s0+$0xFFFFFCF0]  }
0x17b: {  	v7 =	vld [tilespmem:s0+$0xFFFFFCD0]  }
0x17c: {  	v8 =	vld [tilespmem:s0+$0xFFFFFCB0]  }
0x17d: {  	v11 =	vld [tilespmem:s0+$0xFFFFFCC0]  }
0x17e: {  	v9 =	vld [tilespmem:s0+$0xFFFFFD30]  }
0x17f: {  	v10 =	vld [tilespmem:s0+$0xFFFFFCE0]  }
0x180: {  	v12 =	vld [tilespmem:s0+$0xFFFFFD50]  }
0x181: {  	v15 =	vld [tilespmem:s0+$0xFFFFFD00];
	v13 =	vadd.f32 $0.0e+00, v8;
	v8 =	vmul.f32 v8, v8;
	v14 =	vmul.f32 v7, v7  }
0x182: {  	v16 =	vld [tilespmem:s0+$0xFFFFFD70];
	v19 =	vadd.f32 $0.0e+00, v11  }
0x183: {  	v29 =	vld [tilespmem:s0+$0xFFFFFD20];
	v17 =	vmul.f32 v6, v6;
	v7 =	vadd.f32 v7, v13;
	v8 =	vadd.f32 v14, v8  }
0x184: {  	v30 =	vld [tilespmem:s0+$0xFFFFFD90];
	v18 =	vmul.f32 v10, v10;
	v11 =	vmul.f32 v11, v11;
	v10 =	vadd.f32 v10, v19  }
0x185: {  	v20 =	vmul.f32 v5, v5;
	v6 =	vadd.f32 v6, v7;
	v7 =	vadd.f32 v17, v8;
	v8 =	vld [tilespmem:s0+$0xFFFFFD40]  }
0x186: {  	v31 =	vld [tilespmem:s0+$0xFFFFFDB0];
	v32 =	vmul.f32 v15, v15;
	v11 =	vadd.f32 v18, v11;
	v10 =	vadd.f32 v15, v10  }
0x187: {  	v33 =	vmul.f32 v9, v9;
	v5 =	vadd.f32 v5, v6;
	v6 =	vadd.f32 v20, v7;
	v7 =	vld [tilespmem:s0+$0xFFFFFD60]  }
0x188: {  	v34 =	vld [tilespmem:s0+$0xFFFFFDD0];
	v35 =	vmul.f32 v29, v29;
	v11 =	vadd.f32 v32, v11;
	v10 =	vadd.f32 v29, v10  }
0x189: {  	v36 =	vmul.f32 v12, v12;
	v5 =	vadd.f32 v9, v5;
	v6 =	vadd.f32 v33, v6;
	v9 =	vld [tilespmem:s0+$0xFFFFFD80]  }
0x18a: {  	v37 =	vld [tilespmem:s0+$0xFFFFFDF0];
	v11 =	vadd.f32 v35, v11;
	v38 =	vmul.f32 v8, v8;
	v8 =	vadd.f32 v8, v10  }
0x18b: {  	v40 =	vld [tilespmem:s0+$0xFFFFFDA0];
	v39 =	vmul.f32 v16, v16;
	v5 =	vadd.f32 v12, v5;
	v6 =	vadd.f32 v36, v6  }
0x18c: {  	v41 =	vld [tilespmem:s0+$0xFFFFFE10];
	v10 =	vadd.f32 v38, v11;
	v11 =	vmul.f32 v7, v7;
	v7 =	vadd.f32 v7, v8  }
0x18d: {  	v43 =	vld [tilespmem:s0+$0xFFFFFDC0];
	v42 =	vmul.f32 v30, v30;
	v5 =	vadd.f32 v16, v5;
	v6 =	vadd.f32 v39, v6  }
0x18e: {  	v44 =	vld [tilespmem:s0+$0xFFFFFE30];
	v8 =	vadd.f32 v11, v10;
	v10 =	vmul.f32 v9, v9;
	v7 =	vadd.f32 v9, v7  }
0x18f: {  	v45 =	vld [tilespmem:s0+$0xFFFFFDE0];
	v11 =	vmul.f32 v31, v31;
	v5 =	vadd.f32 v30, v5;
	v6 =	vadd.f32 v42, v6  }
0x190: {  	v46 =	vld [tilespmem:s0+$0xFFFFFE50];
	v9 =	vmul.f32 v40, v40;
	v8 =	vadd.f32 v10, v8;
	v7 =	vadd.f32 v40, v7  }
0x191: {  	v10 =	vmul.f32 v34, v34;
	v5 =	vadd.f32 v31, v5;
	v6 =	vadd.f32 v11, v6;
	v11 =	vld [tilespmem:s0+$0xFFFFFE00]  }
0x192: {  	v47 =	vld [tilespmem:s0+$0xFFFFFE70];
	v8 =	vadd.f32 v9, v8;
	v9 =	vmul.f32 v43, v43;
	v7 =	vadd.f32 v43, v7  }
0x193: {  	v48 =	vmul.f32 v37, v37;
	v5 =	vadd.f32 v34, v5;
	v6 =	vadd.f32 v10, v6;
	v10 =	vld [tilespmem:s0+$0xFFFFFE20]  }
0x194: {  	v49 =	vld [tilespmem:s0+$0xFFFFFE90];
	v8 =	vadd.f32 v9, v8;
	v9 =	vmul.f32 v45, v45;
	v7 =	vadd.f32 v45, v7  }
0x195: {  	v51 =	vld [tilespmem:s0+$0xFFFFFE40];
	v50 =	vmul.f32 v41, v41;
	v5 =	vadd.f32 v37, v5;
	v6 =	vadd.f32 v48, v6  }
0x196: {  	v52 =	vld [tilespmem:s0+$0xFFFFFEB0];
	v8 =	vadd.f32 v9, v8;
	v9 =	vmul.f32 v11, v11;
	v7 =	vadd.f32 v11, v7  }
0x197: {  	v54 =	vld [tilespmem:s0+$0xFFFFFE60];
	v53 =	vmul.f32 v44, v44;
	v5 =	vadd.f32 v41, v5;
	v6 =	vadd.f32 v50, v6  }
0x198: {  	v55 =	vld [tilespmem:s0+$0xFFFFFED0];
	v8 =	vadd.f32 v9, v8;
	v9 =	vmul.f32 v10, v10;
	v7 =	vadd.f32 v10, v7  }
0x199: {  	v56 =	vld [tilespmem:s0+$0xFFFFFE80];
	v11 =	vmul.f32 v46, v46;
	v5 =	vadd.f32 v44, v5;
	v6 =	vadd.f32 v53, v6  }
0x19a: {  	v57 =	vld [tilespmem:s0+$0xFFFFFEF0];
	v8 =	vadd.f32 v9, v8;
	v9 =	vmul.f32 v51, v51;
	v7 =	vadd.f32 v51, v7  }
0x19b: {  	v10 =	vmul.f32 v47, v47;
	v5 =	vadd.f32 v46, v5;
	v6 =	vadd.f32 v11, v6;
	v11 =	vld [tilespmem:s0+$0xFFFFFEA0]  }
0x19c: {  	v58 =	vld [tilespmem:s0+$0xFFFFFF10];
	v8 =	vadd.f32 v9, v8;
	v9 =	vmul.f32 v54, v54;
	v7 =	vadd.f32 v54, v7  }
0x19d: {  	v59 =	vmul.f32 v49, v49;
	v5 =	vadd.f32 v47, v5;
	v6 =	vadd.f32 v10, v6;
	v10 =	vld [tilespmem:s0+$0xFFFFFEC0]  }
0x19e: {  	v60 =	vld [tilespmem:s0+$0xFFFFFF30];
	v8 =	vadd.f32 v9, v8;
	v9 =	vmul.f32 v56, v56;
	v7 =	vadd.f32 v56, v7  }
0x19f: {  	v62 =	vld [tilespmem:s0+$0xFFFFFEE0];
	v61 =	vmul.f32 v52, v52;
	v5 =	vadd.f32 v49, v5;
	v6 =	vadd.f32 v59, v6  }
0x1a0: {  	v63 =	vld [tilespmem:s0+$0xFFFFFF50];
	v8 =	vadd.f32 v9, v8;
	v9 =	vmul.f32 v11, v11;
	v7 =	vadd.f32 v11, v7  }
0x1a1: {  	v24 =	vld [tilespmem:s0+$0xFFFFFF00];
	v23 =	vmul.f32 v55, v55;
	v5 =	vadd.f32 v52, v5;
	v6 =	vadd.f32 v61, v6  }
0x1a2: {  	v25 =	vld [tilespmem:s0+$0xFFFFFF70];
	v8 =	vadd.f32 v9, v8;
	v9 =	vmul.f32 v10, v10;
	v7 =	vadd.f32 v10, v7  }
0x1a3: {  	v26 =	vld [tilespmem:s0+$0xFFFFFF20];
	v11 =	vmul.f32 v57, v57;
	v5 =	vadd.f32 v55, v5;
	v6 =	vadd.f32 v23, v6  }
0x1a4: {  	v27 =	vld [tilespmem:s0+$0xFFFFFF90];
	v8 =	vadd.f32 v9, v8;
	v9 =	vmul.f32 v62, v62;
	v7 =	vadd.f32 v62, v7  }
0x1a5: {  	v10 =	vmul.f32 v58, v58;
	v5 =	vadd.f32 v57, v5;
	v6 =	vadd.f32 v11, v6;
	v11 =	vld [tilespmem:s0+$0xFFFFFF40]  }
0x1a6: {  	v28 =	vld [tilespmem:s0+$0xFFFFFFB0];
	v8 =	vadd.f32 v9, v8;
	v9 =	vmul.f32 v24, v24;
	v7 =	vadd.f32 v24, v7  }
0x1a7: {  	v29 =	vmul.f32 v60, v60;
	v5 =	vadd.f32 v58, v5;
	v6 =	vadd.f32 v10, v6;
	v10 =	vld [tilespmem:s0+$0xFFFFFF60]  }
0x1a8: {  	v32 =	vld [tilespmem:s0+$0xFFFFFF80];
	v8 =	vadd.f32 v9, v8;
	v9 =	vmul.f32 v26, v26;
	v7 =	vadd.f32 v26, v7  }
0x1a9: {  	v35 =	vld [tilespmem:s0+$0xFFFFFFA0];
	v31 =	vmul.f32 v63, v63;
	v5 =	vadd.f32 v60, v5;
	v6 =	vadd.f32 v29, v6  }
0x1aa: {  	v33 =	vld [tilespmem:s0+$0xFFFFFFF0];
	v8 =	vadd.f32 v9, v8;
	v9 =	vmul.f32 v11, v11;
	v7 =	vadd.f32 v11, v7  }
0x1ab: {  	v36 =	vld [tilespmem:s0+$0x10];
	v34 =	vmul.f32 v25, v25;
	v5 =	vadd.f32 v63, v5;
	v6 =	vadd.f32 v31, v6  }
0x1ac: {  	v30 =	vld [tilespmem:s0+$0xFFFFFFD0];
	v8 =	vadd.f32 v9, v8;
	v9 =	vmul.f32 v10, v10;
	v7 =	vadd.f32 v10, v7  }
0x1ad: {  	v37 =	vld [tilespmem:s0+$0xFFFFFFC0];
	v11 =	vmul.f32 v27, v27;
	v5 =	vadd.f32 v25, v5;
	v6 =	vadd.f32 v34, v6  }
0x1ae: {  	v38 =	vld [tilespmem:s0+$0x30];
	v8 =	vadd.f32 v9, v8;
	v9 =	vmul.f32 v32, v32;
	v7 =	vadd.f32 v32, v7  }
0x1af: {  	v10 =	vmul.f32 v28, v28;
	v5 =	vadd.f32 v27, v5;
	v6 =	vadd.f32 v11, v6;
	v11 =	vld [tilespmem:s0+$0xFFFFFFE0]  }
0x1b0: {  	v39 =	vld [tilespmem:s0+$0x50];
	v8 =	vadd.f32 v9, v8;
	v9 =	vmul.f32 v35, v35;
	v7 =	vadd.f32 v35, v7  }
0x1b1: {  	v40 =	vmul.f32 v30, v30;
	v5 =	vadd.f32 v28, v5;
	v6 =	vadd.f32 v10, v6;
	v10 =	vld [tilespmem:s0+$0x0]  }
0x1b2: {  	v43 =	vld [tilespmem:s0+$0x20];
	v8 =	vadd.f32 v9, v8;
	v9 =	vmul.f32 v37, v37;
	v7 =	vadd.f32 v37, v7  }
0x1b3: {  	v42 =	vmul.f32 v33, v33;
	v48 =	vld [tilespmem:s0+$0x60];
	v5 =	vadd.f32 v30, v5;
	v6 =	vadd.f32 v40, v6  }
0x1b4: {  	v41 =	vld [tilespmem:s0+$0x70];
	v8 =	vadd.f32 v9, v8;
	v9 =	vmul.f32 v11, v11;
	v7 =	vadd.f32 v11, v7  }
0x1b5: {  	v45 =	vmul.f32 v36, v36;
	v46 =	vld [tilespmem:s0+$0x40];
	v5 =	vadd.f32 v33, v5;
	v6 =	vadd.f32 v42, v6  }
0x1b6: {  	v50 =	vld [tilespmem:s0+$0xF0];
	v8 =	vadd.f32 v9, v8;
	v9 =	vmul.f32 v10, v10;
	v7 =	vadd.f32 v10, v7  }
0x1b7: {  	v44 =	vld [tilespmem:s0+$0x90];
	v11 =	vmul.f32 v38, v38;
	v5 =	vadd.f32 v36, v5;
	v6 =	vadd.f32 v45, v6  }
0x1b8: {  	v54 =	vld [tilespmem:s0+$0xC0];
	v8 =	vadd.f32 v9, v8;
	v9 =	vmul.f32 v43, v43;
	v7 =	vadd.f32 v43, v7  }
0x1b9: {  	v10 =	vmul.f32 v39, v39;
	v5 =	vadd.f32 v38, v5;
	v6 =	vadd.f32 v11, v6;
	v11 =	vld [tilespmem:s0+$0x80]  }
0x1ba: {  	v47 =	vld [tilespmem:s0+$0xB0];
	v8 =	vadd.f32 v9, v8;
	v9 =	vmul.f32 v46, v46;
	v7 =	vadd.f32 v46, v7  }
0x1bb: {  	v5 =	vadd.f32 v39, v5;
	v6 =	vadd.f32 v10, v6;
	v10 =	vld [tilespmem:s0+$0xA0]  }
0x1bc: {  	v51 =	vmul.f32 v41, v41;
	v49 =	vld [tilespmem:s0+$0xD0];
	v8 =	vadd.f32 v9, v8;
	v9 =	vmul.f32 v48, v48  }
0x1bd: {  	v53 =	vmul.f32 v44, v44;
	v59 =	vld [tilespmem:s0+$0x100];
	v7 =	vadd.f32 v48, v7;
	v5 =	vadd.f32 v41, v5  }
0x1be: {  	v52 =	vld [tilespmem:s0+$0x110];
	v6 =	vadd.f32 v51, v6;
	v8 =	vadd.f32 v9, v8;
	v9 =	vmul.f32 v11, v11  }
0x1bf: {  	v61 =	vld [tilespmem:s0+$0x190];
	v56 =	vmul.f32 v47, v47;
	v7 =	vadd.f32 v11, v7;
	v5 =	vadd.f32 v44, v5  }
0x1c0: {  	v57 =	vld [tilespmem:s0+$0xE0];
	v6 =	vadd.f32 v53, v6;
	v8 =	vadd.f32 v9, v8;
	v9 =	vmul.f32 v10, v10  }
0x1c1: {  	v43 =	vld [tilespmem:s0+$0x310];
	v11 =	vmul.f32 v49, v49;
	v7 =	vadd.f32 v10, v7;
	v5 =	vadd.f32 v47, v5  }
0x1c2: {  	v55 =	vld [tilespmem:s0+$0x130];
	v6 =	vadd.f32 v56, v6;
	v8 =	vadd.f32 v9, v8;
	v9 =	vmul.f32 v54, v54  }
0x1c3: {  	v23 =	vld [tilespmem:s0+$0x160];
	v7 =	vadd.f32 v54, v7;
	v5 =	vadd.f32 v49, v5  }
0x1c4: {  	v10 =	vmul.f32 v50, v50;
	v6 =	vadd.f32 v11, v6;
	v11 =	vld [tilespmem:s0+$0x120];
	v8 =	vadd.f32 v9, v8  }
0x1c5: {  	v58 =	vld [tilespmem:s0+$0x150];
	v9 =	vmul.f32 v57, v57;
	v7 =	vadd.f32 v57, v7;
	v5 =	vadd.f32 v50, v5  }
0x1c6: {  	v62 =	vmul.f32 v52, v52;
	v6 =	vadd.f32 v10, v6;
	v10 =	vld [tilespmem:s0+$0x140];
	v50 =	vadd.f32 $0.0e+00, v43  }
0x1c7: {  	v60 =	vld [tilespmem:s0+$0x170];
	v8 =	vadd.f32 v9, v8;
	v9 =	vmul.f32 v59, v59;
	v7 =	vadd.f32 v59, v7  }
0x1c8: {  	v24 =	vld [tilespmem:s0+$0x1D0];
	v22 =	vmul.f32 v55, v55;
	v5 =	vadd.f32 v52, v5;
	v6 =	vadd.f32 v62, v6  }
0x1c9: {  	v26 =	vld [tilespmem:s0+$0x180];
	v8 =	vadd.f32 v9, v8;
	v9 =	vmul.f32 v11, v11;
	v7 =	vadd.f32 v11, v7  }
0x1ca: {  	v29 =	vld [tilespmem:s0+$0x210];
	v25 =	vmul.f32 v58, v58;
	v5 =	vadd.f32 v55, v5;
	v6 =	vadd.f32 v22, v6  }
0x1cb: {  	v63 =	vld [tilespmem:s0+$0x1B0];
	v8 =	vadd.f32 v9, v8;
	v9 =	vmul.f32 v10, v10;
	v7 =	vadd.f32 v10, v7  }
0x1cc: {  	v28 =	vld [tilespmem:s0+$0x1A0];
	v11 =	vmul.f32 v60, v60;
	v5 =	vadd.f32 v58, v5;
	v6 =	vadd.f32 v25, v6  }
0x1cd: {  	v34 =	vld [tilespmem:s0+$0x200];
	v8 =	vadd.f32 v9, v8;
	v9 =	vmul.f32 v23, v23;
	v7 =	vadd.f32 v23, v7  }
0x1ce: {  	v10 =	vmul.f32 v61, v61;
	v5 =	vadd.f32 v60, v5;
	v6 =	vadd.f32 v11, v6;
	v11 =	vld [tilespmem:s0+$0x1C0]  }
0x1cf: {  	v27 =	vld [tilespmem:s0+$0x1F0];
	v8 =	vadd.f32 v9, v8;
	v9 =	vmul.f32 v26, v26;
	v7 =	vadd.f32 v26, v7  }
0x1d0: {  	v31 =	vmul.f32 v63, v63;
	v5 =	vadd.f32 v61, v5;
	v6 =	vadd.f32 v10, v6;
	v10 =	vld [tilespmem:s0+$0x1E0]  }
0x1d1: {  	v32 =	vld [tilespmem:s0+$0x250];
	v8 =	vadd.f32 v9, v8;
	v9 =	vmul.f32 v28, v28;
	v7 =	vadd.f32 v28, v7  }
0x1d2: {  	v35 =	vld [tilespmem:s0+$0x270];
	v33 =	vmul.f32 v24, v24;
	v5 =	vadd.f32 v63, v5;
	v6 =	vadd.f32 v31, v6  }
0x1d3: {  	v30 =	vld [tilespmem:s0+$0x230];
	v8 =	vadd.f32 v9, v8;
	v9 =	vmul.f32 v11, v11;
	v7 =	vadd.f32 v11, v7  }
0x1d4: {  	v37 =	vld [tilespmem:s0+$0x220];
	v36 =	vmul.f32 v27, v27;
	v5 =	vadd.f32 v24, v5;
	v6 =	vadd.f32 v33, v6  }
0x1d5: {  	v40 =	vld [tilespmem:s0+$0x2B0];
	v8 =	vadd.f32 v9, v8;
	v9 =	vmul.f32 v10, v10;
	v7 =	vadd.f32 v10, v7  }
0x1d6: {  	v39 =	vld [tilespmem:s0+$0x240];
	v11 =	vmul.f32 v29, v29;
	v5 =	vadd.f32 v27, v5;
	v6 =	vadd.f32 v36, v6  }
0x1d7: {  	v45 =	vld [tilespmem:s0+$0x2A0];
	v8 =	vadd.f32 v9, v8;
	v9 =	vmul.f32 v34, v34;
	v7 =	vadd.f32 v34, v7  }
0x1d8: {  	v10 =	vmul.f32 v30, v30;
	v5 =	vadd.f32 v29, v5;
	v6 =	vadd.f32 v11, v6;
	v11 =	vld [tilespmem:s0+$0x260]  }
0x1d9: {  	v38 =	vld [tilespmem:s0+$0x290];
	v8 =	vadd.f32 v9, v8;
	v9 =	vmul.f32 v37, v37;
	v7 =	vadd.f32 v37, v7  }
0x1da: {  	v42 =	vmul.f32 v32, v32;
	v5 =	vadd.f32 v30, v5;
	v6 =	vadd.f32 v10, v6;
	v10 =	vld [tilespmem:s0+$0x280]  }
0x1db: {  	v46 =	vld [tilespmem:s0+$0x2F0];
	v8 =	vadd.f32 v9, v8;
	v9 =	vmul.f32 v39, v39;
	v7 =	vadd.f32 v39, v7  }
0x1dc: {  	v48 =	vld [tilespmem:s0+$0x330];
	v44 =	vmul.f32 v35, v35;
	v5 =	vadd.f32 v32, v5;
	v6 =	vadd.f32 v42, v6  }
0x1dd: {  	v41 =	vld [tilespmem:s0+$0x2D0];
	v8 =	vadd.f32 v9, v8;
	v9 =	vmul.f32 v11, v11;
	v7 =	vadd.f32 v11, v7  }
0x1de: {  	v47 =	vld [tilespmem:s0+$0x2C0];
	v11 =	vmul.f32 v38, v38;
	v5 =	vadd.f32 v35, v5;
	v6 =	vadd.f32 v44, v6  }
0x1df: {  	v49 =	vld [tilespmem:s0+$0x2E0];
	v8 =	vadd.f32 v9, v8;
	v9 =	vmul.f32 v10, v10;
	v7 =	vadd.f32 v10, v7  }
0x1e0: {  	v21 =	vmul.f32 v40, v40;
	v10 =	vld [tilespmem:s0+$0x320];
	v5 =	vadd.f32 v38, v5;
	v6 =	vadd.f32 v11, v6  }
0x1e1: {  	v51 =	vld [tilespmem:s0+$0x340];
	v8 =	vadd.f32 v9, v8;
	v9 =	vmul.f32 v45, v45;
	v7 =	vadd.f32 v45, v7  }
0x1e2: {  	v11 =	vld [tilespmem:s0+$0x300];
	v5 =	vadd.f32 v40, v5;
	v52 =	vadd.f32 v21, v6  }
0x1e3: {  	v6 =	vadd.f32 v48, v50;
	v8 =	vadd.f32 v9, v8;
	v9 =	vmul.f32 v47, v47  }
0x1e4: {  	v15 =	vmul.f32 v41, v41;
	v7 =	vadd.f32 v47, v7;
	v5 =	vadd.f32 v41, v5  }
0x1e5: {  	v53 =	vadd.f32 $0.0e+00, v10;
	v8 =	vadd.f32 v9, v8;
	v9 =	vmul.f32 v49, v49  }
0x1e6: {  	v54 =	vmul.f32 v46, v46;
	v15 =	vadd.f32 v15, v52;
	v18 =	vadd.f32 v49, v7  }
0x1e7: {  	v55 =	vmul.f32 v11, v11;
	v7 =	vadd.f32 v51, v53;
	v56 =	vadd.f32 v9, v8  }
0x1e8: {  	s1 =	simm.s32 $0x1BC10;
	v57 =	vmul.f32 v43, v43;
	v8 =	vadd.f32 v11, v18;
	v11 =	vadd.f32 v54, v15  }
0x1e9: {  	v62 =	vld [tilespmem:s1+$0xFFFFFFE0];
	v10 =	vmul.f32 v10, v10;
	v9 =	vadd.f32 v46, v5;
	v5 =	vadd.f32 v55, v56  }
0x1ea: {  	v12 =	vmul.f32 v51, v51;
	v61 =	vld [tilespmem:s1+$0x10];
	v11 =	vadd.f32 v57, v11;
	v60 =	vadd.f32 v7, v8  }
0x1eb: {  	v59 =	vmul.f32 v48, v48;
	v58 =	vld [tilespmem:s1+$0x0];
	v5 =	vadd.f32 v10, v5;
	v10 =	vadd.f32 v6, v9  }
0x1ec: {  	v63 =	vld [tilespmem:s1+$0xFFFFFFF0];
	v13 =	vmul.f32 v60, v60  }
0x1ed: {  	v11 =	vadd.f32 v59, v11;
	v5 =	vadd.f32 v12, v5;
	v10 =	vmul.f32 v10, v10;
	_ =	sdelay $0x1  }
0x1ee: {  	v10 =	vsub.f32 v10, v11;
	v5 =	vsub.f32 v13, v5;
	v11 =	vnsel vm0, $0x0, v61  }
0x1ef: {  	v11 =	vadd.f32 v11, v58  }
0x1f0: {  	v5 =	vadd.f32 v5, v10;
	v10 =	vadd.f32 v63, v62;
	_ =	sdelay $0x1  }
0x1f1: {  	v5 =	vmul.f32 $5.000000000e-01, v5;
	v10 =	vadd.f32 v11, v10;
	_ =	sdelay $0x1  }
0x1f2: {  	v5 =	vadd.f32 v10, v5;
	_ =	sdelay $0x1  }
0x1f3: {  	v10 =	vperm.xlane v5, v0;
	_ =	sdelay $0x1  }
0x1f4: {  	v5 =	vadd.f32 v5, v10;
	_ =	sdelay $0x1  }
0x1f5: {  	v10 =	vperm.xlane v5, v1;
	_ =	sdelay $0x1  }
0x1f6: {  	v5 =	vadd.f32 v5, v10;
	_ =	sdelay $0x1  }
0x1f7: {  	v10 =	vperm.xlane v5, v2;
	_ =	sdelay $0x1  }
0x1f8: {  	v5 =	vadd.f32 v5, v10;
	_ =	sdelay $0x1  }
0x1f9: {  	s21 =	simm.s32 $0x0;
	v10 =	vperm.xlane v5, v3  }
0x1fa: {  	s11 =	sand.u32 $0xF, s21  }
0x1fb: {  	v5 =	vadd.f32 v5, v10;
	v10 =	vmov s11  }
0x1fc: {  	s15 =	simm.s32 $0x1CAB2;
	s16 =	simm.s32 $0x1C6B0;
	v11 =	vimm.f32 $0.0e+00;
	vm1 =	veq.s32 v10, v4  }
0x1fd: {  	s20 =	simm.s32 $0x1C2B0;
	s12 =	simm.s32 $0x1CAB1;
	p0 =	sne.s32 s11, $0xF;
	v5 =	vsel vm1, v5, v11  }
0x1fe: {  	s21 =	simm.s32 $0x1;
	s11 =	simm.s32 $0x1C2D0;
	[tilespmem:s12+$0x0] =	vst @!p0 v5;
	s12 =	simm.s32 $0x1C6D0  }
.LBB2_5:
0x1ff: {  	s0 =	sadd.s32 $0x6A0, s0  }
0x200: {  	s1 =	sadd.s32 $0x35, s1;
	s19 =	smov.u32 s21;
	s21 =	sadd.s32 $0x1, s21  }
0x201: {  	p0 =	sne.s32 s21, $0x20;
	_ =	sdelay $0x1  }
0x202: {  	[tilespmem:s20+$0x0] =	vst v8  }
0x203: {  	[tilespmem:s20+$0xFFFFFFF0] =	vst v9;
	s20 =	smov.u32 s11  }
0x204: {  	[tilespmem:s16+$0xFFFFFFF0] =	vst v6  }
0x205: {  	[tilespmem:s16+$0x0] =	vst v7;
	s16 =	smov.u32 s12  }
0x206: {  	v6 =	vld [tilespmem:s0+$0xFFFFFD10]  }
0x207: {  	v7 =	vld [tilespmem:s0+$0xFFFFFCF0]  }
0x208: {  	v8 =	vld [tilespmem:s0+$0xFFFFFCD0]  }
0x209: {  	v9 =	vld [tilespmem:s0+$0xFFFFFD30]  }
0x20a: {  	v10 =	vld [tilespmem:s0+$0xFFFFFCB0]  }
0x20b: {  	v11 =	vmul.f32 v6, v6;
	v12 =	vld [tilespmem:s0+$0xFFFFFD50]  }
0x20c: {  	v13 =	vld [tilespmem:s0+$0xFFFFFCE0]  }
0x20d: {  	v14 =	vld [tilespmem:s0+$0xFFFFFCC0]  }
0x20e: {  	v15 =	vmul.f32 v9, v9;
	v16 =	vld [tilespmem:s0+$0xFFFFFD70]  }
0x20f: {  	v18 =	vmul.f32 v8, v8;
	v17 =	vadd.f32 $0.0e+00, v10;
	v10 =	vmul.f32 v10, v10;
	v19 =	vld [tilespmem:s0+$0xFFFFFD00]  }
0x210: {  	v20 =	vmul.f32 v7, v7;
	v21 =	vmul.f32 v12, v12;
	v22 =	vld [tilespmem:s0+$0xFFFFFD90]  }
0x211: {  	v8 =	vadd.f32 v8, v17;
	v10 =	vadd.f32 v18, v10;
	v17 =	vmul.f32 v13, v13;
	v18 =	vld [tilespmem:s0+$0xFFFFFD20]  }
0x212: {  	v23 =	vadd.f32 $0.0e+00, v14;
	v14 =	vmul.f32 v14, v14;
	v24 =	vld [tilespmem:s0+$0xFFFFFDB0]  }
0x213: {  	v7 =	vadd.f32 v7, v8;
	v8 =	vadd.f32 v20, v10;
	v10 =	vld [tilespmem:s0+$0xFFFFFD40];
	v20 =	vmul.f32 v16, v16  }
0x214: {  	v13 =	vadd.f32 v13, v23;
	v14 =	vadd.f32 v17, v14;
	v17 =	vmul.f32 v19, v19;
	v23 =	vld [tilespmem:s0+$0xFFFFFDD0]  }
0x215: {  	v6 =	vadd.f32 v6, v7;
	v7 =	vadd.f32 v11, v8;
	v8 =	vld [tilespmem:s0+$0xFFFFFD60];
	v11 =	vmul.f32 v22, v22  }
0x216: {  	v13 =	vadd.f32 v19, v13;
	v14 =	vadd.f32 v17, v14;
	v17 =	vmul.f32 v18, v18;
	v19 =	vld [tilespmem:s0+$0xFFFFFDF0]  }
0x217: {  	v6 =	vadd.f32 v9, v6;
	v7 =	vadd.f32 v15, v7;
	v9 =	vld [tilespmem:s0+$0xFFFFFD80];
	v15 =	vmul.f32 v24, v24  }
0x218: {  	v13 =	vadd.f32 v18, v13;
	v14 =	vadd.f32 v17, v14;
	v17 =	vmul.f32 v10, v10;
	v18 =	vld [tilespmem:s0+$0xFFFFFE10]  }
0x219: {  	v6 =	vadd.f32 v12, v6;
	v7 =	vadd.f32 v21, v7;
	v12 =	vld [tilespmem:s0+$0xFFFFFDA0];
	v21 =	vmul.f32 v23, v23  }
0x21a: {  	v10 =	vadd.f32 v10, v13;
	v13 =	vadd.f32 v17, v14;
	v14 =	vmul.f32 v8, v8;
	v17 =	vld [tilespmem:s0+$0xFFFFFE30]  }
0x21b: {  	v6 =	vadd.f32 v16, v6;
	v7 =	vadd.f32 v20, v7;
	v16 =	vld [tilespmem:s0+$0xFFFFFDC0];
	v20 =	vmul.f32 v19, v19  }
0x21c: {  	v8 =	vadd.f32 v8, v10;
	v10 =	vadd.f32 v14, v13;
	v13 =	vmul.f32 v9, v9;
	v14 =	vld [tilespmem:s0+$0xFFFFFE50]  }
0x21d: {  	v6 =	vadd.f32 v22, v6;
	v7 =	vadd.f32 v11, v7;
	v11 =	vld [tilespmem:s0+$0xFFFFFDE0];
	v22 =	vmul.f32 v18, v18  }
0x21e: {  	v8 =	vadd.f32 v9, v8;
	v9 =	vadd.f32 v13, v10;
	v10 =	vmul.f32 v12, v12;
	v13 =	vld [tilespmem:s0+$0xFFFFFE70]  }
0x21f: {  	v6 =	vadd.f32 v24, v6;
	v7 =	vadd.f32 v15, v7;
	v15 =	vld [tilespmem:s0+$0xFFFFFE00];
	v24 =	vmul.f32 v17, v17  }
0x220: {  	v8 =	vadd.f32 v12, v8;
	v9 =	vadd.f32 v10, v9;
	v10 =	vmul.f32 v16, v16;
	v12 =	vld [tilespmem:s0+$0xFFFFFE90]  }
0x221: {  	v6 =	vadd.f32 v23, v6;
	v7 =	vadd.f32 v21, v7;
	v21 =	vld [tilespmem:s0+$0xFFFFFE20];
	v23 =	vmul.f32 v14, v14  }
0x222: {  	v8 =	vadd.f32 v16, v8;
	v9 =	vadd.f32 v10, v9;
	v10 =	vmul.f32 v11, v11;
	v16 =	vld [tilespmem:s0+$0xFFFFFEB0]  }
0x223: {  	v6 =	vadd.f32 v19, v6;
	v7 =	vadd.f32 v20, v7;
	v19 =	vld [tilespmem:s0+$0xFFFFFE40];
	v20 =	vmul.f32 v13, v13  }
0x224: {  	v8 =	vadd.f32 v11, v8;
	v9 =	vadd.f32 v10, v9;
	v10 =	vmul.f32 v15, v15;
	v11 =	vld [tilespmem:s0+$0xFFFFFED0]  }
0x225: {  	v6 =	vadd.f32 v18, v6;
	v7 =	vadd.f32 v22, v7;
	v18 =	vld [tilespmem:s0+$0xFFFFFE60];
	v22 =	vmul.f32 v12, v12  }
0x226: {  	v8 =	vadd.f32 v15, v8;
	v9 =	vadd.f32 v10, v9;
	v10 =	vmul.f32 v21, v21;
	v15 =	vld [tilespmem:s0+$0xFFFFFEF0]  }
0x227: {  	v6 =	vadd.f32 v17, v6;
	v7 =	vadd.f32 v24, v7;
	v17 =	vld [tilespmem:s0+$0xFFFFFE80];
	v24 =	vmul.f32 v16, v16  }
0x228: {  	v8 =	vadd.f32 v21, v8;
	v9 =	vadd.f32 v10, v9;
	v10 =	vmul.f32 v19, v19;
	v21 =	vld [tilespmem:s0+$0xFFFFFF10]  }
0x229: {  	v6 =	vadd.f32 v14, v6;
	v7 =	vadd.f32 v23, v7;
	v14 =	vld [tilespmem:s0+$0xFFFFFEA0];
	v23 =	vmul.f32 v11, v11  }
0x22a: {  	v8 =	vadd.f32 v19, v8;
	v9 =	vadd.f32 v10, v9;
	v10 =	vmul.f32 v18, v18;
	v19 =	vld [tilespmem:s0+$0xFFFFFF30]  }
0x22b: {  	v6 =	vadd.f32 v13, v6;
	v7 =	vadd.f32 v20, v7;
	v13 =	vld [tilespmem:s0+$0xFFFFFEC0];
	v20 =	vmul.f32 v15, v15  }
0x22c: {  	v8 =	vadd.f32 v18, v8;
	v9 =	vadd.f32 v10, v9;
	v10 =	vmul.f32 v17, v17;
	v18 =	vld [tilespmem:s0+$0xFFFFFF50]  }
0x22d: {  	v6 =	vadd.f32 v12, v6;
	v7 =	vadd.f32 v22, v7;
	v12 =	vld [tilespmem:s0+$0xFFFFFEE0];
	v22 =	vmul.f32 v21, v21  }
0x22e: {  	v8 =	vadd.f32 v17, v8;
	v9 =	vadd.f32 v10, v9;
	v10 =	vmul.f32 v14, v14;
	v17 =	vld [tilespmem:s0+$0xFFFFFF70]  }
0x22f: {  	v6 =	vadd.f32 v16, v6;
	v7 =	vadd.f32 v24, v7;
	v16 =	vld [tilespmem:s0+$0xFFFFFF00];
	v24 =	vmul.f32 v19, v19  }
0x230: {  	v8 =	vadd.f32 v14, v8;
	v9 =	vadd.f32 v10, v9;
	v10 =	vmul.f32 v13, v13;
	v14 =	vld [tilespmem:s0+$0xFFFFFF90]  }
0x231: {  	v6 =	vadd.f32 v11, v6;
	v7 =	vadd.f32 v23, v7;
	v11 =	vld [tilespmem:s0+$0xFFFFFF20];
	v23 =	vmul.f32 v18, v18  }
0x232: {  	v8 =	vadd.f32 v13, v8;
	v9 =	vadd.f32 v10, v9;
	v10 =	vmul.f32 v12, v12;
	v13 =	vld [tilespmem:s0+$0xFFFFFFB0]  }
0x233: {  	v6 =	vadd.f32 v15, v6;
	v7 =	vadd.f32 v20, v7;
	v15 =	vld [tilespmem:s0+$0xFFFFFF40];
	v20 =	vmul.f32 v17, v17  }
0x234: {  	v8 =	vadd.f32 v12, v8;
	v9 =	vadd.f32 v10, v9;
	v10 =	vmul.f32 v16, v16;
	v12 =	vld [tilespmem:s0+$0xFFFFFFD0]  }
0x235: {  	v6 =	vadd.f32 v21, v6;
	v7 =	vadd.f32 v22, v7;
	v21 =	vld [tilespmem:s0+$0xFFFFFF60];
	v22 =	vmul.f32 v14, v14  }
0x236: {  	v8 =	vadd.f32 v16, v8;
	v9 =	vadd.f32 v10, v9;
	v10 =	vmul.f32 v11, v11;
	v16 =	vld [tilespmem:s0+$0xFFFFFFF0]  }
0x237: {  	v6 =	vadd.f32 v19, v6;
	v7 =	vadd.f32 v24, v7;
	v19 =	vld [tilespmem:s0+$0xFFFFFF80];
	v24 =	vmul.f32 v13, v13  }
0x238: {  	v8 =	vadd.f32 v11, v8;
	v9 =	vadd.f32 v10, v9;
	v10 =	vmul.f32 v15, v15;
	v11 =	vld [tilespmem:s0+$0x10]  }
0x239: {  	v6 =	vadd.f32 v18, v6;
	v7 =	vadd.f32 v23, v7;
	v18 =	vld [tilespmem:s0+$0xFFFFFFA0];
	v23 =	vmul.f32 v12, v12  }
0x23a: {  	v8 =	vadd.f32 v15, v8;
	v9 =	vadd.f32 v10, v9;
	v10 =	vmul.f32 v21, v21;
	v15 =	vld [tilespmem:s0+$0x30]  }
0x23b: {  	v6 =	vadd.f32 v17, v6;
	v7 =	vadd.f32 v20, v7;
	v17 =	vld [tilespmem:s0+$0xFFFFFFC0];
	v20 =	vmul.f32 v16, v16  }
0x23c: {  	v8 =	vadd.f32 v21, v8;
	v9 =	vadd.f32 v10, v9;
	v10 =	vmul.f32 v19, v19;
	v21 =	vld [tilespmem:s0+$0x50]  }
0x23d: {  	v6 =	vadd.f32 v14, v6;
	v7 =	vadd.f32 v22, v7;
	v14 =	vld [tilespmem:s0+$0xFFFFFFE0];
	v22 =	vmul.f32 v11, v11  }
0x23e: {  	v8 =	vadd.f32 v19, v8;
	v9 =	vadd.f32 v10, v9;
	v10 =	vmul.f32 v18, v18;
	v19 =	vld [tilespmem:s0+$0x70]  }
0x23f: {  	v6 =	vadd.f32 v13, v6;
	v7 =	vadd.f32 v24, v7;
	v13 =	vld [tilespmem:s0+$0x0];
	v24 =	vmul.f32 v15, v15  }
0x240: {  	v8 =	vadd.f32 v18, v8;
	v9 =	vadd.f32 v10, v9;
	v10 =	vmul.f32 v17, v17;
	v18 =	vld [tilespmem:s0+$0x90]  }
0x241: {  	v6 =	vadd.f32 v12, v6;
	v7 =	vadd.f32 v23, v7;
	v12 =	vld [tilespmem:s0+$0x20];
	v23 =	vmul.f32 v21, v21  }
0x242: {  	v8 =	vadd.f32 v17, v8;
	v9 =	vadd.f32 v10, v9;
	v10 =	vmul.f32 v14, v14;
	v17 =	vld [tilespmem:s0+$0xB0]  }
0x243: {  	v6 =	vadd.f32 v16, v6;
	v7 =	vadd.f32 v20, v7;
	v16 =	vld [tilespmem:s0+$0x40];
	v20 =	vmul.f32 v19, v19  }
0x244: {  	v8 =	vadd.f32 v14, v8;
	v9 =	vadd.f32 v10, v9;
	v10 =	vmul.f32 v13, v13;
	v14 =	vld [tilespmem:s0+$0xD0]  }
0x245: {  	v6 =	vadd.f32 v11, v6;
	v7 =	vadd.f32 v22, v7;
	v11 =	vld [tilespmem:s0+$0x60];
	v22 =	vmul.f32 v18, v18  }
0x246: {  	v8 =	vadd.f32 v13, v8;
	v9 =	vadd.f32 v10, v9;
	v10 =	vmul.f32 v12, v12;
	v13 =	vld [tilespmem:s0+$0xF0]  }
0x247: {  	v6 =	vadd.f32 v15, v6;
	v7 =	vadd.f32 v24, v7;
	v15 =	vld [tilespmem:s0+$0x80];
	v24 =	vmul.f32 v17, v17  }
0x248: {  	v8 =	vadd.f32 v12, v8;
	v9 =	vadd.f32 v10, v9;
	v10 =	vmul.f32 v16, v16;
	v12 =	vld [tilespmem:s0+$0x110]  }
0x249: {  	v6 =	vadd.f32 v21, v6;
	v7 =	vadd.f32 v23, v7;
	v21 =	vld [tilespmem:s0+$0xA0];
	v23 =	vmul.f32 v14, v14  }
0x24a: {  	v8 =	vadd.f32 v16, v8;
	v9 =	vadd.f32 v10, v9;
	v10 =	vmul.f32 v11, v11;
	v16 =	vld [tilespmem:s0+$0x130]  }
0x24b: {  	v6 =	vadd.f32 v19, v6;
	v7 =	vadd.f32 v20, v7;
	v19 =	vld [tilespmem:s0+$0xC0];
	v20 =	vmul.f32 v13, v13  }
0x24c: {  	v8 =	vadd.f32 v11, v8;
	v9 =	vadd.f32 v10, v9;
	v10 =	vmul.f32 v15, v15;
	v11 =	vld [tilespmem:s0+$0x150]  }
0x24d: {  	v6 =	vadd.f32 v18, v6;
	v7 =	vadd.f32 v22, v7;
	v18 =	vld [tilespmem:s0+$0xE0];
	v22 =	vmul.f32 v12, v12  }
0x24e: {  	v8 =	vadd.f32 v15, v8;
	v9 =	vadd.f32 v10, v9;
	v10 =	vmul.f32 v21, v21;
	v15 =	vld [tilespmem:s0+$0x170]  }
0x24f: {  	v6 =	vadd.f32 v17, v6;
	v7 =	vadd.f32 v24, v7;
	v17 =	vld [tilespmem:s0+$0x100];
	v24 =	vmul.f32 v16, v16  }
0x250: {  	v8 =	vadd.f32 v21, v8;
	v9 =	vadd.f32 v10, v9;
	v10 =	vmul.f32 v19, v19;
	v21 =	vld [tilespmem:s0+$0x190]  }
0x251: {  	v6 =	vadd.f32 v14, v6;
	v7 =	vadd.f32 v23, v7;
	v14 =	vld [tilespmem:s0+$0x120];
	v23 =	vmul.f32 v11, v11  }
0x252: {  	v8 =	vadd.f32 v19, v8;
	v9 =	vadd.f32 v10, v9;
	v10 =	vmul.f32 v18, v18;
	v19 =	vld [tilespmem:s0+$0x1B0]  }
0x253: {  	v6 =	vadd.f32 v13, v6;
	v7 =	vadd.f32 v20, v7;
	v13 =	vld [tilespmem:s0+$0x140];
	v20 =	vmul.f32 v15, v15  }
0x254: {  	v8 =	vadd.f32 v18, v8;
	v9 =	vadd.f32 v10, v9;
	v10 =	vmul.f32 v17, v17;
	v18 =	vld [tilespmem:s0+$0x1D0]  }
0x255: {  	v6 =	vadd.f32 v12, v6;
	v7 =	vadd.f32 v22, v7;
	v12 =	vld [tilespmem:s0+$0x160];
	v22 =	vmul.f32 v21, v21  }
0x256: {  	v8 =	vadd.f32 v17, v8;
	v9 =	vadd.f32 v10, v9;
	v10 =	vmul.f32 v14, v14;
	v17 =	vld [tilespmem:s0+$0x1F0]  }
0x257: {  	v6 =	vadd.f32 v16, v6;
	v7 =	vadd.f32 v24, v7;
	v16 =	vld [tilespmem:s0+$0x180];
	v24 =	vmul.f32 v19, v19  }
0x258: {  	v8 =	vadd.f32 v14, v8;
	v9 =	vadd.f32 v10, v9;
	v10 =	vmul.f32 v13, v13;
	v14 =	vld [tilespmem:s0+$0x210]  }
0x259: {  	v6 =	vadd.f32 v11, v6;
	v7 =	vadd.f32 v23, v7;
	v11 =	vld [tilespmem:s0+$0x1A0];
	v23 =	vmul.f32 v18, v18  }
0x25a: {  	v8 =	vadd.f32 v13, v8;
	v9 =	vadd.f32 v10, v9;
	v10 =	vmul.f32 v12, v12;
	v13 =	vld [tilespmem:s0+$0x230]  }
0x25b: {  	v6 =	vadd.f32 v15, v6;
	v7 =	vadd.f32 v20, v7;
	v15 =	vld [tilespmem:s0+$0x1C0];
	v20 =	vmul.f32 v17, v17  }
0x25c: {  	v8 =	vadd.f32 v12, v8;
	v9 =	vadd.f32 v10, v9;
	v10 =	vmul.f32 v16, v16;
	v12 =	vld [tilespmem:s0+$0x250]  }
0x25d: {  	v6 =	vadd.f32 v21, v6;
	v7 =	vadd.f32 v22, v7;
	v21 =	vld [tilespmem:s0+$0x1E0];
	v22 =	vmul.f32 v14, v14  }
0x25e: {  	v8 =	vadd.f32 v16, v8;
	v9 =	vadd.f32 v10, v9;
	v10 =	vmul.f32 v11, v11;
	v16 =	vld [tilespmem:s0+$0x270]  }
0x25f: {  	v6 =	vadd.f32 v19, v6;
	v7 =	vadd.f32 v24, v7;
	v19 =	vld [tilespmem:s0+$0x200];
	v24 =	vmul.f32 v13, v13  }
0x260: {  	v8 =	vadd.f32 v11, v8;
	v9 =	vadd.f32 v10, v9;
	v10 =	vmul.f32 v15, v15;
	v11 =	vld [tilespmem:s0+$0x290]  }
0x261: {  	v6 =	vadd.f32 v18, v6;
	v7 =	vadd.f32 v23, v7;
	v18 =	vld [tilespmem:s0+$0x220];
	v23 =	vmul.f32 v12, v12  }
0x262: {  	v8 =	vadd.f32 v15, v8;
	v9 =	vadd.f32 v10, v9;
	v10 =	vmul.f32 v21, v21;
	v15 =	vld [tilespmem:s0+$0x2B0]  }
0x263: {  	v6 =	vadd.f32 v17, v6;
	v7 =	vadd.f32 v20, v7;
	v17 =	vld [tilespmem:s0+$0x240];
	v20 =	vmul.f32 v16, v16  }
0x264: {  	v8 =	vadd.f32 v21, v8;
	v9 =	vadd.f32 v10, v9;
	v10 =	vmul.f32 v19, v19;
	v21 =	vld [tilespmem:s0+$0x2D0]  }
0x265: {  	v6 =	vadd.f32 v14, v6;
	v7 =	vadd.f32 v22, v7;
	v14 =	vld [tilespmem:s0+$0x260];
	v22 =	vmul.f32 v11, v11  }
0x266: {  	v8 =	vadd.f32 v19, v8;
	v9 =	vadd.f32 v10, v9;
	v10 =	vmul.f32 v18, v18;
	v19 =	vld [tilespmem:s0+$0x2F0]  }
0x267: {  	v6 =	vadd.f32 v13, v6;
	v7 =	vadd.f32 v24, v7;
	v13 =	vld [tilespmem:s0+$0x280];
	v24 =	vmul.f32 v15, v15  }
0x268: {  	v8 =	vadd.f32 v18, v8;
	v9 =	vadd.f32 v10, v9;
	v10 =	vmul.f32 v17, v17;
	v18 =	vld [tilespmem:s0+$0x310]  }
0x269: {  	v6 =	vadd.f32 v12, v6;
	v7 =	vadd.f32 v23, v7;
	v12 =	vld [tilespmem:s0+$0x2A0];
	v23 =	vmul.f32 v21, v21  }
0x26a: {  	v8 =	vadd.f32 v17, v8;
	v9 =	vadd.f32 v10, v9;
	v10 =	vmul.f32 v14, v14;
	v17 =	vld [tilespmem:s0+$0x330]  }
0x26b: {  	v6 =	vadd.f32 v16, v6;
	v7 =	vadd.f32 v20, v7;
	v16 =	vld [tilespmem:s0+$0x2C0];
	v20 =	vmul.f32 v19, v19  }
0x26c: {  	v8 =	vadd.f32 v14, v8;
	v9 =	vadd.f32 v10, v9;
	v10 =	vmul.f32 v13, v13  }
0x26d: {  	v6 =	vadd.f32 v11, v6;
	v11 =	vld [tilespmem:s0+$0x2E0];
	v14 =	vadd.f32 $0.0e+00, v18;
	v18 =	vmul.f32 v18, v18  }
0x26e: {  	v8 =	vadd.f32 v13, v8;
	v9 =	vadd.f32 v10, v9;
	v10 =	vmul.f32 v12, v12;
	v13 =	vld [tilespmem:s0+$0x320]  }
0x26f: {  	v7 =	vadd.f32 v22, v7;
	v6 =	vadd.f32 v15, v6;
	v15 =	vld [tilespmem:s0+$0x300];
	v22 =	vmul.f32 v17, v17  }
0x270: {  	v8 =	vadd.f32 v12, v8;
	v9 =	vadd.f32 v10, v9;
	v10 =	vmul.f32 v16, v16;
	v12 =	vld [tilespmem:s0+$0x340]  }
0x271: {  	v7 =	vadd.f32 v24, v7;
	v21 =	vadd.f32 v21, v6  }
0x272: {  	v8 =	vadd.f32 v16, v8;
	v9 =	vadd.f32 v10, v9;
	v10 =	vmul.f32 v11, v11  }
0x273: {  	v6 =	vadd.f32 v17, v14;
	v16 =	vadd.f32 $0.0e+00, v13  }
0x274: {  	v8 =	vadd.f32 v11, v8;
	v11 =	vadd.f32 v23, v7;
	v14 =	vmul.f32 v15, v15  }
0x275: {  	v10 =	vadd.f32 v10, v9;
	v7 =	vadd.f32 v12, v16  }
0x276: {  	v13 =	vmul.f32 v13, v13;
	v8 =	vadd.f32 v15, v8;
	v11 =	vadd.f32 v20, v11  }
0x277: {  	v9 =	vadd.f32 v19, v21;
	v10 =	vadd.f32 v14, v10;
	v14 =	vld [tilespmem:s1+$0x0]  }
0x278: {  	v12 =	vmul.f32 v12, v12;
	v11 =	vadd.f32 v18, v11;
	v15 =	vadd.f32 v7, v8;
	v16 =	vld [tilespmem:s1+$0x10]  }
0x279: {  	v10 =	vadd.f32 v13, v10;
	v13 =	vadd.f32 v6, v9;
	v17 =	vld [tilespmem:s1+$0xFFFFFFE0]  }
0x27a: {  	v15 =	vmul.f32 v15, v15;
	v18 =	vld [tilespmem:s1+$0xFFFFFFF0]  }
0x27b: {  	v11 =	vadd.f32 v22, v11;
	v10 =	vadd.f32 v12, v10;
	v12 =	vmul.f32 v13, v13;
	_ =	sdelay $0x1  }
0x27c: {  	v11 =	vsub.f32 v12, v11;
	v10 =	vsub.f32 v15, v10;
	v12 =	vnsel vm0, $0x0, v16  }
0x27d: {  	v12 =	vadd.f32 v12, v14  }
0x27e: {  	v10 =	vadd.f32 v10, v11;
	v11 =	vadd.f32 v18, v17;
	_ =	sdelay $0x1  }
0x27f: {  	v10 =	vmul.f32 $5.000000000e-01, v10;
	v11 =	vadd.f32 v12, v11;
	_ =	sdelay $0x1  }
0x280: {  	v10 =	vadd.f32 v11, v10;
	_ =	sdelay $0x1  }
0x281: {  	v11 =	vperm.xlane v10, v0;
	_ =	sdelay $0x1  }
0x282: {  	v10 =	vadd.f32 v10, v11;
	_ =	sdelay $0x1  }
0x283: {  	v11 =	vperm.xlane v10, v1;
	_ =	sdelay $0x1  }
0x284: {  	v10 =	vadd.f32 v10, v11;
	_ =	sdelay $0x1  }
0x285: {  	v11 =	vperm.xlane v10, v2;
	_ =	sdelay $0x1  }
0x286: {  	v10 =	vadd.f32 v10, v11;
	_ =	sdelay $0x1  }
0x287: {  	v11 =	vperm.xlane v10, v3  }
.Ltmp1:
0x288: {  	s19 =	sand.u32 $0xF, s19;
	(pc) =	sbr.rel @p0 .LBB2_5-.Ltmp1, $4  }
0x289: {  	v10 =	vadd.f32 v10, v11;
	v11 =	vmov s19  }
0x28a: {  	vm1 =	veq.s32 v11, v4  }
0x28b: {  	p1 =	sne.s32 s19, $0xF;
	v5 =	vsel vm1, v10, v5  }
0x28c: {  	s11 =	sadd.s32 $0x20, s11;
	s12 =	sadd.s32 $0x20, s12;
	[tilespmem:s15+$0x0] =	vst @!p1 v5;
	s15 =	sadd.s32 $0x1, s15  }
0x28d: {  	[tilespmem:s20+$0x0] =	vst v8  }
0x28e: {  	[tilespmem:s20+$0xFFFFFFF0] =	vst v9  }
0x28f: {  	[tilespmem:s16+$0xFFFFFFF0] =	vst v6  }
0x290: {  	[tilespmem:s16+$0x0] =	vst v7  }
0x291: {  	v5 =	vld [tilespmem:$0x1CAE0]  }
0x292: {  	v6 =	vld [tilespmem:$0x1CAC0];
	_ =	sdelay $0x4  }
0x293: {  	v6 =	vadd.f32 v6, v5;
	_ =	sdelay $0x1  }
0x294: {  	v6 =	vsub.f32 $0.0e+00, v6;
	_ =	sdelay $0x1  }
0x295: {  	v6 =	vmul.f32 $1.442695020e+00, v6;
	_ =	sdelay $0x1  }
0x296: {  	(erf) = vpow2.f32 v6;
	_ =	sdelay $0x1  }
0x297: {  	v6 =	vld [tilespmem:$0x1CAD0];
	_ =	sdelay $0x4  }
0x298: {  	v5 =	vadd.f32 v6, v5;
	_ =	sdelay $0x1  }
0x299: {  	v5 =	vsub.f32 $0.0e+00, v5;
	v6 =	vpop (erf)  }
0x29a: {  	v6 =	vadd.f32 $1.000000000e+00, v6  }
0x29b: {  	v5 =	vmul.f32 $1.442695020e+00, v5  }
0x29c: {  	(erf) = vrcp.f32 v6  }
0x29d: {  	(erf) = vpow2.f32 v5;
	_ =	sdelay $0x7  }
0x29e: {  	v5 =	vpop (erf)  }
0x29f: {  	v6 =	vpop (erf)  }
0x2a0: {  	v6 =	vadd.f32 $1.000000000e+00, v6;
	_ =	sdelay $0x1  }
0x2a1: {  	(erf) = vrcp.f32 v6;
	_ =	sdelay $0x6  }
0x2a2: {  	s0 =	sor.u32 $0x20, s3  }
0x2a3: {  	s1 =	sshll.u32 s0, $0x2  }
0x2a4: {  	s1 =	sand.u32 $0x1FFFFF80, s1;
	[tilespmem:$0x1CAA0] =	vst v5;
	v5 =	vpop (erf)  }
0x2a5: {  	s21 =	sadd.s32 s4, s1;
	[tilespmem:$0x1CAB0] =	vst v5  }
0x2a6: {  	[hbm4b:s21+s5] =	stream.linear.scatter [tilespmem:s26], [sflag:$0x5], $0x400, $0x38;
	[tilespmem:$0x1CAF0] =	vst v63  }
0x2a7: {  	_ =	swait.ge [sflag:s17], $0x400  }
0x2a8: {  	[sflag:s17] =	ssyncset.done $0x0  }
0x2a9: {  	s1 =	sadd.s32 s9, s1;
	[sflag:s17] =	ssyncadd.s32 $0xFFFFFC00  }
0x2aa: {  	[hbm4b:s1+s5] =	stream.linear.scatter [tilespmem:s28], [sflag:$0x5], $0x400, $0x38;
	[tilespmem:$0x1CAF0] =	vst v63  }
0x2ab: {  	s31 =	sadd.s32 $0x1, s31;
	_ =	swait.ge [sflag:s17], $0x400  }
0x2ac: {  	s0 =	sshrl.u32 s0, $0x3;
	p0 =	sne.s32 s31, $0x8;
	[sflag:s17] =	ssyncset.done $0x0  }
.Ltmp2:
0x2ad: {  	s0 =	sadd.s32 s2, s0;
	[sflag:s17] =	ssyncadd.s32 $0xFFFFFC00;
	(pc) =	sbr.rel @p0 .LBB2_2-.Ltmp2, $4  }
0x2ae: {  	[hbm4b:s0+s5] =	stream.linear.scatter [tilespmem:s29], [sflag:$0x5], $0x20, $0x38;
	[tilespmem:$0x1CAF0] =	vst v63  }
0x2af: {  	_ =	swait.ge [sflag:s17], $0x20  }
0x2b0: {  	[sflag:s17] =	ssyncset.done $0x0  }
0x2b1: {  	[sflag:s17] =	ssyncadd.s32 $0xFFFFFFE0  }
0x2b2: {  	s30 =	sadd.s32 $0x1, s30;
	s0 =	rddreg [dreg:$0x7]  }
0x2b3: {  	p0 =	sne.s32 s30, s0  }
.Ltmp3:
0x2b4: {  	_ = 	snop;
	(pc) =	sbr.rel @p0 .LBB2_1-.Ltmp3, $1  }
0x2b5: {  	_ =	sdelay $0x3  }
0x2b6: {  	_ =	sfence.sel $0x180000  }
0x2b7: {  	[bflag:$0x0] =	sbarrier.arrive $0xFFFF  }
0x2b8: {  	_ =	strace $0x90000047  }
0x2b9: {  	s0 =	stileid.u32;
	[bflag:$0x2] =	sbarrier.arrive $0xFFFF  }
0x2ba: {  	p0 =	sne.s32 s0, $0x0;
	s0 =	rddreg [dreg:$0x4]  }
0x2bb: {  	s0 =	sadd.s32 @!p0 $0x100000, s0  }
0x2bc: {  	[sflag:s0] =	ssyncadd.tile.s32 @!p0 $0x1;
	_ =	shalt  }
.Lfunc_end2:
_tile_overlayer_lowered:
.L_overlay_start_2:
0x2bd: {  	(tag) =	ssettag $0x2  }
0x2be: {  	s0 =	rddreg [dreg:$0x0];
	s2 =	stileid.u32  }
0x2bf: {  	s1 =	rddreg [dreg:$0x1];
	p0 =	sne.s32 s2, $0x0  }
0x2c0: {  	s3 =	rddreg [dreg:$0x2];
	[bflag:$0x3] =	sbarrier.arrive $0xFFFF;
	s2 =	simm.s32 @!p0 $0x1C05  }
0x2c1: {  	[timem:s3], [sflag:s2] =	dma.local @!p0 [hbm:s0], s1  }
0x2c2: {  	s0 =	simm.s32 @!p0 $0x5  }
0x2c3: {  	_ =	swait.ge @!p0 [sflag:s0], s1  }
0x2c4: {  	s1 =	ssub.s32 @!p0 $0x0, s1;
	[sflag:s0] =	ssyncset.done @!p0 $0x0  }
0x2c5: {  	[sflag:s0] =	ssyncadd.s32 @!p0 s1  }
0x2c6: {  	[bflag:$0x3] =	sbarrier.arrive $0xFFFF  }
0x2c7: {  	_ =	shalt  }

</sc_bundles>
